<compile_context>
chip_gen: v7x
topology: tpu7x:2x2x1
jax: 0.10.2.dev20260603
libtpu: 0.0.44.dev20260713+nightly
codegen_flags: <defaults>
</compile_context>

<pallas_src>
import jax
import jax.numpy as jnp
from jax import lax
from jax.experimental import pallas as pl
from jax.experimental.pallas import tpu as pltpu
from jax.experimental.pallas import tpu_sc as plsc

N = 10000
E = 320000
G = 16
CAT = 32
F = 64

NC = 2
NS = 16
NW = NC * NS
EPW = E // NW
CHUNK = 80
NCHUNK = EPW // CHUNK
NBUF = 5
NP = 10240
RPT = NP // NS
GB = 1024

_SC_MESH = plsc.VectorSubcoreMesh(
    core_axis_name="c", subcore_axis_name="s", num_cores=NC, num_subcores=NS)
_SC_PARAMS = pltpu.CompilerParams(use_tc_tiling_on_sc=False,
                                  needs_layout_passes=False)


def _stage_dst_rows(dst_hbm, dst_v, isem, base):
    def fire(j, carry):
        off = pl.multiple_of(base + j * CHUNK, 8)
        pltpu.async_copy(dst_hbm.at[pl.ds(off, CHUNK)], dst_v.at[j], isem)
        return carry

    lax.fori_loop(0, NCHUNK, fire, 0)


def _drain_dst_rows(dst_hbm, dst_v, isem):
    def drain(j, carry):
        pltpu.make_async_copy(
            dst_hbm.at[pl.ds(0, CHUNK)], dst_v.at[0], isem).wait()
        return carry

    lax.fori_loop(0, NCHUNK, drain, 0)


def _deg_body(dst_hbm, zeros_hbm, ones_hbm, out_hbm, dst_v, ones_v, deg_sh,
              degrow_v, cmp_v, isem, dsem):
    cid = lax.axis_index("c")
    sid = lax.axis_index("s")
    wid = cid * NS + sid
    _stage_dst_rows(dst_hbm, dst_v, isem, wid * EPW)
    pltpu.sync_copy(ones_hbm, ones_v)
    pltpu.sync_copy(zeros_hbm.at[pl.ds(sid * RPT, RPT)],
                    deg_sh.at[pl.ds(sid * RPT, RPT)])
    _drain_dst_rows(dst_hbm, dst_v, isem)
    plsc.subcore_barrier()

    def body(j, carry):
        pltpu.async_copy(ones_v, deg_sh.at[dst_v.at[j]], dsem, add=True)
        return carry

    lax.fori_loop(0, NCHUNK, body, 0)

    def drain(j, carry):
        pltpu.make_async_copy(ones_v, deg_sh.at[dst_v.at[0]], dsem).wait()
        return carry

    lax.fori_loop(0, NCHUNK, drain, 0)
    plsc.subcore_barrier()
    pltpu.sync_copy(deg_sh.at[pl.ds(sid * RPT, RPT)], degrow_v)
    col0 = jnp.zeros((16,), jnp.int32)
    lanes = lax.iota(jnp.int32, 16)

    def compact(k, carry):
        rows = k * 16 + lanes
        vals = plsc.load_gather(degrow_v, [rows, col0])
        cmp_v[pl.ds(pl.multiple_of(k * 16, 8), 16)] = vals
        return carry

    lax.fori_loop(0, RPT // 16, compact, 0)
    pltpu.sync_copy(cmp_v, out_hbm.at[cid, 0, pl.ds(sid * RPT, RPT)])


_deg_kernel = pl.kernel(
    _deg_body,
    out_type=jax.ShapeDtypeStruct((NC, 1, NP), jnp.float32),
    mesh=_SC_MESH,
    compiler_params=_SC_PARAMS,
    scratch_types=[
        pltpu.VMEM((NCHUNK, CHUNK), jnp.int32),
        pltpu.VMEM((CHUNK, 16), jnp.float32),
        pltpu.VMEM_SHARED((NP, 16), jnp.float32),
        pltpu.VMEM((RPT, 16), jnp.float32),
        pltpu.VMEM((RPT,), jnp.float32),
        pltpu.SemaphoreType.DMA,
        pltpu.SemaphoreType.DMA,
    ],
)


def _agg_body(y_hbm, src_hbm, dst_hbm, out_hbm, src_v, dst_v, rows_v, acc_sh,
              isem, sems):
    cid = lax.axis_index("c")
    sid = lax.axis_index("s")
    wid = cid * NS + sid
    base = wid * EPW
    pltpu.sync_copy(src_hbm.at[pl.ds(base, EPW)], src_v)
    _stage_dst_rows(dst_hbm, dst_v, isem, base)
    for b in range(NBUF):
        pltpu.async_copy(
            y_hbm.at[src_v.at[pl.ds(b * CHUNK, CHUNK)]], rows_v.at[b],
            sems.at[b])
    pltpu.sync_copy(y_hbm.at[pl.ds(sid * RPT, RPT)],
                    acc_sh.at[pl.ds(sid * RPT, RPT)])
    _drain_dst_rows(dst_hbm, dst_v, isem)
    plsc.subcore_barrier()

    def group(g, carry):
        for b in range(NBUF):
            jj = g * NBUF + b
            off = pl.multiple_of(jj * CHUNK, 8)
            pltpu.make_async_copy(
                y_hbm.at[src_v.at[pl.ds(off, CHUNK)]], rows_v.at[b],
                sems.at[b]).wait()
            pltpu.sync_copy(rows_v.at[b], acc_sh.at[dst_v.at[jj]], add=True)
            nxt = jj + NBUF

            @pl.when(nxt < NCHUNK)
            def _():
                noff = pl.multiple_of(nxt * CHUNK, 8)
                pltpu.async_copy(
                    y_hbm.at[src_v.at[pl.ds(noff, CHUNK)]], rows_v.at[b],
                    sems.at[b])
        return carry

    lax.fori_loop(0, NCHUNK // NBUF, group, 0)
    plsc.subcore_barrier()
    pltpu.sync_copy(acc_sh.at[pl.ds(sid * RPT, RPT)],
                    out_hbm.at[cid, pl.ds(sid * RPT, RPT)])


_agg_kernel = pl.kernel(
    _agg_body,
    out_type=jax.ShapeDtypeStruct((NC, NP, F), jnp.float32),
    mesh=_SC_MESH,
    compiler_params=_SC_PARAMS,
    scratch_types=[
        pltpu.VMEM((EPW,), jnp.int32),
        pltpu.VMEM((NCHUNK, CHUNK), jnp.int32),
        pltpu.VMEM((NBUF, CHUNK, F), jnp.float32),
        pltpu.VMEM_SHARED((NP, F), jnp.float32),
        pltpu.SemaphoreType.DMA,
        pltpu.SemaphoreType.DMA((NBUF,)),
    ],
)


def _split_body(ei_ref, src_ref, dst_ref):
    v = ei_ref[...]
    src_ref[...] = v[0]
    dst_ref[...] = v[1]


_split = pl.pallas_call(
    _split_body,
    out_shape=(jax.ShapeDtypeStruct((E,), jnp.int32),
               jax.ShapeDtypeStruct((E,), jnp.int32)),
)


def _mmT(a, w):
    return lax.dot_general(a, w, (((1,), (1,)), ((), ())),
                           preferred_element_type=jnp.float32)


def _dinv_col(deg_ref, rows):
    deg = deg_ref[0, 0:1, :rows] + deg_ref[1, 0:1, :rows] + 1.0
    return lax.transpose(lax.rsqrt(deg), (1, 0))


def _elu(h):
    neg = jnp.where(h > 0, 0.0, h)
    return jnp.where(h > 0, h, jnp.exp(neg) - 1.0)


def _front_body(x_ref, deg_ref, Wc_ref, bc_ref, Wi_ref, bi_ref, W1_ref,
                y_ref):
    dinv = _dinv_col(deg_ref, N)
    x = x_ref[...]
    s = jnp.maximum(_mmT(x[:, :CAT], Wc_ref[...]) + bc_ref[...], 0.0)
    h = (_mmT(x[:, CAT:], Wi_ref[...][:, :-CAT])
         + _mmT(s, Wi_ref[...][:, -CAT:]) + bi_ref[...])
    h = jnp.maximum(h, 0.0)
    y_ref[:N] = dinv * _mmT(h, W1_ref[...])
    y_ref[N:] = jnp.zeros((NP - N, F), jnp.float32)


_front = pl.pallas_call(
    _front_body,
    out_shape=jax.ShapeDtypeStruct((NP, F), jnp.float32),
)


def _mid_body(deg_ref, acc_ref, y_ref, b1_ref, W2_ref, out_ref):
    i = pl.program_id(0)
    dinv = _dinv_col(deg_ref, GB)
    agg = acc_ref[0] + acc_ref[1] - y_ref[...]
    h = _elu(dinv * agg + b1_ref[...])
    val = dinv * _mmT(h, W2_ref[...])
    rid = i * GB + lax.broadcasted_iota(jnp.int32, (GB, 1), 0)
    out_ref[...] = jnp.where(rid < N, val, 0.0)


_mid = pl.pallas_call(
    _mid_body,
    grid=(NP // GB,),
    in_specs=[
        pl.BlockSpec((2, 1, GB), lambda i: (0, 0, i)),
        pl.BlockSpec((2, GB, F), lambda i: (0, i, 0)),
        pl.BlockSpec((GB, F), lambda i: (i, 0)),
        pl.BlockSpec((1, F), lambda i: (0, 0)),
        pl.BlockSpec((F, F), lambda i: (0, 0)),
    ],
    out_specs=pl.BlockSpec((GB, F), lambda i: (i, 0)),
    out_shape=jax.ShapeDtypeStruct((NP, F), jnp.float32),
)


def _back_body(deg_ref, acc_ref, y_ref, batch_ref, b2_ref, Wo_ref, bo_ref,
               out_ref):
    dinv = _dinv_col(deg_ref, N)
    agg = acc_ref[0, :N] + acc_ref[1, :N] - y_ref[:N]
    h = _elu(dinv * agg + b2_ref[...])
    bcol = lax.transpose(batch_ref[...], (1, 0))
    onehot = (bcol ==
              lax.broadcasted_iota(jnp.int32, (1, G), 1)).astype(jnp.float32)
    pooled = lax.dot_general(onehot, h, (((0,), (0,)), ((), ())),
                             preferred_element_type=jnp.float32)
    cnt = lax.dot_general(onehot, jnp.ones((N, 1), jnp.float32),
                          (((0,), (0,)), ((), ())),
                          preferred_element_type=jnp.float32)
    pooled = pooled / jnp.maximum(cnt, 1.0)
    out_ref[...] = _mmT(pooled, Wo_ref[...]) + bo_ref[...]


_back = pl.pallas_call(
    _back_body,
    out_shape=jax.ShapeDtypeStruct((G, F), jnp.float32),
)


def kernel(x, edge_index, batch, Wc, bc, Wi, bi, W1, b1, W2, b2, Wo, bo):
    ei = edge_index.astype(jnp.int32)
    zeros16 = jnp.zeros((NP, 16), jnp.float32)
    ones16 = jnp.ones((CHUNK, 16), jnp.float32)

    src1, dst1 = _split(ei)
    degs = _deg_kernel(dst1, zeros16, ones16)
    y1 = _front(x, degs, Wc, bc.reshape(1, -1), Wi, bi.reshape(1, -1), W1)
    acc1 = _agg_kernel(y1, src1, dst1)
    y2 = _mid(degs, acc1, y1, b1.reshape(1, -1), W2)
    acc2 = _agg_kernel(y2, src1, dst1)
    return _back(degs, acc2, y2, batch.astype(jnp.int32).reshape(1, N),
                 b2.reshape(1, -1), Wo, bo.reshape(1, -1))

# --- scband reference (transcript-rebuilt; emitter-appended) ---
"""Pipeline reference for scband-scene-graph-embedding-56822417326514 (READ-ONLY COPY).

The authoritative reference and input builder live on the scoring server;
editing this copy changes nothing except your own understanding.
"""

import jax, jax.numpy as jnp
import numpy as np

N = 10000
E = 320000
NUM_GRAPHS = 16
CAT_DIM = 32
HID_CAT = 32
CONT_DIM = 96
HID = 64
OUT = 64


def gcn_conv(x, edge_index, W, b):
    # Faithful PyG GCNConv: add self-loops, symmetric normalization, scatter-add aggregation
    n = x.shape[0]
    loop = jnp.arange(n, dtype=edge_index.dtype)
    src = jnp.concatenate([edge_index[0], loop])
    dst = jnp.concatenate([edge_index[1], loop])
    xw = x @ W.T
    deg = jnp.zeros((n,), x.dtype).at[dst].add(1.0)
    dinv = jnp.where(deg > 0, 1.0 / jnp.sqrt(deg), 0.0)
    norm = dinv[src] * dinv[dst]
    msg = norm[:, None] * xw[src]
    out = jnp.zeros_like(xw).at[dst].add(msg)
    return out + b


def _lin_init(k, o, i):
    kw, kb = jax.random.split(k)
    s = 1.0 / np.sqrt(i)
    W = jax.random.uniform(kw, (o, i), jnp.float32, -s, s)
    b = jax.random.uniform(kb, (o,), jnp.float32, -s, s)
    return W, b


def setup_inputs(seed: int = 0):
    key = jax.random.key(seed)
    ks = jax.random.split(key, 8)
    x = jax.random.normal(ks[0], (N, CAT_DIM + CONT_DIM), jnp.float32)
    edge_index = jax.random.randint(ks[1], (2, E), 0, N)
    batch = jnp.sort(jax.random.randint(ks[2], (N,), 0, NUM_GRAPHS))
    Wc, bc = _lin_init(ks[3], HID_CAT, CAT_DIM)
    Wi, bi = _lin_init(ks[4], HID, CONT_DIM + HID_CAT)
    W1, b1 = _lin_init(ks[5], HID, HID)
    W2, b2 = _lin_init(ks[6], HID, HID)
    Wo, bo = _lin_init(ks[7], OUT, HID)
    return {"x": x, "edge_index": edge_index, "batch": batch,
            "Wc": Wc, "bc": bc, "Wi": Wi, "bi": bi,
            "W1": W1, "b1": b1, "W2": W2, "b2": b2,
            "Wo": Wo, "bo": bo}


def reference(x, edge_index, batch, Wc, bc, Wi, bi, W1, b1, W2, b2, Wo, bo):
    # ego_index = argmax(x.T[0]) is only used when pool=False; pool=True here
    s = x[:, :CAT_DIM]
    xc = x[:, CAT_DIM:]
    s = jax.nn.relu(s @ Wc.T + bc)
    h = jnp.concatenate([xc, s], axis=1)
    h = jax.nn.relu(h @ Wi.T + bi)
    h = jax.nn.elu(gcn_conv(h, edge_index, W1, b1))
    h = jax.nn.elu(gcn_conv(h, edge_index, W2, b2))
    summed = jax.ops.segment_sum(h, batch, num_segments=NUM_GRAPHS)
    counts = jax.ops.segment_sum(jnp.ones((h.shape[0],), h.dtype), batch, num_segments=NUM_GRAPHS)
    pooled = summed / jnp.maximum(counts, 1.0)[:, None]
    return pooled @ Wo.T + bo

if __name__ == "__main__":
    import jax
    _d = setup_inputs()
    print(jax.jit(kernel)(*tuple(_d.values())))

</pallas_src>

<mosaic_0001>
#map = affine_map<(d0, d1) -> (0)>
#map1 = affine_map<(d0, d1) -> (0, 0)>
#map2 = affine_map<(d0, d1) -> (0, 0, 0)>
module attributes {stable_mosaic.version = 14 : i64} {
  func.func @_deg_body(%arg0: i32, %arg1: i32, %arg2: memref<320000xi32, #tpu.memory_space<hbm>>, %arg3: memref<10240x16xf32, #tpu.memory_space<hbm>>, %arg4: memref<80x16xf32, #tpu.memory_space<hbm>>, %arg5: memref<2x1x10240xf32, #tpu.memory_space<hbm>>, %arg6: memref<125x80xi32, #tpu.memory_space<vmem>>, %arg7: memref<80x16xf32, #tpu.memory_space<vmem>>, %arg8: memref<10240x16xf32, #tpu.memory_space<vmem_shared>>, %arg9: memref<640x16xf32, #tpu.memory_space<vmem>>, %arg10: memref<640xf32, #tpu.memory_space<vmem>>, %arg11: memref<!tpu.dma_semaphore, #tpu.memory_space<semaphore_mem>>, %arg12: memref<!tpu.dma_semaphore, #tpu.memory_space<semaphore_mem>>) attributes {dimension_semantics = [#tpu.dimension_semantics<core_parallel>, #tpu.dimension_semantics<subcore_parallel>], iteration_bounds = array<i64: 2, 16>, scalar_prefetch = 0 : i64, scratch_operands = 7 : i64, tpu.core_type = #tpu.core_type<sc_vector_subcore>, window_params = [{transform_indices = #map}, {transform_indices = #map1}, {transform_indices = #map1}, {transform_indices = #map2}]} {
    %mul3A = arith.constant 16 : i32
    %mul3A_0 = arith.muli %arg0, %mul3A : i32
    %add3A = arith.addi %mul3A_0, %arg1 : i32
    %mul3A_1 = arith.constant 10000 : i32
    %mul3A_2 = arith.muli %add3A, %mul3A_1 : i32
    %scan3A = arith.constant 0 : i32
    %scan3A_3 = arith.constant 0 : i32
    %scan3A_4 = arith.constant 125 : i32
    %scan3A_5 = arith.addi %scan3A_3, %scan3A_4 : i32
    %scan3A_6 = arith.constant 1 : i32
    scf.for %scan3A_42 = %scan3A_3 to %scan3A_5 step %scan3A_6  : i32 {
      %mul3A_43 = arith.constant 80 : i32
      %mul3A_44 = arith.muli %scan3A_42, %mul3A_43 : i32
      %add3A_45 = arith.addi %mul3A_2, %mul3A_44 : i32
      %multiple_of3A = tpu.assume_multiple %add3A_45, 8 : i32
      %dma_start3A = arith.constant 0 : i32
      %dma_start3A_46 = tpu.memref_slice %arg6[%scan3A_42, %dma_start3A] : memref<125x80xi32, #tpu.memory_space<vmem>> -> memref<1x80xi32, #tpu.memory_space<vmem>>
      %dma_start3A_47 = tpu.memref_squeeze %dma_start3A_46 : memref<1x80xi32, #tpu.memory_space<vmem>> -> memref<80xi32, #tpu.memory_space<vmem>>
      %dma_start3A_48 = tpu.memref_slice %arg2[%multiple_of3A] : memref<320000xi32, #tpu.memory_space<hbm>> -> memref<80xi32, #tpu.memory_space<hbm>>
      %dma_start3A_49 = arith.constant 0 : i32
      %dma_start3A_50 = tpu.memref_slice %arg6[%scan3A_42, %dma_start3A_49] : memref<125x80xi32, #tpu.memory_space<vmem>> -> memref<1x80xi32, #tpu.memory_space<vmem>>
      %dma_start3A_51 = tpu.memref_squeeze %dma_start3A_50 : memref<1x80xi32, #tpu.memory_space<vmem>> -> memref<80xi32, #tpu.memory_space<vmem>>
      %dma_start3A_52 = tpu.memref_slice %arg2[%multiple_of3A] : memref<320000xi32, #tpu.memory_space<hbm>> -> memref<80xi32, #tpu.memory_space<hbm>>
      tpu.enqueue_dma source(%dma_start3A_52 : memref<80xi32, #tpu.memory_space<hbm>>) target(%dma_start3A_51 : memref<80xi32, #tpu.memory_space<vmem>>) target_semaphore(%arg11 : memref<!tpu.dma_semaphore, #tpu.memory_space<semaphore_mem>>)
    }
    %scan3A_7 = arith.constant 125 : i32
    "tpu.region"() ({
      %run_scoped3A_42 = tpu.sem_alloc : memref<!tpu.dma_semaphore, #tpu.memory_space<semaphore_mem>>
      tpu.enqueue_dma source(%arg4 : memref<80x16xf32, #tpu.memory_space<hbm>>) target(%arg7 : memref<80x16xf32, #tpu.memory_space<vmem>>) target_semaphore(%run_scoped3A_42 : memref<!tpu.dma_semaphore, #tpu.memory_space<semaphore_mem>>)
      tpu.wait_dma2 semaphore(%run_scoped3A_42 : memref<!tpu.dma_semaphore, #tpu.memory_space<semaphore_mem>>) src(%arg4 : memref<80x16xf32, #tpu.memory_space<hbm>>) dst(%arg7 : memref<80x16xf32, #tpu.memory_space<vmem>>)
      tpu.yield
    }) : () -> ()
    %mul3A_8 = arith.constant 640 : i32
    %mul3A_9 = arith.muli %arg1, %mul3A_8 : i32
    %mul3A_10 = arith.constant 640 : i32
    %mul3A_11 = arith.muli %arg1, %mul3A_10 : i32
    "tpu.region"() ({
      %run_scoped3A_42 = tpu.sem_alloc : memref<!tpu.dma_semaphore, #tpu.memory_space<semaphore_mem>>
      %dma_start3A = arith.constant 0 : i32
      %dma_start3A_43 = tpu.memref_slice %arg8[%mul3A_11, %dma_start3A] : memref<10240x16xf32, #tpu.memory_space<vmem_shared>> -> memref<640x16xf32, #tpu.memory_space<vmem_shared>>
      %dma_start3A_44 = arith.constant 0 : i32
      %dma_start3A_45 = tpu.memref_slice %arg3[%mul3A_9, %dma_start3A_44] : memref<10240x16xf32, #tpu.memory_space<hbm>> -> memref<640x16xf32, #tpu.memory_space<hbm>>
      tpu.enqueue_dma source(%dma_start3A_45 : memref<640x16xf32, #tpu.memory_space<hbm>>) target(%dma_start3A_43 : memref<640x16xf32, #tpu.memory_space<vmem_shared>>) target_semaphore(%run_scoped3A_42 : memref<!tpu.dma_semaphore, #tpu.memory_space<semaphore_mem>>)
      %dma_wait3A = arith.constant 0 : i32
      %dma_wait3A_46 = tpu.memref_slice %arg8[%mul3A_11, %dma_wait3A] : memref<10240x16xf32, #tpu.memory_space<vmem_shared>> -> memref<640x16xf32, #tpu.memory_space<vmem_shared>>
      %dma_wait3A_47 = arith.constant 0 : i32
      %dma_wait3A_48 = tpu.memref_slice %arg3[%mul3A_9, %dma_wait3A_47] : memref<10240x16xf32, #tpu.memory_space<hbm>> -> memref<640x16xf32, #tpu.memory_space<hbm>>
      tpu.wait_dma2 semaphore(%run_scoped3A_42 : memref<!tpu.dma_semaphore, #tpu.memory_space<semaphore_mem>>) src(%dma_wait3A_48 : memref<640x16xf32, #tpu.memory_space<hbm>>) dst(%dma_wait3A_46 : memref<640x16xf32, #tpu.memory_space<vmem_shared>>)
      tpu.yield
    }) : () -> ()
    %scan3A_12 = arith.constant 0 : i32
    %scan3A_13 = arith.constant 0 : i32
    %scan3A_14 = arith.constant 125 : i32
    %scan3A_15 = arith.addi %scan3A_13, %scan3A_14 : i32
    %scan3A_16 = arith.constant 1 : i32
    scf.for %scan3A_42 = %scan3A_13 to %scan3A_15 step %scan3A_16  : i32 {
      %dma_wait3A = arith.constant 0 : i32
      %dma_wait3A_43 = arith.constant 0 : i32
      %dma_wait3A_44 = tpu.memref_slice %arg6[%dma_wait3A, %dma_wait3A_43] : memref<125x80xi32, #tpu.memory_space<vmem>> -> memref<1x80xi32, #tpu.memory_space<vmem>>
      %dma_wait3A_45 = tpu.memref_squeeze %dma_wait3A_44 : memref<1x80xi32, #tpu.memory_space<vmem>> -> memref<80xi32, #tpu.memory_space<vmem>>
      %dma_wait3A_46 = arith.constant 0 : i32
      %dma_wait3A_47 = tpu.memref_slice %arg2[%dma_wait3A_46] : memref<320000xi32, #tpu.memory_space<hbm>> -> memref<80xi32, #tpu.memory_space<hbm>>
      %dma_wait3A_48 = arith.constant 0 : i32
      %dma_wait3A_49 = tpu.memref_slice %arg6[%dma_wait3A, %dma_wait3A_48] : memref<125x80xi32, #tpu.memory_space<vmem>> -> memref<1x80xi32, #tpu.memory_space<vmem>>
      %dma_wait3A_50 = tpu.memref_squeeze %dma_wait3A_49 : memref<1x80xi32, #tpu.memory_space<vmem>> -> memref<80xi32, #tpu.memory_space<vmem>>
      %dma_wait3A_51 = arith.constant 0 : i32
      %dma_wait3A_52 = tpu.memref_slice %arg2[%dma_wait3A_51] : memref<320000xi32, #tpu.memory_space<hbm>> -> memref<80xi32, #tpu.memory_space<hbm>>
      tpu.wait_dma2 semaphore(%arg11 : memref<!tpu.dma_semaphore, #tpu.memory_space<semaphore_mem>>) src(%dma_wait3A_52 : memref<80xi32, #tpu.memory_space<hbm>>) dst(%dma_wait3A_50 : memref<80xi32, #tpu.memory_space<vmem>>)
    }
    %scan3A_17 = arith.constant 125 : i32
    %barrier3A = arith.constant 0 : index
    tpu.barrier barrier_id(%barrier3A)
    %scan3A_18 = arith.constant 0 : i32
    %scan3A_19 = arith.constant 0 : i32
    %scan3A_20 = arith.constant 125 : i32
    %scan3A_21 = arith.addi %scan3A_19, %scan3A_20 : i32
    %scan3A_22 = arith.constant 1 : i32
    scf.for %scan3A_42 = %scan3A_19 to %scan3A_21 step %scan3A_22  : i32 {
      %dma_start3A = arith.constant 0 : i32
      %dma_start3A_43 = tpu.memref_slice %arg6[%scan3A_42, %dma_start3A] : memref<125x80xi32, #tpu.memory_space<vmem>> -> memref<1x80xi32, #tpu.memory_space<vmem>>
      %dma_start3A_44 = tpu.memref_squeeze %dma_start3A_43 : memref<1x80xi32, #tpu.memory_space<vmem>> -> memref<80xi32, #tpu.memory_space<vmem>>
      %dma_start3A_45 = arith.constant 0 : i32
      %dma_start3A_46 = arith.constant 0 : i32
      %dma_start3A_47 = tpu.memref_slice %arg8[%dma_start3A_45, %dma_start3A_46] : memref<10240x16xf32, #tpu.memory_space<vmem_shared>> -> memref<10240x16xf32, #tpu.memory_space<vmem_shared>>
      tpu.enqueue_indirect_dma source(%arg7 : memref<80x16xf32, #tpu.memory_space<vmem>>) target(%dma_start3A_47 : memref<10240x16xf32, #tpu.memory_space<vmem_shared>>) offsets(%dma_start3A_44 : memref<80xi32, #tpu.memory_space<vmem>>) semaphore(%arg12 : memref<!tpu.dma_semaphore, #tpu.memory_space<semaphore_mem>>) {add = true}
    }
    %scan3A_23 = arith.constant 125 : i32
    %scan3A_24 = arith.constant 0 : i32
    %scan3A_25 = arith.constant 0 : i32
    %scan3A_26 = arith.constant 125 : i32
    %scan3A_27 = arith.addi %scan3A_25, %scan3A_26 : i32
    %scan3A_28 = arith.constant 1 : i32
    scf.for %scan3A_42 = %scan3A_25 to %scan3A_27 step %scan3A_28  : i32 {
      %dma_wait3A = arith.constant 0 : i32
      %dma_wait3A_43 = arith.constant 0 : i32
      %dma_wait3A_44 = tpu.memref_slice %arg6[%dma_wait3A, %dma_wait3A_43] : memref<125x80xi32, #tpu.memory_space<vmem>> -> memref<1x80xi32, #tpu.memory_space<vmem>>
      %dma_wait3A_45 = tpu.memref_squeeze %dma_wait3A_44 : memref<1x80xi32, #tpu.memory_space<vmem>> -> memref<80xi32, #tpu.memory_space<vmem>>
      %dma_wait3A_46 = arith.constant 0 : i32
      %dma_wait3A_47 = arith.constant 0 : i32
      %dma_wait3A_48 = tpu.memref_slice %arg8[%dma_wait3A_46, %dma_wait3A_47] : memref<10240x16xf32, #tpu.memory_space<vmem_shared>> -> memref<10240x16xf32, #tpu.memory_space<vmem_shared>>
      tpu.wait_indirect_dma semaphore(%arg12 : memref<!tpu.dma_semaphore, #tpu.memory_space<semaphore_mem>>) src(%arg7 : memref<80x16xf32, #tpu.memory_space<vmem>>) dst(%dma_wait3A_48 : memref<10240x16xf32, #tpu.memory_space<vmem_shared>>)
    }
    %scan3A_29 = arith.constant 125 : i32
    %barrier3A_30 = arith.constant 0 : index
    tpu.barrier barrier_id(%barrier3A_30)
    %mul3A_31 = arith.constant 640 : i32
    %mul3A_32 = arith.muli %arg1, %mul3A_31 : i32
    "tpu.region"() ({
      %run_scoped3A_42 = tpu.sem_alloc : memref<!tpu.dma_semaphore, #tpu.memory_space<semaphore_mem>>
      %dma_start3A = arith.constant 0 : i32
      %dma_start3A_43 = tpu.memref_slice %arg8[%mul3A_32, %dma_start3A] : memref<10240x16xf32, #tpu.memory_space<vmem_shared>> -> memref<640x16xf32, #tpu.memory_space<vmem_shared>>
      %dma_start3A_44 = arith.constant 0 : i32
      %dma_start3A_45 = tpu.memref_slice %arg8[%mul3A_32, %dma_start3A_44] : memref<10240x16xf32, #tpu.memory_space<vmem_shared>> -> memref<640x16xf32, #tpu.memory_space<vmem_shared>>
      tpu.enqueue_dma source(%dma_start3A_45 : memref<640x16xf32, #tpu.memory_space<vmem_shared>>) target(%arg9 : memref<640x16xf32, #tpu.memory_space<vmem>>) target_semaphore(%run_scoped3A_42 : memref<!tpu.dma_semaphore, #tpu.memory_space<semaphore_mem>>)
      %dma_wait3A = arith.constant 0 : i32
      %dma_wait3A_46 = tpu.memref_slice %arg8[%mul3A_32, %dma_wait3A] : memref<10240x16xf32, #tpu.memory_space<vmem_shared>> -> memref<640x16xf32, #tpu.memory_space<vmem_shared>>
      %dma_wait3A_47 = arith.constant 0 : i32
      %dma_wait3A_48 = tpu.memref_slice %arg8[%mul3A_32, %dma_wait3A_47] : memref<10240x16xf32, #tpu.memory_space<vmem_shared>> -> memref<640x16xf32, #tpu.memory_space<vmem_shared>>
      tpu.wait_dma2 semaphore(%run_scoped3A_42 : memref<!tpu.dma_semaphore, #tpu.memory_space<semaphore_mem>>) src(%dma_wait3A_48 : memref<640x16xf32, #tpu.memory_space<vmem_shared>>) dst(%arg9 : memref<640x16xf32, #tpu.memory_space<vmem>>)
      tpu.yield
    }) : () -> ()
    %broadcast_in_dim3A = arith.constant 0 : i32
    %broadcast_in_dim3A_33 = vector.broadcast %broadcast_in_dim3A : i32 to vector<16xi32>
    %iota3A = tpu.iota {dimensions = array<i32: 0>} : vector<16xi32>
    %scan3A_34 = arith.constant 0 : i32
    %scan3A_35 = arith.constant 0 : i32
    %scan3A_36 = arith.constant 40 : i32
    %scan3A_37 = arith.addi %scan3A_35, %scan3A_36 : i32
    %scan3A_38 = arith.constant 1 : i32
    scf.for %scan3A_42 = %scan3A_35 to %scan3A_37 step %scan3A_38  : i32 {
      %mul3A_43 = arith.constant 16 : i32
      %mul3A_44 = arith.muli %scan3A_42, %mul3A_43 : i32
      %add3A_45 = vector.broadcast %mul3A_44 : i32 to vector<16xi32>
      %add3A_46 = arith.addi %add3A_45, %iota3A : vector<16xi32>
      %gather3A = tpu.vector_load_idx %arg9[%add3A_46, %broadcast_in_dim3A_33] : memref<640x16xf32, #tpu.memory_space<vmem>>[vector<16xi32>, vector<16xi32>], vector<16xf32>,
      %mul3A_47 = arith.constant 16 : i32
      %mul3A_48 = arith.muli %scan3A_42, %mul3A_47 : i32
      %multiple_of3A = tpu.assume_multiple %mul3A_48, 8 : i32
      %swap3A = arith.index_cast %multiple_of3A : i32 to index
      %swap3A_49 = tpu.vector_load %arg10[%swap3A] {strides = array<i32>} : memref<640xf32, #tpu.memory_space<vmem>>, vector<16xf32>,
      tpu.vector_store %arg10[%swap3A], %gather3A {strides = array<i32>} : memref<640xf32, #tpu.memory_space<vmem>>, vector<16xf32>,
    }
    %scan3A_39 = arith.constant 40 : i32
    %mul3A_40 = arith.constant 640 : i32
    %mul3A_41 = arith.muli %arg1, %mul3A_40 : i32
    %run_scoped3A = arith.constant 0 : i32
    "tpu.region"() ({
      %run_scoped3A_42 = tpu.sem_alloc : memref<!tpu.dma_semaphore, #tpu.memory_space<semaphore_mem>>
      %dma_start3A = tpu.memref_slice %arg5[%arg0, %run_scoped3A, %mul3A_41] : memref<2x1x10240xf32, #tpu.memory_space<hbm>> -> memref<1x1x640xf32, #tpu.memory_space<hbm>>
      %dma_start3A_43 = tpu.memref_squeeze %dma_start3A : memref<1x1x640xf32, #tpu.memory_space<hbm>> -> memref<640xf32, #tpu.memory_space<hbm>>
      %dma_start3A_44 = tpu.memref_slice %arg5[%arg0, %run_scoped3A, %mul3A_41] : memref<2x1x10240xf32, #tpu.memory_space<hbm>> -> memref<1x1x640xf32, #tpu.memory_space<hbm>>
      %dma_start3A_45 = tpu.memref_squeeze %dma_start3A_44 : memref<1x1x640xf32, #tpu.memory_space<hbm>> -> memref<640xf32, #tpu.memory_space<hbm>>
      tpu.enqueue_dma source(%arg10 : memref<640xf32, #tpu.memory_space<vmem>>) target(%dma_start3A_45 : memref<640xf32, #tpu.memory_space<hbm>>) target_semaphore(%run_scoped3A_42 : memref<!tpu.dma_semaphore, #tpu.memory_space<semaphore_mem>>)
      %dma_wait3A = tpu.memref_slice %arg5[%arg0, %run_scoped3A, %mul3A_41] : memref<2x1x10240xf32, #tpu.memory_space<hbm>> -> memref<1x1x640xf32, #tpu.memory_space<hbm>>
      %dma_wait3A_46 = tpu.memref_squeeze %dma_wait3A : memref<1x1x640xf32, #tpu.memory_space<hbm>> -> memref<640xf32, #tpu.memory_space<hbm>>
      %dma_wait3A_47 = tpu.memref_slice %arg5[%arg0, %run_scoped3A, %mul3A_41] : memref<2x1x10240xf32, #tpu.memory_space<hbm>> -> memref<1x1x640xf32, #tpu.memory_space<hbm>>
      %dma_wait3A_48 = tpu.memref_squeeze %dma_wait3A_47 : memref<1x1x640xf32, #tpu.memory_space<hbm>> -> memref<640xf32, #tpu.memory_space<hbm>>
      tpu.wait_dma2 semaphore(%run_scoped3A_42 : memref<!tpu.dma_semaphore, #tpu.memory_space<semaphore_mem>>) src(%arg10 : memref<640xf32, #tpu.memory_space<vmem>>) dst(%dma_wait3A_48 : memref<640xf32, #tpu.memory_space<hbm>>)
      tpu.yield
    }) : () -> ()
    return
  }
}

#map = affine_map<(d0, d1) -> (0, 0)>
#map1 = affine_map<(d0, d1) -> (0)>
#map2 = affine_map<(d0, d1) -> (0, 0, 0)>
module attributes {stable_mosaic.version = 14 : i64} {
  func.func @_agg_body(%arg0: i32, %arg1: i32, %arg2: memref<10240x64xf32, #tpu.memory_space<hbm>>, %arg3: memref<320000xi32, #tpu.memory_space<hbm>>, %arg4: memref<320000xi32, #tpu.memory_space<hbm>>, %arg5: memref<2x10240x64xf32, #tpu.memory_space<hbm>>, %arg6: memref<10000xi32, #tpu.memory_space<vmem>>, %arg7: memref<125x80xi32, #tpu.memory_space<vmem>>, %arg8: memref<5x80x64xf32, #tpu.memory_space<vmem>>, %arg9: memref<10240x64xf32, #tpu.memory_space<vmem_shared>>, %arg10: memref<!tpu.dma_semaphore, #tpu.memory_space<semaphore_mem>>, %arg11: memref<5x!tpu.dma_semaphore, #tpu.memory_space<semaphore_mem>>) attributes {dimension_semantics = [#tpu.dimension_semantics<core_parallel>, #tpu.dimension_semantics<subcore_parallel>], iteration_bounds = array<i64: 2, 16>, scalar_prefetch = 0 : i64, scratch_operands = 6 : i64, tpu.core_type = #tpu.core_type<sc_vector_subcore>, window_params = [{transform_indices = #map}, {transform_indices = #map1}, {transform_indices = #map1}, {transform_indices = #map2}]} {
    %mul3A = arith.constant 16 : i32
    %mul3A_0 = arith.muli %arg0, %mul3A : i32
    %add3A = arith.addi %mul3A_0, %arg1 : i32
    %mul3A_1 = arith.constant 10000 : i32
    %mul3A_2 = arith.muli %add3A, %mul3A_1 : i32
    "tpu.region"() ({
      %run_scoped3A = tpu.sem_alloc : memref<!tpu.dma_semaphore, #tpu.memory_space<semaphore_mem>>
      %dma_start3A_93 = tpu.memref_slice %arg3[%mul3A_2] : memref<320000xi32, #tpu.memory_space<hbm>> -> memref<10000xi32, #tpu.memory_space<hbm>>
      %dma_start3A_94 = tpu.memref_slice %arg3[%mul3A_2] : memref<320000xi32, #tpu.memory_space<hbm>> -> memref<10000xi32, #tpu.memory_space<hbm>>
      tpu.enqueue_dma source(%dma_start3A_94 : memref<10000xi32, #tpu.memory_space<hbm>>) target(%arg6 : memref<10000xi32, #tpu.memory_space<vmem>>) target_semaphore(%run_scoped3A : memref<!tpu.dma_semaphore, #tpu.memory_space<semaphore_mem>>)
      %dma_wait3A = tpu.memref_slice %arg3[%mul3A_2] : memref<320000xi32, #tpu.memory_space<hbm>> -> memref<10000xi32, #tpu.memory_space<hbm>>
      %dma_wait3A_95 = tpu.memref_slice %arg3[%mul3A_2] : memref<320000xi32, #tpu.memory_space<hbm>> -> memref<10000xi32, #tpu.memory_space<hbm>>
      tpu.wait_dma2 semaphore(%run_scoped3A : memref<!tpu.dma_semaphore, #tpu.memory_space<semaphore_mem>>) src(%dma_wait3A_95 : memref<10000xi32, #tpu.memory_space<hbm>>) dst(%arg6 : memref<10000xi32, #tpu.memory_space<vmem>>)
      tpu.yield
    }) : () -> ()
    %scan3A = arith.constant 0 : i32
    %scan3A_3 = arith.constant 0 : i32
    %scan3A_4 = arith.constant 125 : i32
    %scan3A_5 = arith.addi %scan3A_3, %scan3A_4 : i32
    %scan3A_6 = arith.constant 1 : i32
    scf.for %scan3A_93 = %scan3A_3 to %scan3A_5 step %scan3A_6  : i32 {
      %mul3A_94 = arith.constant 80 : i32
      %mul3A_95 = arith.muli %scan3A_93, %mul3A_94 : i32
      %add3A_96 = arith.addi %mul3A_2, %mul3A_95 : i32
      %multiple_of3A = tpu.assume_multiple %add3A_96, 8 : i32
      %dma_start3A_97 = arith.constant 0 : i32
      %dma_start3A_98 = tpu.memref_slice %arg7[%scan3A_93, %dma_start3A_97] : memref<125x80xi32, #tpu.memory_space<vmem>> -> memref<1x80xi32, #tpu.memory_space<vmem>>
      %dma_start3A_99 = tpu.memref_squeeze %dma_start3A_98 : memref<1x80xi32, #tpu.memory_space<vmem>> -> memref<80xi32, #tpu.memory_space<vmem>>
      %dma_start3A_100 = tpu.memref_slice %arg4[%multiple_of3A] : memref<320000xi32, #tpu.memory_space<hbm>> -> memref<80xi32, #tpu.memory_space<hbm>>
      %dma_start3A_101 = arith.constant 0 : i32
      %dma_start3A_102 = tpu.memref_slice %arg7[%scan3A_93, %dma_start3A_101] : memref<125x80xi32, #tpu.memory_space<vmem>> -> memref<1x80xi32, #tpu.memory_space<vmem>>
      %dma_start3A_103 = tpu.memref_squeeze %dma_start3A_102 : memref<1x80xi32, #tpu.memory_space<vmem>> -> memref<80xi32, #tpu.memory_space<vmem>>
      %dma_start3A_104 = tpu.memref_slice %arg4[%multiple_of3A] : memref<320000xi32, #tpu.memory_space<hbm>> -> memref<80xi32, #tpu.memory_space<hbm>>
      tpu.enqueue_dma source(%dma_start3A_104 : memref<80xi32, #tpu.memory_space<hbm>>) target(%dma_start3A_103 : memref<80xi32, #tpu.memory_space<vmem>>) target_semaphore(%arg10 : memref<!tpu.dma_semaphore, #tpu.memory_space<semaphore_mem>>)
    }
    %scan3A_7 = arith.constant 125 : i32
    %dma_start3A = arith.constant 0 : i32
    %dma_start3A_8 = arith.constant 0 : i32
    %dma_start3A_9 = arith.constant 0 : i32
    %dma_start3A_10 = arith.constant 0 : i32
    %dma_start3A_11 = tpu.memref_slice %arg8[%dma_start3A, %dma_start3A_9, %dma_start3A_10] : memref<5x80x64xf32, #tpu.memory_space<vmem>> -> memref<1x80x64xf32, #tpu.memory_space<vmem>>
    %dma_start3A_12 = tpu.memref_squeeze %dma_start3A_11 : memref<1x80x64xf32, #tpu.memory_space<vmem>> -> memref<80x64xf32, #tpu.memory_space<vmem>>
    %dma_start3A_13 = arith.constant 0 : i32
    %dma_start3A_14 = tpu.memref_slice %arg6[%dma_start3A_13] : memref<10000xi32, #tpu.memory_space<vmem>> -> memref<80xi32, #tpu.memory_space<vmem>>
    %dma_start3A_15 = arith.constant 0 : i32
    %dma_start3A_16 = arith.constant 0 : i32
    %dma_start3A_17 = tpu.memref_slice %arg2[%dma_start3A_15, %dma_start3A_16] : memref<10240x64xf32, #tpu.memory_space<hbm>> -> memref<10240x64xf32, #tpu.memory_space<hbm>>
    %dma_start3A_18 = tpu.memref_slice %arg11[%dma_start3A_8] : memref<5x!tpu.dma_semaphore, #tpu.memory_space<semaphore_mem>> -> memref<1x!tpu.dma_semaphore, #tpu.memory_space<semaphore_mem>>
    %dma_start3A_19 = tpu.memref_squeeze %dma_start3A_18 : memref<1x!tpu.dma_semaphore, #tpu.memory_space<semaphore_mem>> -> memref<!tpu.dma_semaphore, #tpu.memory_space<semaphore_mem>>
    tpu.enqueue_indirect_dma source(%dma_start3A_17 : memref<10240x64xf32, #tpu.memory_space<hbm>>) target(%dma_start3A_12 : memref<80x64xf32, #tpu.memory_space<vmem>>) offsets(%dma_start3A_14 : memref<80xi32, #tpu.memory_space<vmem>>) semaphore(%dma_start3A_19 : memref<!tpu.dma_semaphore, #tpu.memory_space<semaphore_mem>>)
    %dma_start3A_20 = arith.constant 1 : i32
    %dma_start3A_21 = arith.constant 1 : i32
    %dma_start3A_22 = arith.constant 0 : i32
    %dma_start3A_23 = arith.constant 0 : i32
    %dma_start3A_24 = tpu.memref_slice %arg8[%dma_start3A_20, %dma_start3A_22, %dma_start3A_23] : memref<5x80x64xf32, #tpu.memory_space<vmem>> -> memref<1x80x64xf32, #tpu.memory_space<vmem>>
    %dma_start3A_25 = tpu.memref_squeeze %dma_start3A_24 : memref<1x80x64xf32, #tpu.memory_space<vmem>> -> memref<80x64xf32, #tpu.memory_space<vmem>>
    %dma_start3A_26 = arith.constant 80 : i32
    %dma_start3A_27 = tpu.memref_slice %arg6[%dma_start3A_26] : memref<10000xi32, #tpu.memory_space<vmem>> -> memref<80xi32, #tpu.memory_space<vmem>>
    %dma_start3A_28 = arith.constant 0 : i32
    %dma_start3A_29 = arith.constant 0 : i32
    %dma_start3A_30 = tpu.memref_slice %arg2[%dma_start3A_28, %dma_start3A_29] : memref<10240x64xf32, #tpu.memory_space<hbm>> -> memref<10240x64xf32, #tpu.memory_space<hbm>>
    %dma_start3A_31 = tpu.memref_slice %arg11[%dma_start3A_21] : memref<5x!tpu.dma_semaphore, #tpu.memory_space<semaphore_mem>> -> memref<1x!tpu.dma_semaphore, #tpu.memory_space<semaphore_mem>>
    %dma_start3A_32 = tpu.memref_squeeze %dma_start3A_31 : memref<1x!tpu.dma_semaphore, #tpu.memory_space<semaphore_mem>> -> memref<!tpu.dma_semaphore, #tpu.memory_space<semaphore_mem>>
    tpu.enqueue_indirect_dma source(%dma_start3A_30 : memref<10240x64xf32, #tpu.memory_space<hbm>>) target(%dma_start3A_25 : memref<80x64xf32, #tpu.memory_space<vmem>>) offsets(%dma_start3A_27 : memref<80xi32, #tpu.memory_space<vmem>>) semaphore(%dma_start3A_32 : memref<!tpu.dma_semaphore, #tpu.memory_space<semaphore_mem>>)
    %dma_start3A_33 = arith.constant 2 : i32
    %dma_start3A_34 = arith.constant 2 : i32
    %dma_start3A_35 = arith.constant 0 : i32
    %dma_start3A_36 = arith.constant 0 : i32
    %dma_start3A_37 = tpu.memref_slice %arg8[%dma_start3A_33, %dma_start3A_35, %dma_start3A_36] : memref<5x80x64xf32, #tpu.memory_space<vmem>> -> memref<1x80x64xf32, #tpu.memory_space<vmem>>
    %dma_start3A_38 = tpu.memref_squeeze %dma_start3A_37 : memref<1x80x64xf32, #tpu.memory_space<vmem>> -> memref<80x64xf32, #tpu.memory_space<vmem>>
    %dma_start3A_39 = arith.constant 160 : i32
    %dma_start3A_40 = tpu.memref_slice %arg6[%dma_start3A_39] : memref<10000xi32, #tpu.memory_space<vmem>> -> memref<80xi32, #tpu.memory_space<vmem>>
    %dma_start3A_41 = arith.constant 0 : i32
    %dma_start3A_42 = arith.constant 0 : i32
    %dma_start3A_43 = tpu.memref_slice %arg2[%dma_start3A_41, %dma_start3A_42] : memref<10240x64xf32, #tpu.memory_space<hbm>> -> memref<10240x64xf32, #tpu.memory_space<hbm>>
    %dma_start3A_44 = tpu.memref_slice %arg11[%dma_start3A_34] : memref<5x!tpu.dma_semaphore, #tpu.memory_space<semaphore_mem>> -> memref<1x!tpu.dma_semaphore, #tpu.memory_space<semaphore_mem>>
    %dma_start3A_45 = tpu.memref_squeeze %dma_start3A_44 : memref<1x!tpu.dma_semaphore, #tpu.memory_space<semaphore_mem>> -> memref<!tpu.dma_semaphore, #tpu.memory_space<semaphore_mem>>
    tpu.enqueue_indirect_dma source(%dma_start3A_43 : memref<10240x64xf32, #tpu.memory_space<hbm>>) target(%dma_start3A_38 : memref<80x64xf32, #tpu.memory_space<vmem>>) offsets(%dma_start3A_40 : memref<80xi32, #tpu.memory_space<vmem>>) semaphore(%dma_start3A_45 : memref<!tpu.dma_semaphore, #tpu.memory_space<semaphore_mem>>)
    %dma_start3A_46 = arith.constant 3 : i32
    %dma_start3A_47 = arith.constant 3 : i32
    %dma_start3A_48 = arith.constant 0 : i32
    %dma_start3A_49 = arith.constant 0 : i32
    %dma_start3A_50 = tpu.memref_slice %arg8[%dma_start3A_46, %dma_start3A_48, %dma_start3A_49] : memref<5x80x64xf32, #tpu.memory_space<vmem>> -> memref<1x80x64xf32, #tpu.memory_space<vmem>>
    %dma_start3A_51 = tpu.memref_squeeze %dma_start3A_50 : memref<1x80x64xf32, #tpu.memory_space<vmem>> -> memref<80x64xf32, #tpu.memory_space<vmem>>
    %dma_start3A_52 = arith.constant 240 : i32
    %dma_start3A_53 = tpu.memref_slice %arg6[%dma_start3A_52] : memref<10000xi32, #tpu.memory_space<vmem>> -> memref<80xi32, #tpu.memory_space<vmem>>
    %dma_start3A_54 = arith.constant 0 : i32
    %dma_start3A_55 = arith.constant 0 : i32
    %dma_start3A_56 = tpu.memref_slice %arg2[%dma_start3A_54, %dma_start3A_55] : memref<10240x64xf32, #tpu.memory_space<hbm>> -> memref<10240x64xf32, #tpu.memory_space<hbm>>
    %dma_start3A_57 = tpu.memref_slice %arg11[%dma_start3A_47] : memref<5x!tpu.dma_semaphore, #tpu.memory_space<semaphore_mem>> -> memref<1x!tpu.dma_semaphore, #tpu.memory_space<semaphore_mem>>
    %dma_start3A_58 = tpu.memref_squeeze %dma_start3A_57 : memref<1x!tpu.dma_semaphore, #tpu.memory_space<semaphore_mem>> -> memref<!tpu.dma_semaphore, #tpu.memory_space<semaphore_mem>>
    tpu.enqueue_indirect_dma source(%dma_start3A_56 : memref<10240x64xf32, #tpu.memory_space<hbm>>) target(%dma_start3A_51 : memref<80x64xf32, #tpu.memory_space<vmem>>) offsets(%dma_start3A_53 : memref<80xi32, #tpu.memory_space<vmem>>) semaphore(%dma_start3A_58 : memref<!tpu.dma_semaphore, #tpu.memory_space<semaphore_mem>>)
    %dma_start3A_59 = arith.constant 4 : i32
    %dma_start3A_60 = arith.constant 4 : i32
    %dma_start3A_61 = arith.constant 0 : i32
    %dma_start3A_62 = arith.constant 0 : i32
    %dma_start3A_63 = tpu.memref_slice %arg8[%dma_start3A_59, %dma_start3A_61, %dma_start3A_62] : memref<5x80x64xf32, #tpu.memory_space<vmem>> -> memref<1x80x64xf32, #tpu.memory_space<vmem>>
    %dma_start3A_64 = tpu.memref_squeeze %dma_start3A_63 : memref<1x80x64xf32, #tpu.memory_space<vmem>> -> memref<80x64xf32, #tpu.memory_space<vmem>>
    %dma_start3A_65 = arith.constant 320 : i32
    %dma_start3A_66 = tpu.memref_slice %arg6[%dma_start3A_65] : memref<10000xi32, #tpu.memory_space<vmem>> -> memref<80xi32, #tpu.memory_space<vmem>>
    %dma_start3A_67 = arith.constant 0 : i32
    %dma_start3A_68 = arith.constant 0 : i32
    %dma_start3A_69 = tpu.memref_slice %arg2[%dma_start3A_67, %dma_start3A_68] : memref<10240x64xf32, #tpu.memory_space<hbm>> -> memref<10240x64xf32, #tpu.memory_space<hbm>>
    %dma_start3A_70 = tpu.memref_slice %arg11[%dma_start3A_60] : memref<5x!tpu.dma_semaphore, #tpu.memory_space<semaphore_mem>> -> memref<1x!tpu.dma_semaphore, #tpu.memory_space<semaphore_mem>>
    %dma_start3A_71 = tpu.memref_squeeze %dma_start3A_70 : memref<1x!tpu.dma_semaphore, #tpu.memory_space<semaphore_mem>> -> memref<!tpu.dma_semaphore, #tpu.memory_space<semaphore_mem>>
    tpu.enqueue_indirect_dma source(%dma_start3A_69 : memref<10240x64xf32, #tpu.memory_space<hbm>>) target(%dma_start3A_64 : memref<80x64xf32, #tpu.memory_space<vmem>>) offsets(%dma_start3A_66 : memref<80xi32, #tpu.memory_space<vmem>>) semaphore(%dma_start3A_71 : memref<!tpu.dma_semaphore, #tpu.memory_space<semaphore_mem>>)
    %mul3A_72 = arith.constant 640 : i32
    %mul3A_73 = arith.muli %arg1, %mul3A_72 : i32
    %mul3A_74 = arith.constant 640 : i32
    %mul3A_75 = arith.muli %arg1, %mul3A_74 : i32
    "tpu.region"() ({
      %run_scoped3A = tpu.sem_alloc : memref<!tpu.dma_semaphore, #tpu.memory_space<semaphore_mem>>
      %dma_start3A_93 = arith.constant 0 : i32
      %dma_start3A_94 = tpu.memref_slice %arg9[%mul3A_75, %dma_start3A_93] : memref<10240x64xf32, #tpu.memory_space<vmem_shared>> -> memref<640x64xf32, #tpu.memory_space<vmem_shared>>
      %dma_start3A_95 = arith.constant 0 : i32
      %dma_start3A_96 = tpu.memref_slice %arg2[%mul3A_73, %dma_start3A_95] : memref<10240x64xf32, #tpu.memory_space<hbm>> -> memref<640x64xf32, #tpu.memory_space<hbm>>
      tpu.enqueue_dma source(%dma_start3A_96 : memref<640x64xf32, #tpu.memory_space<hbm>>) target(%dma_start3A_94 : memref<640x64xf32, #tpu.memory_space<vmem_shared>>) target_semaphore(%run_scoped3A : memref<!tpu.dma_semaphore, #tpu.memory_space<semaphore_mem>>)
      %dma_wait3A = arith.constant 0 : i32
      %dma_wait3A_97 = tpu.memref_slice %arg9[%mul3A_75, %dma_wait3A] : memref<10240x64xf32, #tpu.memory_space<vmem_shared>> -> memref<640x64xf32, #tpu.memory_space<vmem_shared>>
      %dma_wait3A_98 = arith.constant 0 : i32
      %dma_wait3A_99 = tpu.memref_slice %arg2[%mul3A_73, %dma_wait3A_98] : memref<10240x64xf32, #tpu.memory_space<hbm>> -> memref<640x64xf32, #tpu.memory_space<hbm>>
      tpu.wait_dma2 semaphore(%run_scoped3A : memref<!tpu.dma_semaphore, #tpu.memory_space<semaphore_mem>>) src(%dma_wait3A_99 : memref<640x64xf32, #tpu.memory_space<hbm>>) dst(%dma_wait3A_97 : memref<640x64xf32, #tpu.memory_space<vmem_shared>>)
      tpu.yield
    }) : () -> ()
    %scan3A_76 = arith.constant 0 : i32
    %scan3A_77 = arith.constant 0 : i32
    %scan3A_78 = arith.constant 125 : i32
    %scan3A_79 = arith.addi %scan3A_77, %scan3A_78 : i32
    %scan3A_80 = arith.constant 1 : i32
    scf.for %scan3A_93 = %scan3A_77 to %scan3A_79 step %scan3A_80  : i32 {
      %dma_wait3A = arith.constant 0 : i32
      %dma_wait3A_94 = arith.constant 0 : i32
      %dma_wait3A_95 = tpu.memref_slice %arg7[%dma_wait3A, %dma_wait3A_94] : memref<125x80xi32, #tpu.memory_space<vmem>> -> memref<1x80xi32, #tpu.memory_space<vmem>>
      %dma_wait3A_96 = tpu.memref_squeeze %dma_wait3A_95 : memref<1x80xi32, #tpu.memory_space<vmem>> -> memref<80xi32, #tpu.memory_space<vmem>>
      %dma_wait3A_97 = arith.constant 0 : i32
      %dma_wait3A_98 = tpu.memref_slice %arg4[%dma_wait3A_97] : memref<320000xi32, #tpu.memory_space<hbm>> -> memref<80xi32, #tpu.memory_space<hbm>>
      %dma_wait3A_99 = arith.constant 0 : i32
      %dma_wait3A_100 = tpu.memref_slice %arg7[%dma_wait3A, %dma_wait3A_99] : memref<125x80xi32, #tpu.memory_space<vmem>> -> memref<1x80xi32, #tpu.memory_space<vmem>>
      %dma_wait3A_101 = tpu.memref_squeeze %dma_wait3A_100 : memref<1x80xi32, #tpu.memory_space<vmem>> -> memref<80xi32, #tpu.memory_space<vmem>>
      %dma_wait3A_102 = arith.constant 0 : i32
      %dma_wait3A_103 = tpu.memref_slice %arg4[%dma_wait3A_102] : memref<320000xi32, #tpu.memory_space<hbm>> -> memref<80xi32, #tpu.memory_space<hbm>>
      tpu.wait_dma2 semaphore(%arg10 : memref<!tpu.dma_semaphore, #tpu.memory_space<semaphore_mem>>) src(%dma_wait3A_103 : memref<80xi32, #tpu.memory_space<hbm>>) dst(%dma_wait3A_101 : memref<80xi32, #tpu.memory_space<vmem>>)
    }
    %scan3A_81 = arith.constant 125 : i32
    %barrier3A = arith.constant 0 : index
    tpu.barrier barrier_id(%barrier3A)
    %scan3A_82 = arith.constant 0 : i32
    %scan3A_83 = arith.constant 0 : i32
    %scan3A_84 = arith.constant 25 : i32
    %scan3A_85 = arith.addi %scan3A_83, %scan3A_84 : i32
    %scan3A_86 = arith.constant 1 : i32
    scf.for %scan3A_93 = %scan3A_83 to %scan3A_85 step %scan3A_86  : i32 {
      %mul3A_94 = arith.constant 5 : i32
      %mul3A_95 = arith.muli %scan3A_93, %mul3A_94 : i32
      %add3A_96 = arith.constant 0 : i32
      %add3A_97 = arith.addi %mul3A_95, %add3A_96 : i32
      %mul3A_98 = arith.constant 80 : i32
      %mul3A_99 = arith.muli %add3A_97, %mul3A_98 : i32
      %multiple_of3A = tpu.assume_multiple %mul3A_99, 8 : i32
      %dma_wait3A = arith.constant 0 : i32
      %dma_wait3A_100 = arith.constant 0 : i32
      %dma_wait3A_101 = arith.constant 0 : i32
      %dma_wait3A_102 = arith.constant 0 : i32
      %dma_wait3A_103 = tpu.memref_slice %arg8[%dma_wait3A, %dma_wait3A_101, %dma_wait3A_102] : memref<5x80x64xf32, #tpu.memory_space<vmem>> -> memref<1x80x64xf32, #tpu.memory_space<vmem>>
      %dma_wait3A_104 = tpu.memref_squeeze %dma_wait3A_103 : memref<1x80x64xf32, #tpu.memory_space<vmem>> -> memref<80x64xf32, #tpu.memory_space<vmem>>
      %dma_wait3A_105 = tpu.memref_slice %arg6[%multiple_of3A] : memref<10000xi32, #tpu.memory_space<vmem>> -> memref<80xi32, #tpu.memory_space<vmem>>
      %dma_wait3A_106 = arith.constant 0 : i32
      %dma_wait3A_107 = arith.constant 0 : i32
      %dma_wait3A_108 = tpu.memref_slice %arg2[%dma_wait3A_106, %dma_wait3A_107] : memref<10240x64xf32, #tpu.memory_space<hbm>> -> memref<10240x64xf32, #tpu.memory_space<hbm>>
      %dma_wait3A_109 = tpu.memref_slice %arg11[%dma_wait3A_100] : memref<5x!tpu.dma_semaphore, #tpu.memory_space<semaphore_mem>> -> memref<1x!tpu.dma_semaphore, #tpu.memory_space<semaphore_mem>>
      %dma_wait3A_110 = tpu.memref_squeeze %dma_wait3A_109 : memref<1x!tpu.dma_semaphore, #tpu.memory_space<semaphore_mem>> -> memref<!tpu.dma_semaphore, #tpu.memory_space<semaphore_mem>>
      tpu.wait_indirect_dma semaphore(%dma_wait3A_110 : memref<!tpu.dma_semaphore, #tpu.memory_space<semaphore_mem>>) src(%dma_wait3A_108 : memref<10240x64xf32, #tpu.memory_space<hbm>>) dst(%dma_wait3A_104 : memref<80x64xf32, #tpu.memory_space<vmem>>)
      %run_scoped3A = arith.constant 0 : i32
      "tpu.region"() ({
        %run_scoped3A_223 = tpu.sem_alloc : memref<!tpu.dma_semaphore, #tpu.memory_space<semaphore_mem>>
        %dma_start3A_224 = arith.constant 0 : i32
        %dma_start3A_225 = arith.constant 0 : i32
        %dma_start3A_226 = tpu.memref_slice %arg8[%run_scoped3A, %dma_start3A_224, %dma_start3A_225] : memref<5x80x64xf32, #tpu.memory_space<vmem>> -> memref<1x80x64xf32, #tpu.memory_space<vmem>>
        %dma_start3A_227 = tpu.memref_squeeze %dma_start3A_226 : memref<1x80x64xf32, #tpu.memory_space<vmem>> -> memref<80x64xf32, #tpu.memory_space<vmem>>
        %dma_start3A_228 = arith.constant 0 : i32
        %dma_start3A_229 = tpu.memref_slice %arg7[%add3A_97, %dma_start3A_228] : memref<125x80xi32, #tpu.memory_space<vmem>> -> memref<1x80xi32, #tpu.memory_space<vmem>>
        %dma_start3A_230 = tpu.memref_squeeze %dma_start3A_229 : memref<1x80xi32, #tpu.memory_space<vmem>> -> memref<80xi32, #tpu.memory_space<vmem>>
        %dma_start3A_231 = arith.constant 0 : i32
        %dma_start3A_232 = arith.constant 0 : i32
        %dma_start3A_233 = tpu.memref_slice %arg9[%dma_start3A_231, %dma_start3A_232] : memref<10240x64xf32, #tpu.memory_space<vmem_shared>> -> memref<10240x64xf32, #tpu.memory_space<vmem_shared>>
        tpu.enqueue_indirect_dma source(%dma_start3A_227 : memref<80x64xf32, #tpu.memory_space<vmem>>) target(%dma_start3A_233 : memref<10240x64xf32, #tpu.memory_space<vmem_shared>>) offsets(%dma_start3A_230 : memref<80xi32, #tpu.memory_space<vmem>>) semaphore(%run_scoped3A_223 : memref<!tpu.dma_semaphore, #tpu.memory_space<semaphore_mem>>) {add = true}
        %dma_wait3A_234 = arith.constant 0 : i32
        %dma_wait3A_235 = arith.constant 0 : i32
        %dma_wait3A_236 = tpu.memref_slice %arg8[%run_scoped3A, %dma_wait3A_234, %dma_wait3A_235] : memref<5x80x64xf32, #tpu.memory_space<vmem>> -> memref<1x80x64xf32, #tpu.memory_space<vmem>>
        %dma_wait3A_237 = tpu.memref_squeeze %dma_wait3A_236 : memref<1x80x64xf32, #tpu.memory_space<vmem>> -> memref<80x64xf32, #tpu.memory_space<vmem>>
        %dma_wait3A_238 = arith.constant 0 : i32
        %dma_wait3A_239 = tpu.memref_slice %arg7[%add3A_97, %dma_wait3A_238] : memref<125x80xi32, #tpu.memory_space<vmem>> -> memref<1x80xi32, #tpu.memory_space<vmem>>
        %dma_wait3A_240 = tpu.memref_squeeze %dma_wait3A_239 : memref<1x80xi32, #tpu.memory_space<vmem>> -> memref<80xi32, #tpu.memory_space<vmem>>
        %dma_wait3A_241 = arith.constant 0 : i32
        %dma_wait3A_242 = arith.constant 0 : i32
        %dma_wait3A_243 = tpu.memref_slice %arg9[%dma_wait3A_241, %dma_wait3A_242] : memref<10240x64xf32, #tpu.memory_space<vmem_shared>> -> memref<10240x64xf32, #tpu.memory_space<vmem_shared>>
        tpu.wait_indirect_dma semaphore(%run_scoped3A_223 : memref<!tpu.dma_semaphore, #tpu.memory_space<semaphore_mem>>) src(%dma_wait3A_237 : memref<80x64xf32, #tpu.memory_space<vmem>>) dst(%dma_wait3A_243 : memref<10240x64xf32, #tpu.memory_space<vmem_shared>>)
        tpu.yield
      }) : () -> ()
      %add3A_111 = arith.constant 5 : i32
      %add3A_112 = arith.addi %add3A_97, %add3A_111 : i32
      %lt3A = arith.constant 125 : i32
      %lt3A_113 = arith.cmpi slt, %add3A_112, %lt3A : i32
      %convert_element_type3A = arith.extui %lt3A_113 : i1 to i32
      %cond3A = arith.constant 0 : i32
      %cond3A_114 = arith.cmpi ne, %convert_element_type3A, %cond3A : i32
      scf.if %cond3A_114 {
        %mul3A_223 = arith.constant 80 : i32
        %mul3A_224 = arith.muli %add3A_112, %mul3A_223 : i32
        %multiple_of3A_225 = tpu.assume_multiple %mul3A_224, 8 : i32
        %dma_start3A_226 = arith.constant 0 : i32
        %dma_start3A_227 = arith.constant 0 : i32
        %dma_start3A_228 = arith.constant 0 : i32
        %dma_start3A_229 = arith.constant 0 : i32
        %dma_start3A_230 = tpu.memref_slice %arg8[%dma_start3A_226, %dma_start3A_228, %dma_start3A_229] : memref<5x80x64xf32, #tpu.memory_space<vmem>> -> memref<1x80x64xf32, #tpu.memory_space<vmem>>
        %dma_start3A_231 = tpu.memref_squeeze %dma_start3A_230 : memref<1x80x64xf32, #tpu.memory_space<vmem>> -> memref<80x64xf32, #tpu.memory_space<vmem>>
        %dma_start3A_232 = tpu.memref_slice %arg6[%multiple_of3A_225] : memref<10000xi32, #tpu.memory_space<vmem>> -> memref<80xi32, #tpu.memory_space<vmem>>
        %dma_start3A_233 = arith.constant 0 : i32
        %dma_start3A_234 = arith.constant 0 : i32
        %dma_start3A_235 = tpu.memref_slice %arg2[%dma_start3A_233, %dma_start3A_234] : memref<10240x64xf32, #tpu.memory_space<hbm>> -> memref<10240x64xf32, #tpu.memory_space<hbm>>
        %dma_start3A_236 = tpu.memref_slice %arg11[%dma_start3A_227] : memref<5x!tpu.dma_semaphore, #tpu.memory_space<semaphore_mem>> -> memref<1x!tpu.dma_semaphore, #tpu.memory_space<semaphore_mem>>
        %dma_start3A_237 = tpu.memref_squeeze %dma_start3A_236 : memref<1x!tpu.dma_semaphore, #tpu.memory_space<semaphore_mem>> -> memref<!tpu.dma_semaphore, #tpu.memory_space<semaphore_mem>>
        tpu.enqueue_indirect_dma source(%dma_start3A_235 : memref<10240x64xf32, #tpu.memory_space<hbm>>) target(%dma_start3A_231 : memref<80x64xf32, #tpu.memory_space<vmem>>) offsets(%dma_start3A_232 : memref<80xi32, #tpu.memory_space<vmem>>) semaphore(%dma_start3A_237 : memref<!tpu.dma_semaphore, #tpu.memory_space<semaphore_mem>>)
      } else {
      }
      %mul3A_115 = arith.constant 5 : i32
      %mul3A_116 = arith.muli %scan3A_93, %mul3A_115 : i32
      %add3A_117 = arith.constant 1 : i32
      %add3A_118 = arith.addi %mul3A_116, %add3A_117 : i32
      %mul3A_119 = arith.constant 80 : i32
      %mul3A_120 = arith.muli %add3A_118, %mul3A_119 : i32
      %multiple_of3A_121 = tpu.assume_multiple %mul3A_120, 8 : i32
      %dma_wait3A_122 = arith.constant 1 : i32
      %dma_wait3A_123 = arith.constant 1 : i32
      %dma_wait3A_124 = arith.constant 0 : i32
      %dma_wait3A_125 = arith.constant 0 : i32
      %dma_wait3A_126 = tpu.memref_slice %arg8[%dma_wait3A_122, %dma_wait3A_124, %dma_wait3A_125] : memref<5x80x64xf32, #tpu.memory_space<vmem>> -> memref<1x80x64xf32, #tpu.memory_space<vmem>>
      %dma_wait3A_127 = tpu.memref_squeeze %dma_wait3A_126 : memref<1x80x64xf32, #tpu.memory_space<vmem>> -> memref<80x64xf32, #tpu.memory_space<vmem>>
      %dma_wait3A_128 = tpu.memref_slice %arg6[%multiple_of3A_121] : memref<10000xi32, #tpu.memory_space<vmem>> -> memref<80xi32, #tpu.memory_space<vmem>>
      %dma_wait3A_129 = arith.constant 0 : i32
      %dma_wait3A_130 = arith.constant 0 : i32
      %dma_wait3A_131 = tpu.memref_slice %arg2[%dma_wait3A_129, %dma_wait3A_130] : memref<10240x64xf32, #tpu.memory_space<hbm>> -> memref<10240x64xf32, #tpu.memory_space<hbm>>
      %dma_wait3A_132 = tpu.memref_slice %arg11[%dma_wait3A_123] : memref<5x!tpu.dma_semaphore, #tpu.memory_space<semaphore_mem>> -> memref<1x!tpu.dma_semaphore, #tpu.memory_space<semaphore_mem>>
      %dma_wait3A_133 = tpu.memref_squeeze %dma_wait3A_132 : memref<1x!tpu.dma_semaphore, #tpu.memory_space<semaphore_mem>> -> memref<!tpu.dma_semaphore, #tpu.memory_space<semaphore_mem>>
      tpu.wait_indirect_dma semaphore(%dma_wait3A_133 : memref<!tpu.dma_semaphore, #tpu.memory_space<semaphore_mem>>) src(%dma_wait3A_131 : memref<10240x64xf32, #tpu.memory_space<hbm>>) dst(%dma_wait3A_127 : memref<80x64xf32, #tpu.memory_space<vmem>>)
      %run_scoped3A_134 = arith.constant 1 : i32
      "tpu.region"() ({
        %run_scoped3A_223 = tpu.sem_alloc : memref<!tpu.dma_semaphore, #tpu.memory_space<semaphore_mem>>
        %dma_start3A_224 = arith.constant 0 : i32
        %dma_start3A_225 = arith.constant 0 : i32
        %dma_start3A_226 = tpu.memref_slice %arg8[%run_scoped3A_134, %dma_start3A_224, %dma_start3A_225] : memref<5x80x64xf32, #tpu.memory_space<vmem>> -> memref<1x80x64xf32, #tpu.memory_space<vmem>>
        %dma_start3A_227 = tpu.memref_squeeze %dma_start3A_226 : memref<1x80x64xf32, #tpu.memory_space<vmem>> -> memref<80x64xf32, #tpu.memory_space<vmem>>
        %dma_start3A_228 = arith.constant 0 : i32
        %dma_start3A_229 = tpu.memref_slice %arg7[%add3A_118, %dma_start3A_228] : memref<125x80xi32, #tpu.memory_space<vmem>> -> memref<1x80xi32, #tpu.memory_space<vmem>>
        %dma_start3A_230 = tpu.memref_squeeze %dma_start3A_229 : memref<1x80xi32, #tpu.memory_space<vmem>> -> memref<80xi32, #tpu.memory_space<vmem>>
        %dma_start3A_231 = arith.constant 0 : i32
        %dma_start3A_232 = arith.constant 0 : i32
        %dma_start3A_233 = tpu.memref_slice %arg9[%dma_start3A_231, %dma_start3A_232] : memref<10240x64xf32, #tpu.memory_space<vmem_shared>> -> memref<10240x64xf32, #tpu.memory_space<vmem_shared>>
        tpu.enqueue_indirect_dma source(%dma_start3A_227 : memref<80x64xf32, #tpu.memory_space<vmem>>) target(%dma_start3A_233 : memref<10240x64xf32, #tpu.memory_space<vmem_shared>>) offsets(%dma_start3A_230 : memref<80xi32, #tpu.memory_space<vmem>>) semaphore(%run_scoped3A_223 : memref<!tpu.dma_semaphore, #tpu.memory_space<semaphore_mem>>) {add = true}
        %dma_wait3A_234 = arith.constant 0 : i32
        %dma_wait3A_235 = arith.constant 0 : i32
        %dma_wait3A_236 = tpu.memref_slice %arg8[%run_scoped3A_134, %dma_wait3A_234, %dma_wait3A_235] : memref<5x80x64xf32, #tpu.memory_space<vmem>> -> memref<1x80x64xf32, #tpu.memory_space<vmem>>
        %dma_wait3A_237 = tpu.memref_squeeze %dma_wait3A_236 : memref<1x80x64xf32, #tpu.memory_space<vmem>> -> memref<80x64xf32, #tpu.memory_space<vmem>>
        %dma_wait3A_238 = arith.constant 0 : i32
        %dma_wait3A_239 = tpu.memref_slice %arg7[%add3A_118, %dma_wait3A_238] : memref<125x80xi32, #tpu.memory_space<vmem>> -> memref<1x80xi32, #tpu.memory_space<vmem>>
        %dma_wait3A_240 = tpu.memref_squeeze %dma_wait3A_239 : memref<1x80xi32, #tpu.memory_space<vmem>> -> memref<80xi32, #tpu.memory_space<vmem>>
        %dma_wait3A_241 = arith.constant 0 : i32
        %dma_wait3A_242 = arith.constant 0 : i32
        %dma_wait3A_243 = tpu.memref_slice %arg9[%dma_wait3A_241, %dma_wait3A_242] : memref<10240x64xf32, #tpu.memory_space<vmem_shared>> -> memref<10240x64xf32, #tpu.memory_space<vmem_shared>>
        tpu.wait_indirect_dma semaphore(%run_scoped3A_223 : memref<!tpu.dma_semaphore, #tpu.memory_space<semaphore_mem>>) src(%dma_wait3A_237 : memref<80x64xf32, #tpu.memory_space<vmem>>) dst(%dma_wait3A_243 : memref<10240x64xf32, #tpu.memory_space<vmem_shared>>)
        tpu.yield
      }) : () -> ()
      %add3A_135 = arith.constant 5 : i32
      %add3A_136 = arith.addi %add3A_118, %add3A_135 : i32
      %lt3A_137 = arith.constant 125 : i32
      %lt3A_138 = arith.cmpi slt, %add3A_136, %lt3A_137 : i32
      %convert_element_type3A_139 = arith.extui %lt3A_138 : i1 to i32
      %cond3A_140 = arith.constant 0 : i32
      %cond3A_141 = arith.cmpi ne, %convert_element_type3A_139, %cond3A_140 : i32
      scf.if %cond3A_141 {
        %mul3A_223 = arith.constant 80 : i32
        %mul3A_224 = arith.muli %add3A_136, %mul3A_223 : i32
        %multiple_of3A_225 = tpu.assume_multiple %mul3A_224, 8 : i32
        %dma_start3A_226 = arith.constant 1 : i32
        %dma_start3A_227 = arith.constant 1 : i32
        %dma_start3A_228 = arith.constant 0 : i32
        %dma_start3A_229 = arith.constant 0 : i32
        %dma_start3A_230 = tpu.memref_slice %arg8[%dma_start3A_226, %dma_start3A_228, %dma_start3A_229] : memref<5x80x64xf32, #tpu.memory_space<vmem>> -> memref<1x80x64xf32, #tpu.memory_space<vmem>>
        %dma_start3A_231 = tpu.memref_squeeze %dma_start3A_230 : memref<1x80x64xf32, #tpu.memory_space<vmem>> -> memref<80x64xf32, #tpu.memory_space<vmem>>
        %dma_start3A_232 = tpu.memref_slice %arg6[%multiple_of3A_225] : memref<10000xi32, #tpu.memory_space<vmem>> -> memref<80xi32, #tpu.memory_space<vmem>>
        %dma_start3A_233 = arith.constant 0 : i32
        %dma_start3A_234 = arith.constant 0 : i32
        %dma_start3A_235 = tpu.memref_slice %arg2[%dma_start3A_233, %dma_start3A_234] : memref<10240x64xf32, #tpu.memory_space<hbm>> -> memref<10240x64xf32, #tpu.memory_space<hbm>>
        %dma_start3A_236 = tpu.memref_slice %arg11[%dma_start3A_227] : memref<5x!tpu.dma_semaphore, #tpu.memory_space<semaphore_mem>> -> memref<1x!tpu.dma_semaphore, #tpu.memory_space<semaphore_mem>>
        %dma_start3A_237 = tpu.memref_squeeze %dma_start3A_236 : memref<1x!tpu.dma_semaphore, #tpu.memory_space<semaphore_mem>> -> memref<!tpu.dma_semaphore, #tpu.memory_space<semaphore_mem>>
        tpu.enqueue_indirect_dma source(%dma_start3A_235 : memref<10240x64xf32, #tpu.memory_space<hbm>>) target(%dma_start3A_231 : memref<80x64xf32, #tpu.memory_space<vmem>>) offsets(%dma_start3A_232 : memref<80xi32, #tpu.memory_space<vmem>>) semaphore(%dma_start3A_237 : memref<!tpu.dma_semaphore, #tpu.memory_space<semaphore_mem>>)
      } else {
      }
      %mul3A_142 = arith.constant 5 : i32
      %mul3A_143 = arith.muli %scan3A_93, %mul3A_142 : i32
      %add3A_144 = arith.constant 2 : i32
      %add3A_145 = arith.addi %mul3A_143, %add3A_144 : i32
      %mul3A_146 = arith.constant 80 : i32
      %mul3A_147 = arith.muli %add3A_145, %mul3A_146 : i32
      %multiple_of3A_148 = tpu.assume_multiple %mul3A_147, 8 : i32
      %dma_wait3A_149 = arith.constant 2 : i32
      %dma_wait3A_150 = arith.constant 2 : i32
      %dma_wait3A_151 = arith.constant 0 : i32
      %dma_wait3A_152 = arith.constant 0 : i32
      %dma_wait3A_153 = tpu.memref_slice %arg8[%dma_wait3A_149, %dma_wait3A_151, %dma_wait3A_152] : memref<5x80x64xf32, #tpu.memory_space<vmem>> -> memref<1x80x64xf32, #tpu.memory_space<vmem>>
      %dma_wait3A_154 = tpu.memref_squeeze %dma_wait3A_153 : memref<1x80x64xf32, #tpu.memory_space<vmem>> -> memref<80x64xf32, #tpu.memory_space<vmem>>
      %dma_wait3A_155 = tpu.memref_slice %arg6[%multiple_of3A_148] : memref<10000xi32, #tpu.memory_space<vmem>> -> memref<80xi32, #tpu.memory_space<vmem>>
      %dma_wait3A_156 = arith.constant 0 : i32
      %dma_wait3A_157 = arith.constant 0 : i32
      %dma_wait3A_158 = tpu.memref_slice %arg2[%dma_wait3A_156, %dma_wait3A_157] : memref<10240x64xf32, #tpu.memory_space<hbm>> -> memref<10240x64xf32, #tpu.memory_space<hbm>>
      %dma_wait3A_159 = tpu.memref_slice %arg11[%dma_wait3A_150] : memref<5x!tpu.dma_semaphore, #tpu.memory_space<semaphore_mem>> -> memref<1x!tpu.dma_semaphore, #tpu.memory_space<semaphore_mem>>
      %dma_wait3A_160 = tpu.memref_squeeze %dma_wait3A_159 : memref<1x!tpu.dma_semaphore, #tpu.memory_space<semaphore_mem>> -> memref<!tpu.dma_semaphore, #tpu.memory_space<semaphore_mem>>
      tpu.wait_indirect_dma semaphore(%dma_wait3A_160 : memref<!tpu.dma_semaphore, #tpu.memory_space<semaphore_mem>>) src(%dma_wait3A_158 : memref<10240x64xf32, #tpu.memory_space<hbm>>) dst(%dma_wait3A_154 : memref<80x64xf32, #tpu.memory_space<vmem>>)
      %run_scoped3A_161 = arith.constant 2 : i32
      "tpu.region"() ({
        %run_scoped3A_223 = tpu.sem_alloc : memref<!tpu.dma_semaphore, #tpu.memory_space<semaphore_mem>>
        %dma_start3A_224 = arith.constant 0 : i32
        %dma_start3A_225 = arith.constant 0 : i32
        %dma_start3A_226 = tpu.memref_slice %arg8[%run_scoped3A_161, %dma_start3A_224, %dma_start3A_225] : memref<5x80x64xf32, #tpu.memory_space<vmem>> -> memref<1x80x64xf32, #tpu.memory_space<vmem>>
        %dma_start3A_227 = tpu.memref_squeeze %dma_start3A_226 : memref<1x80x64xf32, #tpu.memory_space<vmem>> -> memref<80x64xf32, #tpu.memory_space<vmem>>
        %dma_start3A_228 = arith.constant 0 : i32
        %dma_start3A_229 = tpu.memref_slice %arg7[%add3A_145, %dma_start3A_228] : memref<125x80xi32, #tpu.memory_space<vmem>> -> memref<1x80xi32, #tpu.memory_space<vmem>>
        %dma_start3A_230 = tpu.memref_squeeze %dma_start3A_229 : memref<1x80xi32, #tpu.memory_space<vmem>> -> memref<80xi32, #tpu.memory_space<vmem>>
        %dma_start3A_231 = arith.constant 0 : i32
        %dma_start3A_232 = arith.constant 0 : i32
        %dma_start3A_233 = tpu.memref_slice %arg9[%dma_start3A_231, %dma_start3A_232] : memref<10240x64xf32, #tpu.memory_space<vmem_shared>> -> memref<10240x64xf32, #tpu.memory_space<vmem_shared>>
        tpu.enqueue_indirect_dma source(%dma_start3A_227 : memref<80x64xf32, #tpu.memory_space<vmem>>) target(%dma_start3A_233 : memref<10240x64xf32, #tpu.memory_space<vmem_shared>>) offsets(%dma_start3A_230 : memref<80xi32, #tpu.memory_space<vmem>>) semaphore(%run_scoped3A_223 : memref<!tpu.dma_semaphore, #tpu.memory_space<semaphore_mem>>) {add = true}
        %dma_wait3A_234 = arith.constant 0 : i32
        %dma_wait3A_235 = arith.constant 0 : i32
        %dma_wait3A_236 = tpu.memref_slice %arg8[%run_scoped3A_161, %dma_wait3A_234, %dma_wait3A_235] : memref<5x80x64xf32, #tpu.memory_space<vmem>> -> memref<1x80x64xf32, #tpu.memory_space<vmem>>
        %dma_wait3A_237 = tpu.memref_squeeze %dma_wait3A_236 : memref<1x80x64xf32, #tpu.memory_space<vmem>> -> memref<80x64xf32, #tpu.memory_space<vmem>>
        %dma_wait3A_238 = arith.constant 0 : i32
        %dma_wait3A_239 = tpu.memref_slice %arg7[%add3A_145, %dma_wait3A_238] : memref<125x80xi32, #tpu.memory_space<vmem>> -> memref<1x80xi32, #tpu.memory_space<vmem>>
        %dma_wait3A_240 = tpu.memref_squeeze %dma_wait3A_239 : memref<1x80xi32, #tpu.memory_space<vmem>> -> memref<80xi32, #tpu.memory_space<vmem>>
        %dma_wait3A_241 = arith.constant 0 : i32
        %dma_wait3A_242 = arith.constant 0 : i32
        %dma_wait3A_243 = tpu.memref_slice %arg9[%dma_wait3A_241, %dma_wait3A_242] : memref<10240x64xf32, #tpu.memory_space<vmem_shared>> -> memref<10240x64xf32, #tpu.memory_space<vmem_shared>>
        tpu.wait_indirect_dma semaphore(%run_scoped3A_223 : memref<!tpu.dma_semaphore, #tpu.memory_space<semaphore_mem>>) src(%dma_wait3A_237 : memref<80x64xf32, #tpu.memory_space<vmem>>) dst(%dma_wait3A_243 : memref<10240x64xf32, #tpu.memory_space<vmem_shared>>)
        tpu.yield
      }) : () -> ()
      %add3A_162 = arith.constant 5 : i32
      %add3A_163 = arith.addi %add3A_145, %add3A_162 : i32
      %lt3A_164 = arith.constant 125 : i32
      %lt3A_165 = arith.cmpi slt, %add3A_163, %lt3A_164 : i32
      %convert_element_type3A_166 = arith.extui %lt3A_165 : i1 to i32
      %cond3A_167 = arith.constant 0 : i32
      %cond3A_168 = arith.cmpi ne, %convert_element_type3A_166, %cond3A_167 : i32
      scf.if %cond3A_168 {
        %mul3A_223 = arith.constant 80 : i32
        %mul3A_224 = arith.muli %add3A_163, %mul3A_223 : i32
        %multiple_of3A_225 = tpu.assume_multiple %mul3A_224, 8 : i32
        %dma_start3A_226 = arith.constant 2 : i32
        %dma_start3A_227 = arith.constant 2 : i32
        %dma_start3A_228 = arith.constant 0 : i32
        %dma_start3A_229 = arith.constant 0 : i32
        %dma_start3A_230 = tpu.memref_slice %arg8[%dma_start3A_226, %dma_start3A_228, %dma_start3A_229] : memref<5x80x64xf32, #tpu.memory_space<vmem>> -> memref<1x80x64xf32, #tpu.memory_space<vmem>>
        %dma_start3A_231 = tpu.memref_squeeze %dma_start3A_230 : memref<1x80x64xf32, #tpu.memory_space<vmem>> -> memref<80x64xf32, #tpu.memory_space<vmem>>
        %dma_start3A_232 = tpu.memref_slice %arg6[%multiple_of3A_225] : memref<10000xi32, #tpu.memory_space<vmem>> -> memref<80xi32, #tpu.memory_space<vmem>>
        %dma_start3A_233 = arith.constant 0 : i32
        %dma_start3A_234 = arith.constant 0 : i32
        %dma_start3A_235 = tpu.memref_slice %arg2[%dma_start3A_233, %dma_start3A_234] : memref<10240x64xf32, #tpu.memory_space<hbm>> -> memref<10240x64xf32, #tpu.memory_space<hbm>>
        %dma_start3A_236 = tpu.memref_slice %arg11[%dma_start3A_227] : memref<5x!tpu.dma_semaphore, #tpu.memory_space<semaphore_mem>> -> memref<1x!tpu.dma_semaphore, #tpu.memory_space<semaphore_mem>>
        %dma_start3A_237 = tpu.memref_squeeze %dma_start3A_236 : memref<1x!tpu.dma_semaphore, #tpu.memory_space<semaphore_mem>> -> memref<!tpu.dma_semaphore, #tpu.memory_space<semaphore_mem>>
        tpu.enqueue_indirect_dma source(%dma_start3A_235 : memref<10240x64xf32, #tpu.memory_space<hbm>>) target(%dma_start3A_231 : memref<80x64xf32, #tpu.memory_space<vmem>>) offsets(%dma_start3A_232 : memref<80xi32, #tpu.memory_space<vmem>>) semaphore(%dma_start3A_237 : memref<!tpu.dma_semaphore, #tpu.memory_space<semaphore_mem>>)
      } else {
      }
      %mul3A_169 = arith.constant 5 : i32
      %mul3A_170 = arith.muli %scan3A_93, %mul3A_169 : i32
      %add3A_171 = arith.constant 3 : i32
      %add3A_172 = arith.addi %mul3A_170, %add3A_171 : i32
      %mul3A_173 = arith.constant 80 : i32
      %mul3A_174 = arith.muli %add3A_172, %mul3A_173 : i32
      %multiple_of3A_175 = tpu.assume_multiple %mul3A_174, 8 : i32
      %dma_wait3A_176 = arith.constant 3 : i32
      %dma_wait3A_177 = arith.constant 3 : i32
      %dma_wait3A_178 = arith.constant 0 : i32
      %dma_wait3A_179 = arith.constant 0 : i32
      %dma_wait3A_180 = tpu.memref_slice %arg8[%dma_wait3A_176, %dma_wait3A_178, %dma_wait3A_179] : memref<5x80x64xf32, #tpu.memory_space<vmem>> -> memref<1x80x64xf32, #tpu.memory_space<vmem>>
      %dma_wait3A_181 = tpu.memref_squeeze %dma_wait3A_180 : memref<1x80x64xf32, #tpu.memory_space<vmem>> -> memref<80x64xf32, #tpu.memory_space<vmem>>
      %dma_wait3A_182 = tpu.memref_slice %arg6[%multiple_of3A_175] : memref<10000xi32, #tpu.memory_space<vmem>> -> memref<80xi32, #tpu.memory_space<vmem>>
      %dma_wait3A_183 = arith.constant 0 : i32
      %dma_wait3A_184 = arith.constant 0 : i32
      %dma_wait3A_185 = tpu.memref_slice %arg2[%dma_wait3A_183, %dma_wait3A_184] : memref<10240x64xf32, #tpu.memory_space<hbm>> -> memref<10240x64xf32, #tpu.memory_space<hbm>>
      %dma_wait3A_186 = tpu.memref_slice %arg11[%dma_wait3A_177] : memref<5x!tpu.dma_semaphore, #tpu.memory_space<semaphore_mem>> -> memref<1x!tpu.dma_semaphore, #tpu.memory_space<semaphore_mem>>
      %dma_wait3A_187 = tpu.memref_squeeze %dma_wait3A_186 : memref<1x!tpu.dma_semaphore, #tpu.memory_space<semaphore_mem>> -> memref<!tpu.dma_semaphore, #tpu.memory_space<semaphore_mem>>
      tpu.wait_indirect_dma semaphore(%dma_wait3A_187 : memref<!tpu.dma_semaphore, #tpu.memory_space<semaphore_mem>>) src(%dma_wait3A_185 : memref<10240x64xf32, #tpu.memory_space<hbm>>) dst(%dma_wait3A_181 : memref<80x64xf32, #tpu.memory_space<vmem>>)
      %run_scoped3A_188 = arith.constant 3 : i32
      "tpu.region"() ({
        %run_scoped3A_223 = tpu.sem_alloc : memref<!tpu.dma_semaphore, #tpu.memory_space<semaphore_mem>>
        %dma_start3A_224 = arith.constant 0 : i32
        %dma_start3A_225 = arith.constant 0 : i32
        %dma_start3A_226 = tpu.memref_slice %arg8[%run_scoped3A_188, %dma_start3A_224, %dma_start3A_225] : memref<5x80x64xf32, #tpu.memory_space<vmem>> -> memref<1x80x64xf32, #tpu.memory_space<vmem>>
        %dma_start3A_227 = tpu.memref_squeeze %dma_start3A_226 : memref<1x80x64xf32, #tpu.memory_space<vmem>> -> memref<80x64xf32, #tpu.memory_space<vmem>>
        %dma_start3A_228 = arith.constant 0 : i32
        %dma_start3A_229 = tpu.memref_slice %arg7[%add3A_172, %dma_start3A_228] : memref<125x80xi32, #tpu.memory_space<vmem>> -> memref<1x80xi32, #tpu.memory_space<vmem>>
        %dma_start3A_230 = tpu.memref_squeeze %dma_start3A_229 : memref<1x80xi32, #tpu.memory_space<vmem>> -> memref<80xi32, #tpu.memory_space<vmem>>
        %dma_start3A_231 = arith.constant 0 : i32
        %dma_start3A_232 = arith.constant 0 : i32
        %dma_start3A_233 = tpu.memref_slice %arg9[%dma_start3A_231, %dma_start3A_232] : memref<10240x64xf32, #tpu.memory_space<vmem_shared>> -> memref<10240x64xf32, #tpu.memory_space<vmem_shared>>
        tpu.enqueue_indirect_dma source(%dma_start3A_227 : memref<80x64xf32, #tpu.memory_space<vmem>>) target(%dma_start3A_233 : memref<10240x64xf32, #tpu.memory_space<vmem_shared>>) offsets(%dma_start3A_230 : memref<80xi32, #tpu.memory_space<vmem>>) semaphore(%run_scoped3A_223 : memref<!tpu.dma_semaphore, #tpu.memory_space<semaphore_mem>>) {add = true}
        %dma_wait3A_234 = arith.constant 0 : i32
        %dma_wait3A_235 = arith.constant 0 : i32
        %dma_wait3A_236 = tpu.memref_slice %arg8[%run_scoped3A_188, %dma_wait3A_234, %dma_wait3A_235] : memref<5x80x64xf32, #tpu.memory_space<vmem>> -> memref<1x80x64xf32, #tpu.memory_space<vmem>>
        %dma_wait3A_237 = tpu.memref_squeeze %dma_wait3A_236 : memref<1x80x64xf32, #tpu.memory_space<vmem>> -> memref<80x64xf32, #tpu.memory_space<vmem>>
        %dma_wait3A_238 = arith.constant 0 : i32
        %dma_wait3A_239 = tpu.memref_slice %arg7[%add3A_172, %dma_wait3A_238] : memref<125x80xi32, #tpu.memory_space<vmem>> -> memref<1x80xi32, #tpu.memory_space<vmem>>
        %dma_wait3A_240 = tpu.memref_squeeze %dma_wait3A_239 : memref<1x80xi32, #tpu.memory_space<vmem>> -> memref<80xi32, #tpu.memory_space<vmem>>
        %dma_wait3A_241 = arith.constant 0 : i32
        %dma_wait3A_242 = arith.constant 0 : i32
        %dma_wait3A_243 = tpu.memref_slice %arg9[%dma_wait3A_241, %dma_wait3A_242] : memref<10240x64xf32, #tpu.memory_space<vmem_shared>> -> memref<10240x64xf32, #tpu.memory_space<vmem_shared>>
        tpu.wait_indirect_dma semaphore(%run_scoped3A_223 : memref<!tpu.dma_semaphore, #tpu.memory_space<semaphore_mem>>) src(%dma_wait3A_237 : memref<80x64xf32, #tpu.memory_space<vmem>>) dst(%dma_wait3A_243 : memref<10240x64xf32, #tpu.memory_space<vmem_shared>>)
        tpu.yield
      }) : () -> ()
      %add3A_189 = arith.constant 5 : i32
      %add3A_190 = arith.addi %add3A_172, %add3A_189 : i32
      %lt3A_191 = arith.constant 125 : i32
      %lt3A_192 = arith.cmpi slt, %add3A_190, %lt3A_191 : i32
      %convert_element_type3A_193 = arith.extui %lt3A_192 : i1 to i32
      %cond3A_194 = arith.constant 0 : i32
      %cond3A_195 = arith.cmpi ne, %convert_element_type3A_193, %cond3A_194 : i32
      scf.if %cond3A_195 {
        %mul3A_223 = arith.constant 80 : i32
        %mul3A_224 = arith.muli %add3A_190, %mul3A_223 : i32
        %multiple_of3A_225 = tpu.assume_multiple %mul3A_224, 8 : i32
        %dma_start3A_226 = arith.constant 3 : i32
        %dma_start3A_227 = arith.constant 3 : i32
        %dma_start3A_228 = arith.constant 0 : i32
        %dma_start3A_229 = arith.constant 0 : i32
        %dma_start3A_230 = tpu.memref_slice %arg8[%dma_start3A_226, %dma_start3A_228, %dma_start3A_229] : memref<5x80x64xf32, #tpu.memory_space<vmem>> -> memref<1x80x64xf32, #tpu.memory_space<vmem>>
        %dma_start3A_231 = tpu.memref_squeeze %dma_start3A_230 : memref<1x80x64xf32, #tpu.memory_space<vmem>> -> memref<80x64xf32, #tpu.memory_space<vmem>>
        %dma_start3A_232 = tpu.memref_slice %arg6[%multiple_of3A_225] : memref<10000xi32, #tpu.memory_space<vmem>> -> memref<80xi32, #tpu.memory_space<vmem>>
        %dma_start3A_233 = arith.constant 0 : i32
        %dma_start3A_234 = arith.constant 0 : i32
        %dma_start3A_235 = tpu.memref_slice %arg2[%dma_start3A_233, %dma_start3A_234] : memref<10240x64xf32, #tpu.memory_space<hbm>> -> memref<10240x64xf32, #tpu.memory_space<hbm>>
        %dma_start3A_236 = tpu.memref_slice %arg11[%dma_start3A_227] : memref<5x!tpu.dma_semaphore, #tpu.memory_space<semaphore_mem>> -> memref<1x!tpu.dma_semaphore, #tpu.memory_space<semaphore_mem>>
        %dma_start3A_237 = tpu.memref_squeeze %dma_start3A_236 : memref<1x!tpu.dma_semaphore, #tpu.memory_space<semaphore_mem>> -> memref<!tpu.dma_semaphore, #tpu.memory_space<semaphore_mem>>
        tpu.enqueue_indirect_dma source(%dma_start3A_235 : memref<10240x64xf32, #tpu.memory_space<hbm>>) target(%dma_start3A_231 : memref<80x64xf32, #tpu.memory_space<vmem>>) offsets(%dma_start3A_232 : memref<80xi32, #tpu.memory_space<vmem>>) semaphore(%dma_start3A_237 : memref<!tpu.dma_semaphore, #tpu.memory_space<semaphore_mem>>)
      } else {
      }
      %mul3A_196 = arith.constant 5 : i32
      %mul3A_197 = arith.muli %scan3A_93, %mul3A_196 : i32
      %add3A_198 = arith.constant 4 : i32
      %add3A_199 = arith.addi %mul3A_197, %add3A_198 : i32
      %mul3A_200 = arith.constant 80 : i32
      %mul3A_201 = arith.muli %add3A_199, %mul3A_200 : i32
      %multiple_of3A_202 = tpu.assume_multiple %mul3A_201, 8 : i32
      %dma_wait3A_203 = arith.constant 4 : i32
      %dma_wait3A_204 = arith.constant 4 : i32
      %dma_wait3A_205 = arith.constant 0 : i32
      %dma_wait3A_206 = arith.constant 0 : i32
      %dma_wait3A_207 = tpu.memref_slice %arg8[%dma_wait3A_203, %dma_wait3A_205, %dma_wait3A_206] : memref<5x80x64xf32, #tpu.memory_space<vmem>> -> memref<1x80x64xf32, #tpu.memory_space<vmem>>
      %dma_wait3A_208 = tpu.memref_squeeze %dma_wait3A_207 : memref<1x80x64xf32, #tpu.memory_space<vmem>> -> memref<80x64xf32, #tpu.memory_space<vmem>>
      %dma_wait3A_209 = tpu.memref_slice %arg6[%multiple_of3A_202] : memref<10000xi32, #tpu.memory_space<vmem>> -> memref<80xi32, #tpu.memory_space<vmem>>
      %dma_wait3A_210 = arith.constant 0 : i32
      %dma_wait3A_211 = arith.constant 0 : i32
      %dma_wait3A_212 = tpu.memref_slice %arg2[%dma_wait3A_210, %dma_wait3A_211] : memref<10240x64xf32, #tpu.memory_space<hbm>> -> memref<10240x64xf32, #tpu.memory_space<hbm>>
      %dma_wait3A_213 = tpu.memref_slice %arg11[%dma_wait3A_204] : memref<5x!tpu.dma_semaphore, #tpu.memory_space<semaphore_mem>> -> memref<1x!tpu.dma_semaphore, #tpu.memory_space<semaphore_mem>>
      %dma_wait3A_214 = tpu.memref_squeeze %dma_wait3A_213 : memref<1x!tpu.dma_semaphore, #tpu.memory_space<semaphore_mem>> -> memref<!tpu.dma_semaphore, #tpu.memory_space<semaphore_mem>>
      tpu.wait_indirect_dma semaphore(%dma_wait3A_214 : memref<!tpu.dma_semaphore, #tpu.memory_space<semaphore_mem>>) src(%dma_wait3A_212 : memref<10240x64xf32, #tpu.memory_space<hbm>>) dst(%dma_wait3A_208 : memref<80x64xf32, #tpu.memory_space<vmem>>)
      %run_scoped3A_215 = arith.constant 4 : i32
      "tpu.region"() ({
        %run_scoped3A_223 = tpu.sem_alloc : memref<!tpu.dma_semaphore, #tpu.memory_space<semaphore_mem>>
        %dma_start3A_224 = arith.constant 0 : i32
        %dma_start3A_225 = arith.constant 0 : i32
        %dma_start3A_226 = tpu.memref_slice %arg8[%run_scoped3A_215, %dma_start3A_224, %dma_start3A_225] : memref<5x80x64xf32, #tpu.memory_space<vmem>> -> memref<1x80x64xf32, #tpu.memory_space<vmem>>
        %dma_start3A_227 = tpu.memref_squeeze %dma_start3A_226 : memref<1x80x64xf32, #tpu.memory_space<vmem>> -> memref<80x64xf32, #tpu.memory_space<vmem>>
        %dma_start3A_228 = arith.constant 0 : i32
        %dma_start3A_229 = tpu.memref_slice %arg7[%add3A_199, %dma_start3A_228] : memref<125x80xi32, #tpu.memory_space<vmem>> -> memref<1x80xi32, #tpu.memory_space<vmem>>
        %dma_start3A_230 = tpu.memref_squeeze %dma_start3A_229 : memref<1x80xi32, #tpu.memory_space<vmem>> -> memref<80xi32, #tpu.memory_space<vmem>>
        %dma_start3A_231 = arith.constant 0 : i32
        %dma_start3A_232 = arith.constant 0 : i32
        %dma_start3A_233 = tpu.memref_slice %arg9[%dma_start3A_231, %dma_start3A_232] : memref<10240x64xf32, #tpu.memory_space<vmem_shared>> -> memref<10240x64xf32, #tpu.memory_space<vmem_shared>>
        tpu.enqueue_indirect_dma source(%dma_start3A_227 : memref<80x64xf32, #tpu.memory_space<vmem>>) target(%dma_start3A_233 : memref<10240x64xf32, #tpu.memory_space<vmem_shared>>) offsets(%dma_start3A_230 : memref<80xi32, #tpu.memory_space<vmem>>) semaphore(%run_scoped3A_223 : memref<!tpu.dma_semaphore, #tpu.memory_space<semaphore_mem>>) {add = true}
        %dma_wait3A_234 = arith.constant 0 : i32
        %dma_wait3A_235 = arith.constant 0 : i32
        %dma_wait3A_236 = tpu.memref_slice %arg8[%run_scoped3A_215, %dma_wait3A_234, %dma_wait3A_235] : memref<5x80x64xf32, #tpu.memory_space<vmem>> -> memref<1x80x64xf32, #tpu.memory_space<vmem>>
        %dma_wait3A_237 = tpu.memref_squeeze %dma_wait3A_236 : memref<1x80x64xf32, #tpu.memory_space<vmem>> -> memref<80x64xf32, #tpu.memory_space<vmem>>
        %dma_wait3A_238 = arith.constant 0 : i32
        %dma_wait3A_239 = tpu.memref_slice %arg7[%add3A_199, %dma_wait3A_238] : memref<125x80xi32, #tpu.memory_space<vmem>> -> memref<1x80xi32, #tpu.memory_space<vmem>>
        %dma_wait3A_240 = tpu.memref_squeeze %dma_wait3A_239 : memref<1x80xi32, #tpu.memory_space<vmem>> -> memref<80xi32, #tpu.memory_space<vmem>>
        %dma_wait3A_241 = arith.constant 0 : i32
        %dma_wait3A_242 = arith.constant 0 : i32
        %dma_wait3A_243 = tpu.memref_slice %arg9[%dma_wait3A_241, %dma_wait3A_242] : memref<10240x64xf32, #tpu.memory_space<vmem_shared>> -> memref<10240x64xf32, #tpu.memory_space<vmem_shared>>
        tpu.wait_indirect_dma semaphore(%run_scoped3A_223 : memref<!tpu.dma_semaphore, #tpu.memory_space<semaphore_mem>>) src(%dma_wait3A_237 : memref<80x64xf32, #tpu.memory_space<vmem>>) dst(%dma_wait3A_243 : memref<10240x64xf32, #tpu.memory_space<vmem_shared>>)
        tpu.yield
      }) : () -> ()
      %add3A_216 = arith.constant 5 : i32
      %add3A_217 = arith.addi %add3A_199, %add3A_216 : i32
      %lt3A_218 = arith.constant 125 : i32
      %lt3A_219 = arith.cmpi slt, %add3A_217, %lt3A_218 : i32
      %convert_element_type3A_220 = arith.extui %lt3A_219 : i1 to i32
      %cond3A_221 = arith.constant 0 : i32
      %cond3A_222 = arith.cmpi ne, %convert_element_type3A_220, %cond3A_221 : i32
      scf.if %cond3A_222 {
        %mul3A_223 = arith.constant 80 : i32
        %mul3A_224 = arith.muli %add3A_217, %mul3A_223 : i32
        %multiple_of3A_225 = tpu.assume_multiple %mul3A_224, 8 : i32
        %dma_start3A_226 = arith.constant 4 : i32
        %dma_start3A_227 = arith.constant 4 : i32
        %dma_start3A_228 = arith.constant 0 : i32
        %dma_start3A_229 = arith.constant 0 : i32
        %dma_start3A_230 = tpu.memref_slice %arg8[%dma_start3A_226, %dma_start3A_228, %dma_start3A_229] : memref<5x80x64xf32, #tpu.memory_space<vmem>> -> memref<1x80x64xf32, #tpu.memory_space<vmem>>
        %dma_start3A_231 = tpu.memref_squeeze %dma_start3A_230 : memref<1x80x64xf32, #tpu.memory_space<vmem>> -> memref<80x64xf32, #tpu.memory_space<vmem>>
        %dma_start3A_232 = tpu.memref_slice %arg6[%multiple_of3A_225] : memref<10000xi32, #tpu.memory_space<vmem>> -> memref<80xi32, #tpu.memory_space<vmem>>
        %dma_start3A_233 = arith.constant 0 : i32
        %dma_start3A_234 = arith.constant 0 : i32
        %dma_start3A_235 = tpu.memref_slice %arg2[%dma_start3A_233, %dma_start3A_234] : memref<10240x64xf32, #tpu.memory_space<hbm>> -> memref<10240x64xf32, #tpu.memory_space<hbm>>
        %dma_start3A_236 = tpu.memref_slice %arg11[%dma_start3A_227] : memref<5x!tpu.dma_semaphore, #tpu.memory_space<semaphore_mem>> -> memref<1x!tpu.dma_semaphore, #tpu.memory_space<semaphore_mem>>
        %dma_start3A_237 = tpu.memref_squeeze %dma_start3A_236 : memref<1x!tpu.dma_semaphore, #tpu.memory_space<semaphore_mem>> -> memref<!tpu.dma_semaphore, #tpu.memory_space<semaphore_mem>>
        tpu.enqueue_indirect_dma source(%dma_start3A_235 : memref<10240x64xf32, #tpu.memory_space<hbm>>) target(%dma_start3A_231 : memref<80x64xf32, #tpu.memory_space<vmem>>) offsets(%dma_start3A_232 : memref<80xi32, #tpu.memory_space<vmem>>) semaphore(%dma_start3A_237 : memref<!tpu.dma_semaphore, #tpu.memory_space<semaphore_mem>>)
      } else {
      }
    }
    %scan3A_87 = arith.constant 25 : i32
    %barrier3A_88 = arith.constant 0 : index
    tpu.barrier barrier_id(%barrier3A_88)
    %mul3A_89 = arith.constant 640 : i32
    %mul3A_90 = arith.muli %arg1, %mul3A_89 : i32
    %mul3A_91 = arith.constant 640 : i32
    %mul3A_92 = arith.muli %arg1, %mul3A_91 : i32
    "tpu.region"() ({
      %run_scoped3A = tpu.sem_alloc : memref<!tpu.dma_semaphore, #tpu.memory_space<semaphore_mem>>
      %dma_start3A_93 = arith.constant 0 : i32
      %dma_start3A_94 = tpu.memref_slice %arg5[%arg0, %mul3A_92, %dma_start3A_93] : memref<2x10240x64xf32, #tpu.memory_space<hbm>> -> memref<1x640x64xf32, #tpu.memory_space<hbm>>
      %dma_start3A_95 = tpu.memref_squeeze %dma_start3A_94 : memref<1x640x64xf32, #tpu.memory_space<hbm>> -> memref<640x64xf32, #tpu.memory_space<hbm>>
      %dma_start3A_96 = arith.constant 0 : i32
      %dma_start3A_97 = tpu.memref_slice %arg9[%mul3A_90, %dma_start3A_96] : memref<10240x64xf32, #tpu.memory_space<vmem_shared>> -> memref<640x64xf32, #tpu.memory_space<vmem_shared>>
      tpu.enqueue_dma source(%dma_start3A_97 : memref<640x64xf32, #tpu.memory_space<vmem_shared>>) target(%dma_start3A_95 : memref<640x64xf32, #tpu.memory_space<hbm>>) target_semaphore(%run_scoped3A : memref<!tpu.dma_semaphore, #tpu.memory_space<semaphore_mem>>)
      %dma_wait3A = arith.constant 0 : i32
      %dma_wait3A_98 = tpu.memref_slice %arg5[%arg0, %mul3A_92, %dma_wait3A] : memref<2x10240x64xf32, #tpu.memory_space<hbm>> -> memref<1x640x64xf32, #tpu.memory_space<hbm>>
      %dma_wait3A_99 = tpu.memref_squeeze %dma_wait3A_98 : memref<1x640x64xf32, #tpu.memory_space<hbm>> -> memref<640x64xf32, #tpu.memory_space<hbm>>
      %dma_wait3A_100 = arith.constant 0 : i32
      %dma_wait3A_101 = tpu.memref_slice %arg9[%mul3A_90, %dma_wait3A_100] : memref<10240x64xf32, #tpu.memory_space<vmem_shared>> -> memref<640x64xf32, #tpu.memory_space<vmem_shared>>
      tpu.wait_dma2 semaphore(%run_scoped3A : memref<!tpu.dma_semaphore, #tpu.memory_space<semaphore_mem>>) src(%dma_wait3A_101 : memref<640x64xf32, #tpu.memory_space<vmem_shared>>) dst(%dma_wait3A_99 : memref<640x64xf32, #tpu.memory_space<hbm>>)
      tpu.yield
    }) : () -> ()
    return
  }
}

#map = affine_map<(d0, d1) -> (0, 0)>
#map1 = affine_map<(d0, d1) -> (0)>
#map2 = affine_map<(d0, d1) -> (0, 0, 0)>
module attributes {stable_mosaic.version = 14 : i64} {
  func.func @_agg_body(%arg0: i32, %arg1: i32, %arg2: memref<10240x64xf32, #tpu.memory_space<hbm>>, %arg3: memref<320000xi32, #tpu.memory_space<hbm>>, %arg4: memref<320000xi32, #tpu.memory_space<hbm>>, %arg5: memref<2x10240x64xf32, #tpu.memory_space<hbm>>, %arg6: memref<10000xi32, #tpu.memory_space<vmem>>, %arg7: memref<125x80xi32, #tpu.memory_space<vmem>>, %arg8: memref<5x80x64xf32, #tpu.memory_space<vmem>>, %arg9: memref<10240x64xf32, #tpu.memory_space<vmem_shared>>, %arg10: memref<!tpu.dma_semaphore, #tpu.memory_space<semaphore_mem>>, %arg11: memref<5x!tpu.dma_semaphore, #tpu.memory_space<semaphore_mem>>) attributes {dimension_semantics = [#tpu.dimension_semantics<core_parallel>, #tpu.dimension_semantics<subcore_parallel>], iteration_bounds = array<i64: 2, 16>, scalar_prefetch = 0 : i64, scratch_operands = 6 : i64, tpu.core_type = #tpu.core_type<sc_vector_subcore>, window_params = [{transform_indices = #map}, {transform_indices = #map1}, {transform_indices = #map1}, {transform_indices = #map2}]} {
    %mul3A = arith.constant 16 : i32
    %mul3A_0 = arith.muli %arg0, %mul3A : i32
    %add3A = arith.addi %mul3A_0, %arg1 : i32
    %mul3A_1 = arith.constant 10000 : i32
    %mul3A_2 = arith.muli %add3A, %mul3A_1 : i32
    "tpu.region"() ({
      %run_scoped3A = tpu.sem_alloc : memref<!tpu.dma_semaphore, #tpu.memory_space<semaphore_mem>>
      %dma_start3A_93 = tpu.memref_slice %arg3[%mul3A_2] : memref<320000xi32, #tpu.memory_space<hbm>> -> memref<10000xi32, #tpu.memory_space<hbm>>
      %dma_start3A_94 = tpu.memref_slice %arg3[%mul3A_2] : memref<320000xi32, #tpu.memory_space<hbm>> -> memref<10000xi32, #tpu.memory_space<hbm>>
      tpu.enqueue_dma source(%dma_start3A_94 : memref<10000xi32, #tpu.memory_space<hbm>>) target(%arg6 : memref<10000xi32, #tpu.memory_space<vmem>>) target_semaphore(%run_scoped3A : memref<!tpu.dma_semaphore, #tpu.memory_space<semaphore_mem>>)
      %dma_wait3A = tpu.memref_slice %arg3[%mul3A_2] : memref<320000xi32, #tpu.memory_space<hbm>> -> memref<10000xi32, #tpu.memory_space<hbm>>
      %dma_wait3A_95 = tpu.memref_slice %arg3[%mul3A_2] : memref<320000xi32, #tpu.memory_space<hbm>> -> memref<10000xi32, #tpu.memory_space<hbm>>
      tpu.wait_dma2 semaphore(%run_scoped3A : memref<!tpu.dma_semaphore, #tpu.memory_space<semaphore_mem>>) src(%dma_wait3A_95 : memref<10000xi32, #tpu.memory_space<hbm>>) dst(%arg6 : memref<10000xi32, #tpu.memory_space<vmem>>)
      tpu.yield
    }) : () -> ()
    %scan3A = arith.constant 0 : i32
    %scan3A_3 = arith.constant 0 : i32
    %scan3A_4 = arith.constant 125 : i32
    %scan3A_5 = arith.addi %scan3A_3, %scan3A_4 : i32
    %scan3A_6 = arith.constant 1 : i32
    scf.for %scan3A_93 = %scan3A_3 to %scan3A_5 step %scan3A_6  : i32 {
      %mul3A_94 = arith.constant 80 : i32
      %mul3A_95 = arith.muli %scan3A_93, %mul3A_94 : i32
      %add3A_96 = arith.addi %mul3A_2, %mul3A_95 : i32
      %multiple_of3A = tpu.assume_multiple %add3A_96, 8 : i32
      %dma_start3A_97 = arith.constant 0 : i32
      %dma_start3A_98 = tpu.memref_slice %arg7[%scan3A_93, %dma_start3A_97] : memref<125x80xi32, #tpu.memory_space<vmem>> -> memref<1x80xi32, #tpu.memory_space<vmem>>
      %dma_start3A_99 = tpu.memref_squeeze %dma_start3A_98 : memref<1x80xi32, #tpu.memory_space<vmem>> -> memref<80xi32, #tpu.memory_space<vmem>>
      %dma_start3A_100 = tpu.memref_slice %arg4[%multiple_of3A] : memref<320000xi32, #tpu.memory_space<hbm>> -> memref<80xi32, #tpu.memory_space<hbm>>
      %dma_start3A_101 = arith.constant 0 : i32
      %dma_start3A_102 = tpu.memref_slice %arg7[%scan3A_93, %dma_start3A_101] : memref<125x80xi32, #tpu.memory_space<vmem>> -> memref<1x80xi32, #tpu.memory_space<vmem>>
      %dma_start3A_103 = tpu.memref_squeeze %dma_start3A_102 : memref<1x80xi32, #tpu.memory_space<vmem>> -> memref<80xi32, #tpu.memory_space<vmem>>
      %dma_start3A_104 = tpu.memref_slice %arg4[%multiple_of3A] : memref<320000xi32, #tpu.memory_space<hbm>> -> memref<80xi32, #tpu.memory_space<hbm>>
      tpu.enqueue_dma source(%dma_start3A_104 : memref<80xi32, #tpu.memory_space<hbm>>) target(%dma_start3A_103 : memref<80xi32, #tpu.memory_space<vmem>>) target_semaphore(%arg10 : memref<!tpu.dma_semaphore, #tpu.memory_space<semaphore_mem>>)
    }
    %scan3A_7 = arith.constant 125 : i32
    %dma_start3A = arith.constant 0 : i32
    %dma_start3A_8 = arith.constant 0 : i32
    %dma_start3A_9 = arith.constant 0 : i32
    %dma_start3A_10 = arith.constant 0 : i32
    %dma_start3A_11 = tpu.memref_slice %arg8[%dma_start3A, %dma_start3A_9, %dma_start3A_10] : memref<5x80x64xf32, #tpu.memory_space<vmem>> -> memref<1x80x64xf32, #tpu.memory_space<vmem>>
    %dma_start3A_12 = tpu.memref_squeeze %dma_start3A_11 : memref<1x80x64xf32, #tpu.memory_space<vmem>> -> memref<80x64xf32, #tpu.memory_space<vmem>>
    %dma_start3A_13 = arith.constant 0 : i32
    %dma_start3A_14 = tpu.memref_slice %arg6[%dma_start3A_13] : memref<10000xi32, #tpu.memory_space<vmem>> -> memref<80xi32, #tpu.memory_space<vmem>>
    %dma_start3A_15 = arith.constant 0 : i32
    %dma_start3A_16 = arith.constant 0 : i32
    %dma_start3A_17 = tpu.memref_slice %arg2[%dma_start3A_15, %dma_start3A_16] : memref<10240x64xf32, #tpu.memory_space<hbm>> -> memref<10240x64xf32, #tpu.memory_space<hbm>>
    %dma_start3A_18 = tpu.memref_slice %arg11[%dma_start3A_8] : memref<5x!tpu.dma_semaphore, #tpu.memory_space<semaphore_mem>> -> memref<1x!tpu.dma_semaphore, #tpu.memory_space<semaphore_mem>>
    %dma_start3A_19 = tpu.memref_squeeze %dma_start3A_18 : memref<1x!tpu.dma_semaphore, #tpu.memory_space<semaphore_mem>> -> memref<!tpu.dma_semaphore, #tpu.memory_space<semaphore_mem>>
    tpu.enqueue_indirect_dma source(%dma_start3A_17 : memref<10240x64xf32, #tpu.memory_space<hbm>>) target(%dma_start3A_12 : memref<80x64xf32, #tpu.memory_space<vmem>>) offsets(%dma_start3A_14 : memref<80xi32, #tpu.memory_space<vmem>>) semaphore(%dma_start3A_19 : memref<!tpu.dma_semaphore, #tpu.memory_space<semaphore_mem>>)
    %dma_start3A_20 = arith.constant 1 : i32
    %dma_start3A_21 = arith.constant 1 : i32
    %dma_start3A_22 = arith.constant 0 : i32
    %dma_start3A_23 = arith.constant 0 : i32
    %dma_start3A_24 = tpu.memref_slice %arg8[%dma_start3A_20, %dma_start3A_22, %dma_start3A_23] : memref<5x80x64xf32, #tpu.memory_space<vmem>> -> memref<1x80x64xf32, #tpu.memory_space<vmem>>
    %dma_start3A_25 = tpu.memref_squeeze %dma_start3A_24 : memref<1x80x64xf32, #tpu.memory_space<vmem>> -> memref<80x64xf32, #tpu.memory_space<vmem>>
    %dma_start3A_26 = arith.constant 80 : i32
    %dma_start3A_27 = tpu.memref_slice %arg6[%dma_start3A_26] : memref<10000xi32, #tpu.memory_space<vmem>> -> memref<80xi32, #tpu.memory_space<vmem>>
    %dma_start3A_28 = arith.constant 0 : i32
    %dma_start3A_29 = arith.constant 0 : i32
    %dma_start3A_30 = tpu.memref_slice %arg2[%dma_start3A_28, %dma_start3A_29] : memref<10240x64xf32, #tpu.memory_space<hbm>> -> memref<10240x64xf32, #tpu.memory_space<hbm>>
    %dma_start3A_31 = tpu.memref_slice %arg11[%dma_start3A_21] : memref<5x!tpu.dma_semaphore, #tpu.memory_space<semaphore_mem>> -> memref<1x!tpu.dma_semaphore, #tpu.memory_space<semaphore_mem>>
    %dma_start3A_32 = tpu.memref_squeeze %dma_start3A_31 : memref<1x!tpu.dma_semaphore, #tpu.memory_space<semaphore_mem>> -> memref<!tpu.dma_semaphore, #tpu.memory_space<semaphore_mem>>
    tpu.enqueue_indirect_dma source(%dma_start3A_30 : memref<10240x64xf32, #tpu.memory_space<hbm>>) target(%dma_start3A_25 : memref<80x64xf32, #tpu.memory_space<vmem>>) offsets(%dma_start3A_27 : memref<80xi32, #tpu.memory_space<vmem>>) semaphore(%dma_start3A_32 : memref<!tpu.dma_semaphore, #tpu.memory_space<semaphore_mem>>)
    %dma_start3A_33 = arith.constant 2 : i32
    %dma_start3A_34 = arith.constant 2 : i32
    %dma_start3A_35 = arith.constant 0 : i32
    %dma_start3A_36 = arith.constant 0 : i32
    %dma_start3A_37 = tpu.memref_slice %arg8[%dma_start3A_33, %dma_start3A_35, %dma_start3A_36] : memref<5x80x64xf32, #tpu.memory_space<vmem>> -> memref<1x80x64xf32, #tpu.memory_space<vmem>>
    %dma_start3A_38 = tpu.memref_squeeze %dma_start3A_37 : memref<1x80x64xf32, #tpu.memory_space<vmem>> -> memref<80x64xf32, #tpu.memory_space<vmem>>
    %dma_start3A_39 = arith.constant 160 : i32
    %dma_start3A_40 = tpu.memref_slice %arg6[%dma_start3A_39] : memref<10000xi32, #tpu.memory_space<vmem>> -> memref<80xi32, #tpu.memory_space<vmem>>
    %dma_start3A_41 = arith.constant 0 : i32
    %dma_start3A_42 = arith.constant 0 : i32
    %dma_start3A_43 = tpu.memref_slice %arg2[%dma_start3A_41, %dma_start3A_42] : memref<10240x64xf32, #tpu.memory_space<hbm>> -> memref<10240x64xf32, #tpu.memory_space<hbm>>
    %dma_start3A_44 = tpu.memref_slice %arg11[%dma_start3A_34] : memref<5x!tpu.dma_semaphore, #tpu.memory_space<semaphore_mem>> -> memref<1x!tpu.dma_semaphore, #tpu.memory_space<semaphore_mem>>
    %dma_start3A_45 = tpu.memref_squeeze %dma_start3A_44 : memref<1x!tpu.dma_semaphore, #tpu.memory_space<semaphore_mem>> -> memref<!tpu.dma_semaphore, #tpu.memory_space<semaphore_mem>>
    tpu.enqueue_indirect_dma source(%dma_start3A_43 : memref<10240x64xf32, #tpu.memory_space<hbm>>) target(%dma_start3A_38 : memref<80x64xf32, #tpu.memory_space<vmem>>) offsets(%dma_start3A_40 : memref<80xi32, #tpu.memory_space<vmem>>) semaphore(%dma_start3A_45 : memref<!tpu.dma_semaphore, #tpu.memory_space<semaphore_mem>>)
    %dma_start3A_46 = arith.constant 3 : i32
    %dma_start3A_47 = arith.constant 3 : i32
    %dma_start3A_48 = arith.constant 0 : i32
    %dma_start3A_49 = arith.constant 0 : i32
    %dma_start3A_50 = tpu.memref_slice %arg8[%dma_start3A_46, %dma_start3A_48, %dma_start3A_49] : memref<5x80x64xf32, #tpu.memory_space<vmem>> -> memref<1x80x64xf32, #tpu.memory_space<vmem>>
    %dma_start3A_51 = tpu.memref_squeeze %dma_start3A_50 : memref<1x80x64xf32, #tpu.memory_space<vmem>> -> memref<80x64xf32, #tpu.memory_space<vmem>>
    %dma_start3A_52 = arith.constant 240 : i32
    %dma_start3A_53 = tpu.memref_slice %arg6[%dma_start3A_52] : memref<10000xi32, #tpu.memory_space<vmem>> -> memref<80xi32, #tpu.memory_space<vmem>>
    %dma_start3A_54 = arith.constant 0 : i32
    %dma_start3A_55 = arith.constant 0 : i32
    %dma_start3A_56 = tpu.memref_slice %arg2[%dma_start3A_54, %dma_start3A_55] : memref<10240x64xf32, #tpu.memory_space<hbm>> -> memref<10240x64xf32, #tpu.memory_space<hbm>>
    %dma_start3A_57 = tpu.memref_slice %arg11[%dma_start3A_47] : memref<5x!tpu.dma_semaphore, #tpu.memory_space<semaphore_mem>> -> memref<1x!tpu.dma_semaphore, #tpu.memory_space<semaphore_mem>>
    %dma_start3A_58 = tpu.memref_squeeze %dma_start3A_57 : memref<1x!tpu.dma_semaphore, #tpu.memory_space<semaphore_mem>> -> memref<!tpu.dma_semaphore, #tpu.memory_space<semaphore_mem>>
    tpu.enqueue_indirect_dma source(%dma_start3A_56 : memref<10240x64xf32, #tpu.memory_space<hbm>>) target(%dma_start3A_51 : memref<80x64xf32, #tpu.memory_space<vmem>>) offsets(%dma_start3A_53 : memref<80xi32, #tpu.memory_space<vmem>>) semaphore(%dma_start3A_58 : memref<!tpu.dma_semaphore, #tpu.memory_space<semaphore_mem>>)
    %dma_start3A_59 = arith.constant 4 : i32
    %dma_start3A_60 = arith.constant 4 : i32
    %dma_start3A_61 = arith.constant 0 : i32
    %dma_start3A_62 = arith.constant 0 : i32
    %dma_start3A_63 = tpu.memref_slice %arg8[%dma_start3A_59, %dma_start3A_61, %dma_start3A_62] : memref<5x80x64xf32, #tpu.memory_space<vmem>> -> memref<1x80x64xf32, #tpu.memory_space<vmem>>
    %dma_start3A_64 = tpu.memref_squeeze %dma_start3A_63 : memref<1x80x64xf32, #tpu.memory_space<vmem>> -> memref<80x64xf32, #tpu.memory_space<vmem>>
    %dma_start3A_65 = arith.constant 320 : i32
    %dma_start3A_66 = tpu.memref_slice %arg6[%dma_start3A_65] : memref<10000xi32, #tpu.memory_space<vmem>> -> memref<80xi32, #tpu.memory_space<vmem>>
    %dma_start3A_67 = arith.constant 0 : i32
    %dma_start3A_68 = arith.constant 0 : i32
    %dma_start3A_69 = tpu.memref_slice %arg2[%dma_start3A_67, %dma_start3A_68] : memref<10240x64xf32, #tpu.memory_space<hbm>> -> memref<10240x64xf32, #tpu.memory_space<hbm>>
    %dma_start3A_70 = tpu.memref_slice %arg11[%dma_start3A_60] : memref<5x!tpu.dma_semaphore, #tpu.memory_space<semaphore_mem>> -> memref<1x!tpu.dma_semaphore, #tpu.memory_space<semaphore_mem>>
    %dma_start3A_71 = tpu.memref_squeeze %dma_start3A_70 : memref<1x!tpu.dma_semaphore, #tpu.memory_space<semaphore_mem>> -> memref<!tpu.dma_semaphore, #tpu.memory_space<semaphore_mem>>
    tpu.enqueue_indirect_dma source(%dma_start3A_69 : memref<10240x64xf32, #tpu.memory_space<hbm>>) target(%dma_start3A_64 : memref<80x64xf32, #tpu.memory_space<vmem>>) offsets(%dma_start3A_66 : memref<80xi32, #tpu.memory_space<vmem>>) semaphore(%dma_start3A_71 : memref<!tpu.dma_semaphore, #tpu.memory_space<semaphore_mem>>)
    %mul3A_72 = arith.constant 640 : i32
    %mul3A_73 = arith.muli %arg1, %mul3A_72 : i32
    %mul3A_74 = arith.constant 640 : i32
    %mul3A_75 = arith.muli %arg1, %mul3A_74 : i32
    "tpu.region"() ({
      %run_scoped3A = tpu.sem_alloc : memref<!tpu.dma_semaphore, #tpu.memory_space<semaphore_mem>>
      %dma_start3A_93 = arith.constant 0 : i32
      %dma_start3A_94 = tpu.memref_slice %arg9[%mul3A_75, %dma_start3A_93] : memref<10240x64xf32, #tpu.memory_space<vmem_shared>> -> memref<640x64xf32, #tpu.memory_space<vmem_shared>>
      %dma_start3A_95 = arith.constant 0 : i32
      %dma_start3A_96 = tpu.memref_slice %arg2[%mul3A_73, %dma_start3A_95] : memref<10240x64xf32, #tpu.memory_space<hbm>> -> memref<640x64xf32, #tpu.memory_space<hbm>>
      tpu.enqueue_dma source(%dma_start3A_96 : memref<640x64xf32, #tpu.memory_space<hbm>>) target(%dma_start3A_94 : memref<640x64xf32, #tpu.memory_space<vmem_shared>>) target_semaphore(%run_scoped3A : memref<!tpu.dma_semaphore, #tpu.memory_space<semaphore_mem>>)
      %dma_wait3A = arith.constant 0 : i32
      %dma_wait3A_97 = tpu.memref_slice %arg9[%mul3A_75, %dma_wait3A] : memref<10240x64xf32, #tpu.memory_space<vmem_shared>> -> memref<640x64xf32, #tpu.memory_space<vmem_shared>>
      %dma_wait3A_98 = arith.constant 0 : i32
      %dma_wait3A_99 = tpu.memref_slice %arg2[%mul3A_73, %dma_wait3A_98] : memref<10240x64xf32, #tpu.memory_space<hbm>> -> memref<640x64xf32, #tpu.memory_space<hbm>>
      tpu.wait_dma2 semaphore(%run_scoped3A : memref<!tpu.dma_semaphore, #tpu.memory_space<semaphore_mem>>) src(%dma_wait3A_99 : memref<640x64xf32, #tpu.memory_space<hbm>>) dst(%dma_wait3A_97 : memref<640x64xf32, #tpu.memory_space<vmem_shared>>)
      tpu.yield
    }) : () -> ()
    %scan3A_76 = arith.constant 0 : i32
    %scan3A_77 = arith.constant 0 : i32
    %scan3A_78 = arith.constant 125 : i32
    %scan3A_79 = arith.addi %scan3A_77, %scan3A_78 : i32
    %scan3A_80 = arith.constant 1 : i32
    scf.for %scan3A_93 = %scan3A_77 to %scan3A_79 step %scan3A_80  : i32 {
      %dma_wait3A = arith.constant 0 : i32
      %dma_wait3A_94 = arith.constant 0 : i32
      %dma_wait3A_95 = tpu.memref_slice %arg7[%dma_wait3A, %dma_wait3A_94] : memref<125x80xi32, #tpu.memory_space<vmem>> -> memref<1x80xi32, #tpu.memory_space<vmem>>
      %dma_wait3A_96 = tpu.memref_squeeze %dma_wait3A_95 : memref<1x80xi32, #tpu.memory_space<vmem>> -> memref<80xi32, #tpu.memory_space<vmem>>
      %dma_wait3A_97 = arith.constant 0 : i32
      %dma_wait3A_98 = tpu.memref_slice %arg4[%dma_wait3A_97] : memref<320000xi32, #tpu.memory_space<hbm>> -> memref<80xi32, #tpu.memory_space<hbm>>
      %dma_wait3A_99 = arith.constant 0 : i32
      %dma_wait3A_100 = tpu.memref_slice %arg7[%dma_wait3A, %dma_wait3A_99] : memref<125x80xi32, #tpu.memory_space<vmem>> -> memref<1x80xi32, #tpu.memory_space<vmem>>
      %dma_wait3A_101 = tpu.memref_squeeze %dma_wait3A_100 : memref<1x80xi32, #tpu.memory_space<vmem>> -> memref<80xi32, #tpu.memory_space<vmem>>
      %dma_wait3A_102 = arith.constant 0 : i32
      %dma_wait3A_103 = tpu.memref_slice %arg4[%dma_wait3A_102] : memref<320000xi32, #tpu.memory_space<hbm>> -> memref<80xi32, #tpu.memory_space<hbm>>
      tpu.wait_dma2 semaphore(%arg10 : memref<!tpu.dma_semaphore, #tpu.memory_space<semaphore_mem>>) src(%dma_wait3A_103 : memref<80xi32, #tpu.memory_space<hbm>>) dst(%dma_wait3A_101 : memref<80xi32, #tpu.memory_space<vmem>>)
    }
    %scan3A_81 = arith.constant 125 : i32
    %barrier3A = arith.constant 0 : index
    tpu.barrier barrier_id(%barrier3A)
    %scan3A_82 = arith.constant 0 : i32
    %scan3A_83 = arith.constant 0 : i32
    %scan3A_84 = arith.constant 25 : i32
    %scan3A_85 = arith.addi %scan3A_83, %scan3A_84 : i32
    %scan3A_86 = arith.constant 1 : i32
    scf.for %scan3A_93 = %scan3A_83 to %scan3A_85 step %scan3A_86  : i32 {
      %mul3A_94 = arith.constant 5 : i32
      %mul3A_95 = arith.muli %scan3A_93, %mul3A_94 : i32
      %add3A_96 = arith.constant 0 : i32
      %add3A_97 = arith.addi %mul3A_95, %add3A_96 : i32
      %mul3A_98 = arith.constant 80 : i32
      %mul3A_99 = arith.muli %add3A_97, %mul3A_98 : i32
      %multiple_of3A = tpu.assume_multiple %mul3A_99, 8 : i32
      %dma_wait3A = arith.constant 0 : i32
      %dma_wait3A_100 = arith.constant 0 : i32
      %dma_wait3A_101 = arith.constant 0 : i32
      %dma_wait3A_102 = arith.constant 0 : i32
      %dma_wait3A_103 = tpu.memref_slice %arg8[%dma_wait3A, %dma_wait3A_101, %dma_wait3A_102] : memref<5x80x64xf32, #tpu.memory_space<vmem>> -> memref<1x80x64xf32, #tpu.memory_space<vmem>>
      %dma_wait3A_104 = tpu.memref_squeeze %dma_wait3A_103 : memref<1x80x64xf32, #tpu.memory_space<vmem>> -> memref<80x64xf32, #tpu.memory_space<vmem>>
      %dma_wait3A_105 = tpu.memref_slice %arg6[%multiple_of3A] : memref<10000xi32, #tpu.memory_space<vmem>> -> memref<80xi32, #tpu.memory_space<vmem>>
      %dma_wait3A_106 = arith.constant 0 : i32
      %dma_wait3A_107 = arith.constant 0 : i32
      %dma_wait3A_108 = tpu.memref_slice %arg2[%dma_wait3A_106, %dma_wait3A_107] : memref<10240x64xf32, #tpu.memory_space<hbm>> -> memref<10240x64xf32, #tpu.memory_space<hbm>>
      %dma_wait3A_109 = tpu.memref_slice %arg11[%dma_wait3A_100] : memref<5x!tpu.dma_semaphore, #tpu.memory_space<semaphore_mem>> -> memref<1x!tpu.dma_semaphore, #tpu.memory_space<semaphore_mem>>
      %dma_wait3A_110 = tpu.memref_squeeze %dma_wait3A_109 : memref<1x!tpu.dma_semaphore, #tpu.memory_space<semaphore_mem>> -> memref<!tpu.dma_semaphore, #tpu.memory_space<semaphore_mem>>
      tpu.wait_indirect_dma semaphore(%dma_wait3A_110 : memref<!tpu.dma_semaphore, #tpu.memory_space<semaphore_mem>>) src(%dma_wait3A_108 : memref<10240x64xf32, #tpu.memory_space<hbm>>) dst(%dma_wait3A_104 : memref<80x64xf32, #tpu.memory_space<vmem>>)
      %run_scoped3A = arith.constant 0 : i32
      "tpu.region"() ({
        %run_scoped3A_223 = tpu.sem_alloc : memref<!tpu.dma_semaphore, #tpu.memory_space<semaphore_mem>>
        %dma_start3A_224 = arith.constant 0 : i32
        %dma_start3A_225 = arith.constant 0 : i32
        %dma_start3A_226 = tpu.memref_slice %arg8[%run_scoped3A, %dma_start3A_224, %dma_start3A_225] : memref<5x80x64xf32, #tpu.memory_space<vmem>> -> memref<1x80x64xf32, #tpu.memory_space<vmem>>
        %dma_start3A_227 = tpu.memref_squeeze %dma_start3A_226 : memref<1x80x64xf32, #tpu.memory_space<vmem>> -> memref<80x64xf32, #tpu.memory_space<vmem>>
        %dma_start3A_228 = arith.constant 0 : i32
        %dma_start3A_229 = tpu.memref_slice %arg7[%add3A_97, %dma_start3A_228] : memref<125x80xi32, #tpu.memory_space<vmem>> -> memref<1x80xi32, #tpu.memory_space<vmem>>
        %dma_start3A_230 = tpu.memref_squeeze %dma_start3A_229 : memref<1x80xi32, #tpu.memory_space<vmem>> -> memref<80xi32, #tpu.memory_space<vmem>>
        %dma_start3A_231 = arith.constant 0 : i32
        %dma_start3A_232 = arith.constant 0 : i32
        %dma_start3A_233 = tpu.memref_slice %arg9[%dma_start3A_231, %dma_start3A_232] : memref<10240x64xf32, #tpu.memory_space<vmem_shared>> -> memref<10240x64xf32, #tpu.memory_space<vmem_shared>>
        tpu.enqueue_indirect_dma source(%dma_start3A_227 : memref<80x64xf32, #tpu.memory_space<vmem>>) target(%dma_start3A_233 : memref<10240x64xf32, #tpu.memory_space<vmem_shared>>) offsets(%dma_start3A_230 : memref<80xi32, #tpu.memory_space<vmem>>) semaphore(%run_scoped3A_223 : memref<!tpu.dma_semaphore, #tpu.memory_space<semaphore_mem>>) {add = true}
        %dma_wait3A_234 = arith.constant 0 : i32
        %dma_wait3A_235 = arith.constant 0 : i32
        %dma_wait3A_236 = tpu.memref_slice %arg8[%run_scoped3A, %dma_wait3A_234, %dma_wait3A_235] : memref<5x80x64xf32, #tpu.memory_space<vmem>> -> memref<1x80x64xf32, #tpu.memory_space<vmem>>
        %dma_wait3A_237 = tpu.memref_squeeze %dma_wait3A_236 : memref<1x80x64xf32, #tpu.memory_space<vmem>> -> memref<80x64xf32, #tpu.memory_space<vmem>>
        %dma_wait3A_238 = arith.constant 0 : i32
        %dma_wait3A_239 = tpu.memref_slice %arg7[%add3A_97, %dma_wait3A_238] : memref<125x80xi32, #tpu.memory_space<vmem>> -> memref<1x80xi32, #tpu.memory_space<vmem>>
        %dma_wait3A_240 = tpu.memref_squeeze %dma_wait3A_239 : memref<1x80xi32, #tpu.memory_space<vmem>> -> memref<80xi32, #tpu.memory_space<vmem>>
        %dma_wait3A_241 = arith.constant 0 : i32
        %dma_wait3A_242 = arith.constant 0 : i32
        %dma_wait3A_243 = tpu.memref_slice %arg9[%dma_wait3A_241, %dma_wait3A_242] : memref<10240x64xf32, #tpu.memory_space<vmem_shared>> -> memref<10240x64xf32, #tpu.memory_space<vmem_shared>>
        tpu.wait_indirect_dma semaphore(%run_scoped3A_223 : memref<!tpu.dma_semaphore, #tpu.memory_space<semaphore_mem>>) src(%dma_wait3A_237 : memref<80x64xf32, #tpu.memory_space<vmem>>) dst(%dma_wait3A_243 : memref<10240x64xf32, #tpu.memory_space<vmem_shared>>)
        tpu.yield
      }) : () -> ()
      %add3A_111 = arith.constant 5 : i32
      %add3A_112 = arith.addi %add3A_97, %add3A_111 : i32
      %lt3A = arith.constant 125 : i32
      %lt3A_113 = arith.cmpi slt, %add3A_112, %lt3A : i32
      %convert_element_type3A = arith.extui %lt3A_113 : i1 to i32
      %cond3A = arith.constant 0 : i32
      %cond3A_114 = arith.cmpi ne, %convert_element_type3A, %cond3A : i32
      scf.if %cond3A_114 {
        %mul3A_223 = arith.constant 80 : i32
        %mul3A_224 = arith.muli %add3A_112, %mul3A_223 : i32
        %multiple_of3A_225 = tpu.assume_multiple %mul3A_224, 8 : i32
        %dma_start3A_226 = arith.constant 0 : i32
        %dma_start3A_227 = arith.constant 0 : i32
        %dma_start3A_228 = arith.constant 0 : i32
        %dma_start3A_229 = arith.constant 0 : i32
        %dma_start3A_230 = tpu.memref_slice %arg8[%dma_start3A_226, %dma_start3A_228, %dma_start3A_229] : memref<5x80x64xf32, #tpu.memory_space<vmem>> -> memref<1x80x64xf32, #tpu.memory_space<vmem>>
        %dma_start3A_231 = tpu.memref_squeeze %dma_start3A_230 : memref<1x80x64xf32, #tpu.memory_space<vmem>> -> memref<80x64xf32, #tpu.memory_space<vmem>>
        %dma_start3A_232 = tpu.memref_slice %arg6[%multiple_of3A_225] : memref<10000xi32, #tpu.memory_space<vmem>> -> memref<80xi32, #tpu.memory_space<vmem>>
        %dma_start3A_233 = arith.constant 0 : i32
        %dma_start3A_234 = arith.constant 0 : i32
        %dma_start3A_235 = tpu.memref_slice %arg2[%dma_start3A_233, %dma_start3A_234] : memref<10240x64xf32, #tpu.memory_space<hbm>> -> memref<10240x64xf32, #tpu.memory_space<hbm>>
        %dma_start3A_236 = tpu.memref_slice %arg11[%dma_start3A_227] : memref<5x!tpu.dma_semaphore, #tpu.memory_space<semaphore_mem>> -> memref<1x!tpu.dma_semaphore, #tpu.memory_space<semaphore_mem>>
        %dma_start3A_237 = tpu.memref_squeeze %dma_start3A_236 : memref<1x!tpu.dma_semaphore, #tpu.memory_space<semaphore_mem>> -> memref<!tpu.dma_semaphore, #tpu.memory_space<semaphore_mem>>
        tpu.enqueue_indirect_dma source(%dma_start3A_235 : memref<10240x64xf32, #tpu.memory_space<hbm>>) target(%dma_start3A_231 : memref<80x64xf32, #tpu.memory_space<vmem>>) offsets(%dma_start3A_232 : memref<80xi32, #tpu.memory_space<vmem>>) semaphore(%dma_start3A_237 : memref<!tpu.dma_semaphore, #tpu.memory_space<semaphore_mem>>)
      } else {
      }
      %mul3A_115 = arith.constant 5 : i32
      %mul3A_116 = arith.muli %scan3A_93, %mul3A_115 : i32
      %add3A_117 = arith.constant 1 : i32
      %add3A_118 = arith.addi %mul3A_116, %add3A_117 : i32
      %mul3A_119 = arith.constant 80 : i32
      %mul3A_120 = arith.muli %add3A_118, %mul3A_119 : i32
      %multiple_of3A_121 = tpu.assume_multiple %mul3A_120, 8 : i32
      %dma_wait3A_122 = arith.constant 1 : i32
      %dma_wait3A_123 = arith.constant 1 : i32
      %dma_wait3A_124 = arith.constant 0 : i32
      %dma_wait3A_125 = arith.constant 0 : i32
      %dma_wait3A_126 = tpu.memref_slice %arg8[%dma_wait3A_122, %dma_wait3A_124, %dma_wait3A_125] : memref<5x80x64xf32, #tpu.memory_space<vmem>> -> memref<1x80x64xf32, #tpu.memory_space<vmem>>
      %dma_wait3A_127 = tpu.memref_squeeze %dma_wait3A_126 : memref<1x80x64xf32, #tpu.memory_space<vmem>> -> memref<80x64xf32, #tpu.memory_space<vmem>>
      %dma_wait3A_128 = tpu.memref_slice %arg6[%multiple_of3A_121] : memref<10000xi32, #tpu.memory_space<vmem>> -> memref<80xi32, #tpu.memory_space<vmem>>
      %dma_wait3A_129 = arith.constant 0 : i32
      %dma_wait3A_130 = arith.constant 0 : i32
      %dma_wait3A_131 = tpu.memref_slice %arg2[%dma_wait3A_129, %dma_wait3A_130] : memref<10240x64xf32, #tpu.memory_space<hbm>> -> memref<10240x64xf32, #tpu.memory_space<hbm>>
      %dma_wait3A_132 = tpu.memref_slice %arg11[%dma_wait3A_123] : memref<5x!tpu.dma_semaphore, #tpu.memory_space<semaphore_mem>> -> memref<1x!tpu.dma_semaphore, #tpu.memory_space<semaphore_mem>>
      %dma_wait3A_133 = tpu.memref_squeeze %dma_wait3A_132 : memref<1x!tpu.dma_semaphore, #tpu.memory_space<semaphore_mem>> -> memref<!tpu.dma_semaphore, #tpu.memory_space<semaphore_mem>>
      tpu.wait_indirect_dma semaphore(%dma_wait3A_133 : memref<!tpu.dma_semaphore, #tpu.memory_space<semaphore_mem>>) src(%dma_wait3A_131 : memref<10240x64xf32, #tpu.memory_space<hbm>>) dst(%dma_wait3A_127 : memref<80x64xf32, #tpu.memory_space<vmem>>)
      %run_scoped3A_134 = arith.constant 1 : i32
      "tpu.region"() ({
        %run_scoped3A_223 = tpu.sem_alloc : memref<!tpu.dma_semaphore, #tpu.memory_space<semaphore_mem>>
        %dma_start3A_224 = arith.constant 0 : i32
        %dma_start3A_225 = arith.constant 0 : i32
        %dma_start3A_226 = tpu.memref_slice %arg8[%run_scoped3A_134, %dma_start3A_224, %dma_start3A_225] : memref<5x80x64xf32, #tpu.memory_space<vmem>> -> memref<1x80x64xf32, #tpu.memory_space<vmem>>
        %dma_start3A_227 = tpu.memref_squeeze %dma_start3A_226 : memref<1x80x64xf32, #tpu.memory_space<vmem>> -> memref<80x64xf32, #tpu.memory_space<vmem>>
        %dma_start3A_228 = arith.constant 0 : i32
        %dma_start3A_229 = tpu.memref_slice %arg7[%add3A_118, %dma_start3A_228] : memref<125x80xi32, #tpu.memory_space<vmem>> -> memref<1x80xi32, #tpu.memory_space<vmem>>
        %dma_start3A_230 = tpu.memref_squeeze %dma_start3A_229 : memref<1x80xi32, #tpu.memory_space<vmem>> -> memref<80xi32, #tpu.memory_space<vmem>>
        %dma_start3A_231 = arith.constant 0 : i32
        %dma_start3A_232 = arith.constant 0 : i32
        %dma_start3A_233 = tpu.memref_slice %arg9[%dma_start3A_231, %dma_start3A_232] : memref<10240x64xf32, #tpu.memory_space<vmem_shared>> -> memref<10240x64xf32, #tpu.memory_space<vmem_shared>>
        tpu.enqueue_indirect_dma source(%dma_start3A_227 : memref<80x64xf32, #tpu.memory_space<vmem>>) target(%dma_start3A_233 : memref<10240x64xf32, #tpu.memory_space<vmem_shared>>) offsets(%dma_start3A_230 : memref<80xi32, #tpu.memory_space<vmem>>) semaphore(%run_scoped3A_223 : memref<!tpu.dma_semaphore, #tpu.memory_space<semaphore_mem>>) {add = true}
        %dma_wait3A_234 = arith.constant 0 : i32
        %dma_wait3A_235 = arith.constant 0 : i32
        %dma_wait3A_236 = tpu.memref_slice %arg8[%run_scoped3A_134, %dma_wait3A_234, %dma_wait3A_235] : memref<5x80x64xf32, #tpu.memory_space<vmem>> -> memref<1x80x64xf32, #tpu.memory_space<vmem>>
        %dma_wait3A_237 = tpu.memref_squeeze %dma_wait3A_236 : memref<1x80x64xf32, #tpu.memory_space<vmem>> -> memref<80x64xf32, #tpu.memory_space<vmem>>
        %dma_wait3A_238 = arith.constant 0 : i32
        %dma_wait3A_239 = tpu.memref_slice %arg7[%add3A_118, %dma_wait3A_238] : memref<125x80xi32, #tpu.memory_space<vmem>> -> memref<1x80xi32, #tpu.memory_space<vmem>>
        %dma_wait3A_240 = tpu.memref_squeeze %dma_wait3A_239 : memref<1x80xi32, #tpu.memory_space<vmem>> -> memref<80xi32, #tpu.memory_space<vmem>>
        %dma_wait3A_241 = arith.constant 0 : i32
        %dma_wait3A_242 = arith.constant 0 : i32
        %dma_wait3A_243 = tpu.memref_slice %arg9[%dma_wait3A_241, %dma_wait3A_242] : memref<10240x64xf32, #tpu.memory_space<vmem_shared>> -> memref<10240x64xf32, #tpu.memory_space<vmem_shared>>
        tpu.wait_indirect_dma semaphore(%run_scoped3A_223 : memref<!tpu.dma_semaphore, #tpu.memory_space<semaphore_mem>>) src(%dma_wait3A_237 : memref<80x64xf32, #tpu.memory_space<vmem>>) dst(%dma_wait3A_243 : memref<10240x64xf32, #tpu.memory_space<vmem_shared>>)
        tpu.yield
      }) : () -> ()
      %add3A_135 = arith.constant 5 : i32
      %add3A_136 = arith.addi %add3A_118, %add3A_135 : i32
      %lt3A_137 = arith.constant 125 : i32
      %lt3A_138 = arith.cmpi slt, %add3A_136, %lt3A_137 : i32
      %convert_element_type3A_139 = arith.extui %lt3A_138 : i1 to i32
      %cond3A_140 = arith.constant 0 : i32
      %cond3A_141 = arith.cmpi ne, %convert_element_type3A_139, %cond3A_140 : i32
      scf.if %cond3A_141 {
        %mul3A_223 = arith.constant 80 : i32
        %mul3A_224 = arith.muli %add3A_136, %mul3A_223 : i32
        %multiple_of3A_225 = tpu.assume_multiple %mul3A_224, 8 : i32
        %dma_start3A_226 = arith.constant 1 : i32
        %dma_start3A_227 = arith.constant 1 : i32
        %dma_start3A_228 = arith.constant 0 : i32
        %dma_start3A_229 = arith.constant 0 : i32
        %dma_start3A_230 = tpu.memref_slice %arg8[%dma_start3A_226, %dma_start3A_228, %dma_start3A_229] : memref<5x80x64xf32, #tpu.memory_space<vmem>> -> memref<1x80x64xf32, #tpu.memory_space<vmem>>
        %dma_start3A_231 = tpu.memref_squeeze %dma_start3A_230 : memref<1x80x64xf32, #tpu.memory_space<vmem>> -> memref<80x64xf32, #tpu.memory_space<vmem>>
        %dma_start3A_232 = tpu.memref_slice %arg6[%multiple_of3A_225] : memref<10000xi32, #tpu.memory_space<vmem>> -> memref<80xi32, #tpu.memory_space<vmem>>
        %dma_start3A_233 = arith.constant 0 : i32
        %dma_start3A_234 = arith.constant 0 : i32
        %dma_start3A_235 = tpu.memref_slice %arg2[%dma_start3A_233, %dma_start3A_234] : memref<10240x64xf32, #tpu.memory_space<hbm>> -> memref<10240x64xf32, #tpu.memory_space<hbm>>
        %dma_start3A_236 = tpu.memref_slice %arg11[%dma_start3A_227] : memref<5x!tpu.dma_semaphore, #tpu.memory_space<semaphore_mem>> -> memref<1x!tpu.dma_semaphore, #tpu.memory_space<semaphore_mem>>
        %dma_start3A_237 = tpu.memref_squeeze %dma_start3A_236 : memref<1x!tpu.dma_semaphore, #tpu.memory_space<semaphore_mem>> -> memref<!tpu.dma_semaphore, #tpu.memory_space<semaphore_mem>>
        tpu.enqueue_indirect_dma source(%dma_start3A_235 : memref<10240x64xf32, #tpu.memory_space<hbm>>) target(%dma_start3A_231 : memref<80x64xf32, #tpu.memory_space<vmem>>) offsets(%dma_start3A_232 : memref<80xi32, #tpu.memory_space<vmem>>) semaphore(%dma_start3A_237 : memref<!tpu.dma_semaphore, #tpu.memory_space<semaphore_mem>>)
      } else {
      }
      %mul3A_142 = arith.constant 5 : i32
      %mul3A_143 = arith.muli %scan3A_93, %mul3A_142 : i32
      %add3A_144 = arith.constant 2 : i32
      %add3A_145 = arith.addi %mul3A_143, %add3A_144 : i32
      %mul3A_146 = arith.constant 80 : i32
      %mul3A_147 = arith.muli %add3A_145, %mul3A_146 : i32
      %multiple_of3A_148 = tpu.assume_multiple %mul3A_147, 8 : i32
      %dma_wait3A_149 = arith.constant 2 : i32
      %dma_wait3A_150 = arith.constant 2 : i32
      %dma_wait3A_151 = arith.constant 0 : i32
      %dma_wait3A_152 = arith.constant 0 : i32
      %dma_wait3A_153 = tpu.memref_slice %arg8[%dma_wait3A_149, %dma_wait3A_151, %dma_wait3A_152] : memref<5x80x64xf32, #tpu.memory_space<vmem>> -> memref<1x80x64xf32, #tpu.memory_space<vmem>>
      %dma_wait3A_154 = tpu.memref_squeeze %dma_wait3A_153 : memref<1x80x64xf32, #tpu.memory_space<vmem>> -> memref<80x64xf32, #tpu.memory_space<vmem>>
      %dma_wait3A_155 = tpu.memref_slice %arg6[%multiple_of3A_148] : memref<10000xi32, #tpu.memory_space<vmem>> -> memref<80xi32, #tpu.memory_space<vmem>>
      %dma_wait3A_156 = arith.constant 0 : i32
      %dma_wait3A_157 = arith.constant 0 : i32
      %dma_wait3A_158 = tpu.memref_slice %arg2[%dma_wait3A_156, %dma_wait3A_157] : memref<10240x64xf32, #tpu.memory_space<hbm>> -> memref<10240x64xf32, #tpu.memory_space<hbm>>
      %dma_wait3A_159 = tpu.memref_slice %arg11[%dma_wait3A_150] : memref<5x!tpu.dma_semaphore, #tpu.memory_space<semaphore_mem>> -> memref<1x!tpu.dma_semaphore, #tpu.memory_space<semaphore_mem>>
      %dma_wait3A_160 = tpu.memref_squeeze %dma_wait3A_159 : memref<1x!tpu.dma_semaphore, #tpu.memory_space<semaphore_mem>> -> memref<!tpu.dma_semaphore, #tpu.memory_space<semaphore_mem>>
      tpu.wait_indirect_dma semaphore(%dma_wait3A_160 : memref<!tpu.dma_semaphore, #tpu.memory_space<semaphore_mem>>) src(%dma_wait3A_158 : memref<10240x64xf32, #tpu.memory_space<hbm>>) dst(%dma_wait3A_154 : memref<80x64xf32, #tpu.memory_space<vmem>>)
      %run_scoped3A_161 = arith.constant 2 : i32
      "tpu.region"() ({
        %run_scoped3A_223 = tpu.sem_alloc : memref<!tpu.dma_semaphore, #tpu.memory_space<semaphore_mem>>
        %dma_start3A_224 = arith.constant 0 : i32
        %dma_start3A_225 = arith.constant 0 : i32
        %dma_start3A_226 = tpu.memref_slice %arg8[%run_scoped3A_161, %dma_start3A_224, %dma_start3A_225] : memref<5x80x64xf32, #tpu.memory_space<vmem>> -> memref<1x80x64xf32, #tpu.memory_space<vmem>>
        %dma_start3A_227 = tpu.memref_squeeze %dma_start3A_226 : memref<1x80x64xf32, #tpu.memory_space<vmem>> -> memref<80x64xf32, #tpu.memory_space<vmem>>
        %dma_start3A_228 = arith.constant 0 : i32
        %dma_start3A_229 = tpu.memref_slice %arg7[%add3A_145, %dma_start3A_228] : memref<125x80xi32, #tpu.memory_space<vmem>> -> memref<1x80xi32, #tpu.memory_space<vmem>>
        %dma_start3A_230 = tpu.memref_squeeze %dma_start3A_229 : memref<1x80xi32, #tpu.memory_space<vmem>> -> memref<80xi32, #tpu.memory_space<vmem>>
        %dma_start3A_231 = arith.constant 0 : i32
        %dma_start3A_232 = arith.constant 0 : i32
        %dma_start3A_233 = tpu.memref_slice %arg9[%dma_start3A_231, %dma_start3A_232] : memref<10240x64xf32, #tpu.memory_space<vmem_shared>> -> memref<10240x64xf32, #tpu.memory_space<vmem_shared>>
        tpu.enqueue_indirect_dma source(%dma_start3A_227 : memref<80x64xf32, #tpu.memory_space<vmem>>) target(%dma_start3A_233 : memref<10240x64xf32, #tpu.memory_space<vmem_shared>>) offsets(%dma_start3A_230 : memref<80xi32, #tpu.memory_space<vmem>>) semaphore(%run_scoped3A_223 : memref<!tpu.dma_semaphore, #tpu.memory_space<semaphore_mem>>) {add = true}
        %dma_wait3A_234 = arith.constant 0 : i32
        %dma_wait3A_235 = arith.constant 0 : i32
        %dma_wait3A_236 = tpu.memref_slice %arg8[%run_scoped3A_161, %dma_wait3A_234, %dma_wait3A_235] : memref<5x80x64xf32, #tpu.memory_space<vmem>> -> memref<1x80x64xf32, #tpu.memory_space<vmem>>
        %dma_wait3A_237 = tpu.memref_squeeze %dma_wait3A_236 : memref<1x80x64xf32, #tpu.memory_space<vmem>> -> memref<80x64xf32, #tpu.memory_space<vmem>>
        %dma_wait3A_238 = arith.constant 0 : i32
        %dma_wait3A_239 = tpu.memref_slice %arg7[%add3A_145, %dma_wait3A_238] : memref<125x80xi32, #tpu.memory_space<vmem>> -> memref<1x80xi32, #tpu.memory_space<vmem>>
        %dma_wait3A_240 = tpu.memref_squeeze %dma_wait3A_239 : memref<1x80xi32, #tpu.memory_space<vmem>> -> memref<80xi32, #tpu.memory_space<vmem>>
        %dma_wait3A_241 = arith.constant 0 : i32
        %dma_wait3A_242 = arith.constant 0 : i32
        %dma_wait3A_243 = tpu.memref_slice %arg9[%dma_wait3A_241, %dma_wait3A_242] : memref<10240x64xf32, #tpu.memory_space<vmem_shared>> -> memref<10240x64xf32, #tpu.memory_space<vmem_shared>>
        tpu.wait_indirect_dma semaphore(%run_scoped3A_223 : memref<!tpu.dma_semaphore, #tpu.memory_space<semaphore_mem>>) src(%dma_wait3A_237 : memref<80x64xf32, #tpu.memory_space<vmem>>) dst(%dma_wait3A_243 : memref<10240x64xf32, #tpu.memory_space<vmem_shared>>)
        tpu.yield
      }) : () -> ()
      %add3A_162 = arith.constant 5 : i32
      %add3A_163 = arith.addi %add3A_145, %add3A_162 : i32
      %lt3A_164 = arith.constant 125 : i32
      %lt3A_165 = arith.cmpi slt, %add3A_163, %lt3A_164 : i32
      %convert_element_type3A_166 = arith.extui %lt3A_165 : i1 to i32
      %cond3A_167 = arith.constant 0 : i32
      %cond3A_168 = arith.cmpi ne, %convert_element_type3A_166, %cond3A_167 : i32
      scf.if %cond3A_168 {
        %mul3A_223 = arith.constant 80 : i32
        %mul3A_224 = arith.muli %add3A_163, %mul3A_223 : i32
        %multiple_of3A_225 = tpu.assume_multiple %mul3A_224, 8 : i32
        %dma_start3A_226 = arith.constant 2 : i32
        %dma_start3A_227 = arith.constant 2 : i32
        %dma_start3A_228 = arith.constant 0 : i32
        %dma_start3A_229 = arith.constant 0 : i32
        %dma_start3A_230 = tpu.memref_slice %arg8[%dma_start3A_226, %dma_start3A_228, %dma_start3A_229] : memref<5x80x64xf32, #tpu.memory_space<vmem>> -> memref<1x80x64xf32, #tpu.memory_space<vmem>>
        %dma_start3A_231 = tpu.memref_squeeze %dma_start3A_230 : memref<1x80x64xf32, #tpu.memory_space<vmem>> -> memref<80x64xf32, #tpu.memory_space<vmem>>
        %dma_start3A_232 = tpu.memref_slice %arg6[%multiple_of3A_225] : memref<10000xi32, #tpu.memory_space<vmem>> -> memref<80xi32, #tpu.memory_space<vmem>>
        %dma_start3A_233 = arith.constant 0 : i32
        %dma_start3A_234 = arith.constant 0 : i32
        %dma_start3A_235 = tpu.memref_slice %arg2[%dma_start3A_233, %dma_start3A_234] : memref<10240x64xf32, #tpu.memory_space<hbm>> -> memref<10240x64xf32, #tpu.memory_space<hbm>>
        %dma_start3A_236 = tpu.memref_slice %arg11[%dma_start3A_227] : memref<5x!tpu.dma_semaphore, #tpu.memory_space<semaphore_mem>> -> memref<1x!tpu.dma_semaphore, #tpu.memory_space<semaphore_mem>>
        %dma_start3A_237 = tpu.memref_squeeze %dma_start3A_236 : memref<1x!tpu.dma_semaphore, #tpu.memory_space<semaphore_mem>> -> memref<!tpu.dma_semaphore, #tpu.memory_space<semaphore_mem>>
        tpu.enqueue_indirect_dma source(%dma_start3A_235 : memref<10240x64xf32, #tpu.memory_space<hbm>>) target(%dma_start3A_231 : memref<80x64xf32, #tpu.memory_space<vmem>>) offsets(%dma_start3A_232 : memref<80xi32, #tpu.memory_space<vmem>>) semaphore(%dma_start3A_237 : memref<!tpu.dma_semaphore, #tpu.memory_space<semaphore_mem>>)
      } else {
      }
      %mul3A_169 = arith.constant 5 : i32
      %mul3A_170 = arith.muli %scan3A_93, %mul3A_169 : i32
      %add3A_171 = arith.constant 3 : i32
      %add3A_172 = arith.addi %mul3A_170, %add3A_171 : i32
      %mul3A_173 = arith.constant 80 : i32
      %mul3A_174 = arith.muli %add3A_172, %mul3A_173 : i32
      %multiple_of3A_175 = tpu.assume_multiple %mul3A_174, 8 : i32
      %dma_wait3A_176 = arith.constant 3 : i32
      %dma_wait3A_177 = arith.constant 3 : i32
      %dma_wait3A_178 = arith.constant 0 : i32
      %dma_wait3A_179 = arith.constant 0 : i32
      %dma_wait3A_180 = tpu.memref_slice %arg8[%dma_wait3A_176, %dma_wait3A_178, %dma_wait3A_179] : memref<5x80x64xf32, #tpu.memory_space<vmem>> -> memref<1x80x64xf32, #tpu.memory_space<vmem>>
      %dma_wait3A_181 = tpu.memref_squeeze %dma_wait3A_180 : memref<1x80x64xf32, #tpu.memory_space<vmem>> -> memref<80x64xf32, #tpu.memory_space<vmem>>
      %dma_wait3A_182 = tpu.memref_slice %arg6[%multiple_of3A_175] : memref<10000xi32, #tpu.memory_space<vmem>> -> memref<80xi32, #tpu.memory_space<vmem>>
      %dma_wait3A_183 = arith.constant 0 : i32
      %dma_wait3A_184 = arith.constant 0 : i32
      %dma_wait3A_185 = tpu.memref_slice %arg2[%dma_wait3A_183, %dma_wait3A_184] : memref<10240x64xf32, #tpu.memory_space<hbm>> -> memref<10240x64xf32, #tpu.memory_space<hbm>>
      %dma_wait3A_186 = tpu.memref_slice %arg11[%dma_wait3A_177] : memref<5x!tpu.dma_semaphore, #tpu.memory_space<semaphore_mem>> -> memref<1x!tpu.dma_semaphore, #tpu.memory_space<semaphore_mem>>
      %dma_wait3A_187 = tpu.memref_squeeze %dma_wait3A_186 : memref<1x!tpu.dma_semaphore, #tpu.memory_space<semaphore_mem>> -> memref<!tpu.dma_semaphore, #tpu.memory_space<semaphore_mem>>
      tpu.wait_indirect_dma semaphore(%dma_wait3A_187 : memref<!tpu.dma_semaphore, #tpu.memory_space<semaphore_mem>>) src(%dma_wait3A_185 : memref<10240x64xf32, #tpu.memory_space<hbm>>) dst(%dma_wait3A_181 : memref<80x64xf32, #tpu.memory_space<vmem>>)
      %run_scoped3A_188 = arith.constant 3 : i32
      "tpu.region"() ({
        %run_scoped3A_223 = tpu.sem_alloc : memref<!tpu.dma_semaphore, #tpu.memory_space<semaphore_mem>>
        %dma_start3A_224 = arith.constant 0 : i32
        %dma_start3A_225 = arith.constant 0 : i32
        %dma_start3A_226 = tpu.memref_slice %arg8[%run_scoped3A_188, %dma_start3A_224, %dma_start3A_225] : memref<5x80x64xf32, #tpu.memory_space<vmem>> -> memref<1x80x64xf32, #tpu.memory_space<vmem>>
        %dma_start3A_227 = tpu.memref_squeeze %dma_start3A_226 : memref<1x80x64xf32, #tpu.memory_space<vmem>> -> memref<80x64xf32, #tpu.memory_space<vmem>>
        %dma_start3A_228 = arith.constant 0 : i32
        %dma_start3A_229 = tpu.memref_slice %arg7[%add3A_172, %dma_start3A_228] : memref<125x80xi32, #tpu.memory_space<vmem>> -> memref<1x80xi32, #tpu.memory_space<vmem>>
        %dma_start3A_230 = tpu.memref_squeeze %dma_start3A_229 : memref<1x80xi32, #tpu.memory_space<vmem>> -> memref<80xi32, #tpu.memory_space<vmem>>
        %dma_start3A_231 = arith.constant 0 : i32
        %dma_start3A_232 = arith.constant 0 : i32
        %dma_start3A_233 = tpu.memref_slice %arg9[%dma_start3A_231, %dma_start3A_232] : memref<10240x64xf32, #tpu.memory_space<vmem_shared>> -> memref<10240x64xf32, #tpu.memory_space<vmem_shared>>
        tpu.enqueue_indirect_dma source(%dma_start3A_227 : memref<80x64xf32, #tpu.memory_space<vmem>>) target(%dma_start3A_233 : memref<10240x64xf32, #tpu.memory_space<vmem_shared>>) offsets(%dma_start3A_230 : memref<80xi32, #tpu.memory_space<vmem>>) semaphore(%run_scoped3A_223 : memref<!tpu.dma_semaphore, #tpu.memory_space<semaphore_mem>>) {add = true}
        %dma_wait3A_234 = arith.constant 0 : i32
        %dma_wait3A_235 = arith.constant 0 : i32
        %dma_wait3A_236 = tpu.memref_slice %arg8[%run_scoped3A_188, %dma_wait3A_234, %dma_wait3A_235] : memref<5x80x64xf32, #tpu.memory_space<vmem>> -> memref<1x80x64xf32, #tpu.memory_space<vmem>>
        %dma_wait3A_237 = tpu.memref_squeeze %dma_wait3A_236 : memref<1x80x64xf32, #tpu.memory_space<vmem>> -> memref<80x64xf32, #tpu.memory_space<vmem>>
        %dma_wait3A_238 = arith.constant 0 : i32
        %dma_wait3A_239 = tpu.memref_slice %arg7[%add3A_172, %dma_wait3A_238] : memref<125x80xi32, #tpu.memory_space<vmem>> -> memref<1x80xi32, #tpu.memory_space<vmem>>
        %dma_wait3A_240 = tpu.memref_squeeze %dma_wait3A_239 : memref<1x80xi32, #tpu.memory_space<vmem>> -> memref<80xi32, #tpu.memory_space<vmem>>
        %dma_wait3A_241 = arith.constant 0 : i32
        %dma_wait3A_242 = arith.constant 0 : i32
        %dma_wait3A_243 = tpu.memref_slice %arg9[%dma_wait3A_241, %dma_wait3A_242] : memref<10240x64xf32, #tpu.memory_space<vmem_shared>> -> memref<10240x64xf32, #tpu.memory_space<vmem_shared>>
        tpu.wait_indirect_dma semaphore(%run_scoped3A_223 : memref<!tpu.dma_semaphore, #tpu.memory_space<semaphore_mem>>) src(%dma_wait3A_237 : memref<80x64xf32, #tpu.memory_space<vmem>>) dst(%dma_wait3A_243 : memref<10240x64xf32, #tpu.memory_space<vmem_shared>>)
        tpu.yield
      }) : () -> ()
      %add3A_189 = arith.constant 5 : i32
      %add3A_190 = arith.addi %add3A_172, %add3A_189 : i32
      %lt3A_191 = arith.constant 125 : i32
      %lt3A_192 = arith.cmpi slt, %add3A_190, %lt3A_191 : i32
      %convert_element_type3A_193 = arith.extui %lt3A_192 : i1 to i32
      %cond3A_194 = arith.constant 0 : i32
      %cond3A_195 = arith.cmpi ne, %convert_element_type3A_193, %cond3A_194 : i32
      scf.if %cond3A_195 {
        %mul3A_223 = arith.constant 80 : i32
        %mul3A_224 = arith.muli %add3A_190, %mul3A_223 : i32
        %multiple_of3A_225 = tpu.assume_multiple %mul3A_224, 8 : i32
        %dma_start3A_226 = arith.constant 3 : i32
        %dma_start3A_227 = arith.constant 3 : i32
        %dma_start3A_228 = arith.constant 0 : i32
        %dma_start3A_229 = arith.constant 0 : i32
        %dma_start3A_230 = tpu.memref_slice %arg8[%dma_start3A_226, %dma_start3A_228, %dma_start3A_229] : memref<5x80x64xf32, #tpu.memory_space<vmem>> -> memref<1x80x64xf32, #tpu.memory_space<vmem>>
        %dma_start3A_231 = tpu.memref_squeeze %dma_start3A_230 : memref<1x80x64xf32, #tpu.memory_space<vmem>> -> memref<80x64xf32, #tpu.memory_space<vmem>>
        %dma_start3A_232 = tpu.memref_slice %arg6[%multiple_of3A_225] : memref<10000xi32, #tpu.memory_space<vmem>> -> memref<80xi32, #tpu.memory_space<vmem>>
        %dma_start3A_233 = arith.constant 0 : i32
        %dma_start3A_234 = arith.constant 0 : i32
        %dma_start3A_235 = tpu.memref_slice %arg2[%dma_start3A_233, %dma_start3A_234] : memref<10240x64xf32, #tpu.memory_space<hbm>> -> memref<10240x64xf32, #tpu.memory_space<hbm>>
        %dma_start3A_236 = tpu.memref_slice %arg11[%dma_start3A_227] : memref<5x!tpu.dma_semaphore, #tpu.memory_space<semaphore_mem>> -> memref<1x!tpu.dma_semaphore, #tpu.memory_space<semaphore_mem>>
        %dma_start3A_237 = tpu.memref_squeeze %dma_start3A_236 : memref<1x!tpu.dma_semaphore, #tpu.memory_space<semaphore_mem>> -> memref<!tpu.dma_semaphore, #tpu.memory_space<semaphore_mem>>
        tpu.enqueue_indirect_dma source(%dma_start3A_235 : memref<10240x64xf32, #tpu.memory_space<hbm>>) target(%dma_start3A_231 : memref<80x64xf32, #tpu.memory_space<vmem>>) offsets(%dma_start3A_232 : memref<80xi32, #tpu.memory_space<vmem>>) semaphore(%dma_start3A_237 : memref<!tpu.dma_semaphore, #tpu.memory_space<semaphore_mem>>)
      } else {
      }
      %mul3A_196 = arith.constant 5 : i32
      %mul3A_197 = arith.muli %scan3A_93, %mul3A_196 : i32
      %add3A_198 = arith.constant 4 : i32
      %add3A_199 = arith.addi %mul3A_197, %add3A_198 : i32
      %mul3A_200 = arith.constant 80 : i32
      %mul3A_201 = arith.muli %add3A_199, %mul3A_200 : i32
      %multiple_of3A_202 = tpu.assume_multiple %mul3A_201, 8 : i32
      %dma_wait3A_203 = arith.constant 4 : i32
      %dma_wait3A_204 = arith.constant 4 : i32
      %dma_wait3A_205 = arith.constant 0 : i32
      %dma_wait3A_206 = arith.constant 0 : i32
      %dma_wait3A_207 = tpu.memref_slice %arg8[%dma_wait3A_203, %dma_wait3A_205, %dma_wait3A_206] : memref<5x80x64xf32, #tpu.memory_space<vmem>> -> memref<1x80x64xf32, #tpu.memory_space<vmem>>
      %dma_wait3A_208 = tpu.memref_squeeze %dma_wait3A_207 : memref<1x80x64xf32, #tpu.memory_space<vmem>> -> memref<80x64xf32, #tpu.memory_space<vmem>>
      %dma_wait3A_209 = tpu.memref_slice %arg6[%multiple_of3A_202] : memref<10000xi32, #tpu.memory_space<vmem>> -> memref<80xi32, #tpu.memory_space<vmem>>
      %dma_wait3A_210 = arith.constant 0 : i32
      %dma_wait3A_211 = arith.constant 0 : i32
      %dma_wait3A_212 = tpu.memref_slice %arg2[%dma_wait3A_210, %dma_wait3A_211] : memref<10240x64xf32, #tpu.memory_space<hbm>> -> memref<10240x64xf32, #tpu.memory_space<hbm>>
      %dma_wait3A_213 = tpu.memref_slice %arg11[%dma_wait3A_204] : memref<5x!tpu.dma_semaphore, #tpu.memory_space<semaphore_mem>> -> memref<1x!tpu.dma_semaphore, #tpu.memory_space<semaphore_mem>>
      %dma_wait3A_214 = tpu.memref_squeeze %dma_wait3A_213 : memref<1x!tpu.dma_semaphore, #tpu.memory_space<semaphore_mem>> -> memref<!tpu.dma_semaphore, #tpu.memory_space<semaphore_mem>>
      tpu.wait_indirect_dma semaphore(%dma_wait3A_214 : memref<!tpu.dma_semaphore, #tpu.memory_space<semaphore_mem>>) src(%dma_wait3A_212 : memref<10240x64xf32, #tpu.memory_space<hbm>>) dst(%dma_wait3A_208 : memref<80x64xf32, #tpu.memory_space<vmem>>)
      %run_scoped3A_215 = arith.constant 4 : i32
      "tpu.region"() ({
        %run_scoped3A_223 = tpu.sem_alloc : memref<!tpu.dma_semaphore, #tpu.memory_space<semaphore_mem>>
        %dma_start3A_224 = arith.constant 0 : i32
        %dma_start3A_225 = arith.constant 0 : i32
        %dma_start3A_226 = tpu.memref_slice %arg8[%run_scoped3A_215, %dma_start3A_224, %dma_start3A_225] : memref<5x80x64xf32, #tpu.memory_space<vmem>> -> memref<1x80x64xf32, #tpu.memory_space<vmem>>
        %dma_start3A_227 = tpu.memref_squeeze %dma_start3A_226 : memref<1x80x64xf32, #tpu.memory_space<vmem>> -> memref<80x64xf32, #tpu.memory_space<vmem>>
        %dma_start3A_228 = arith.constant 0 : i32
        %dma_start3A_229 = tpu.memref_slice %arg7[%add3A_199, %dma_start3A_228] : memref<125x80xi32, #tpu.memory_space<vmem>> -> memref<1x80xi32, #tpu.memory_space<vmem>>
        %dma_start3A_230 = tpu.memref_squeeze %dma_start3A_229 : memref<1x80xi32, #tpu.memory_space<vmem>> -> memref<80xi32, #tpu.memory_space<vmem>>
        %dma_start3A_231 = arith.constant 0 : i32
        %dma_start3A_232 = arith.constant 0 : i32
        %dma_start3A_233 = tpu.memref_slice %arg9[%dma_start3A_231, %dma_start3A_232] : memref<10240x64xf32, #tpu.memory_space<vmem_shared>> -> memref<10240x64xf32, #tpu.memory_space<vmem_shared>>
        tpu.enqueue_indirect_dma source(%dma_start3A_227 : memref<80x64xf32, #tpu.memory_space<vmem>>) target(%dma_start3A_233 : memref<10240x64xf32, #tpu.memory_space<vmem_shared>>) offsets(%dma_start3A_230 : memref<80xi32, #tpu.memory_space<vmem>>) semaphore(%run_scoped3A_223 : memref<!tpu.dma_semaphore, #tpu.memory_space<semaphore_mem>>) {add = true}
        %dma_wait3A_234 = arith.constant 0 : i32
        %dma_wait3A_235 = arith.constant 0 : i32
        %dma_wait3A_236 = tpu.memref_slice %arg8[%run_scoped3A_215, %dma_wait3A_234, %dma_wait3A_235] : memref<5x80x64xf32, #tpu.memory_space<vmem>> -> memref<1x80x64xf32, #tpu.memory_space<vmem>>
        %dma_wait3A_237 = tpu.memref_squeeze %dma_wait3A_236 : memref<1x80x64xf32, #tpu.memory_space<vmem>> -> memref<80x64xf32, #tpu.memory_space<vmem>>
        %dma_wait3A_238 = arith.constant 0 : i32
        %dma_wait3A_239 = tpu.memref_slice %arg7[%add3A_199, %dma_wait3A_238] : memref<125x80xi32, #tpu.memory_space<vmem>> -> memref<1x80xi32, #tpu.memory_space<vmem>>
        %dma_wait3A_240 = tpu.memref_squeeze %dma_wait3A_239 : memref<1x80xi32, #tpu.memory_space<vmem>> -> memref<80xi32, #tpu.memory_space<vmem>>
        %dma_wait3A_241 = arith.constant 0 : i32
        %dma_wait3A_242 = arith.constant 0 : i32
        %dma_wait3A_243 = tpu.memref_slice %arg9[%dma_wait3A_241, %dma_wait3A_242] : memref<10240x64xf32, #tpu.memory_space<vmem_shared>> -> memref<10240x64xf32, #tpu.memory_space<vmem_shared>>
        tpu.wait_indirect_dma semaphore(%run_scoped3A_223 : memref<!tpu.dma_semaphore, #tpu.memory_space<semaphore_mem>>) src(%dma_wait3A_237 : memref<80x64xf32, #tpu.memory_space<vmem>>) dst(%dma_wait3A_243 : memref<10240x64xf32, #tpu.memory_space<vmem_shared>>)
        tpu.yield
      }) : () -> ()
      %add3A_216 = arith.constant 5 : i32
      %add3A_217 = arith.addi %add3A_199, %add3A_216 : i32
      %lt3A_218 = arith.constant 125 : i32
      %lt3A_219 = arith.cmpi slt, %add3A_217, %lt3A_218 : i32
      %convert_element_type3A_220 = arith.extui %lt3A_219 : i1 to i32
      %cond3A_221 = arith.constant 0 : i32
      %cond3A_222 = arith.cmpi ne, %convert_element_type3A_220, %cond3A_221 : i32
      scf.if %cond3A_222 {
        %mul3A_223 = arith.constant 80 : i32
        %mul3A_224 = arith.muli %add3A_217, %mul3A_223 : i32
        %multiple_of3A_225 = tpu.assume_multiple %mul3A_224, 8 : i32
        %dma_start3A_226 = arith.constant 4 : i32
        %dma_start3A_227 = arith.constant 4 : i32
        %dma_start3A_228 = arith.constant 0 : i32
        %dma_start3A_229 = arith.constant 0 : i32
        %dma_start3A_230 = tpu.memref_slice %arg8[%dma_start3A_226, %dma_start3A_228, %dma_start3A_229] : memref<5x80x64xf32, #tpu.memory_space<vmem>> -> memref<1x80x64xf32, #tpu.memory_space<vmem>>
        %dma_start3A_231 = tpu.memref_squeeze %dma_start3A_230 : memref<1x80x64xf32, #tpu.memory_space<vmem>> -> memref<80x64xf32, #tpu.memory_space<vmem>>
        %dma_start3A_232 = tpu.memref_slice %arg6[%multiple_of3A_225] : memref<10000xi32, #tpu.memory_space<vmem>> -> memref<80xi32, #tpu.memory_space<vmem>>
        %dma_start3A_233 = arith.constant 0 : i32
        %dma_start3A_234 = arith.constant 0 : i32
        %dma_start3A_235 = tpu.memref_slice %arg2[%dma_start3A_233, %dma_start3A_234] : memref<10240x64xf32, #tpu.memory_space<hbm>> -> memref<10240x64xf32, #tpu.memory_space<hbm>>
        %dma_start3A_236 = tpu.memref_slice %arg11[%dma_start3A_227] : memref<5x!tpu.dma_semaphore, #tpu.memory_space<semaphore_mem>> -> memref<1x!tpu.dma_semaphore, #tpu.memory_space<semaphore_mem>>
        %dma_start3A_237 = tpu.memref_squeeze %dma_start3A_236 : memref<1x!tpu.dma_semaphore, #tpu.memory_space<semaphore_mem>> -> memref<!tpu.dma_semaphore, #tpu.memory_space<semaphore_mem>>
        tpu.enqueue_indirect_dma source(%dma_start3A_235 : memref<10240x64xf32, #tpu.memory_space<hbm>>) target(%dma_start3A_231 : memref<80x64xf32, #tpu.memory_space<vmem>>) offsets(%dma_start3A_232 : memref<80xi32, #tpu.memory_space<vmem>>) semaphore(%dma_start3A_237 : memref<!tpu.dma_semaphore, #tpu.memory_space<semaphore_mem>>)
      } else {
      }
    }
    %scan3A_87 = arith.constant 25 : i32
    %barrier3A_88 = arith.constant 0 : index
    tpu.barrier barrier_id(%barrier3A_88)
    %mul3A_89 = arith.constant 640 : i32
    %mul3A_90 = arith.muli %arg1, %mul3A_89 : i32
    %mul3A_91 = arith.constant 640 : i32
    %mul3A_92 = arith.muli %arg1, %mul3A_91 : i32
    "tpu.region"() ({
      %run_scoped3A = tpu.sem_alloc : memref<!tpu.dma_semaphore, #tpu.memory_space<semaphore_mem>>
      %dma_start3A_93 = arith.constant 0 : i32
      %dma_start3A_94 = tpu.memref_slice %arg5[%arg0, %mul3A_92, %dma_start3A_93] : memref<2x10240x64xf32, #tpu.memory_space<hbm>> -> memref<1x640x64xf32, #tpu.memory_space<hbm>>
      %dma_start3A_95 = tpu.memref_squeeze %dma_start3A_94 : memref<1x640x64xf32, #tpu.memory_space<hbm>> -> memref<640x64xf32, #tpu.memory_space<hbm>>
      %dma_start3A_96 = arith.constant 0 : i32
      %dma_start3A_97 = tpu.memref_slice %arg9[%mul3A_90, %dma_start3A_96] : memref<10240x64xf32, #tpu.memory_space<vmem_shared>> -> memref<640x64xf32, #tpu.memory_space<vmem_shared>>
      tpu.enqueue_dma source(%dma_start3A_97 : memref<640x64xf32, #tpu.memory_space<vmem_shared>>) target(%dma_start3A_95 : memref<640x64xf32, #tpu.memory_space<hbm>>) target_semaphore(%run_scoped3A : memref<!tpu.dma_semaphore, #tpu.memory_space<semaphore_mem>>)
      %dma_wait3A = arith.constant 0 : i32
      %dma_wait3A_98 = tpu.memref_slice %arg5[%arg0, %mul3A_92, %dma_wait3A] : memref<2x10240x64xf32, #tpu.memory_space<hbm>> -> memref<1x640x64xf32, #tpu.memory_space<hbm>>
      %dma_wait3A_99 = tpu.memref_squeeze %dma_wait3A_98 : memref<1x640x64xf32, #tpu.memory_space<hbm>> -> memref<640x64xf32, #tpu.memory_space<hbm>>
      %dma_wait3A_100 = arith.constant 0 : i32
      %dma_wait3A_101 = tpu.memref_slice %arg9[%mul3A_90, %dma_wait3A_100] : memref<10240x64xf32, #tpu.memory_space<vmem_shared>> -> memref<640x64xf32, #tpu.memory_space<vmem_shared>>
      tpu.wait_dma2 semaphore(%run_scoped3A : memref<!tpu.dma_semaphore, #tpu.memory_space<semaphore_mem>>) src(%dma_wait3A_101 : memref<640x64xf32, #tpu.memory_space<vmem_shared>>) dst(%dma_wait3A_99 : memref<640x64xf32, #tpu.memory_space<hbm>>)
      tpu.yield
    }) : () -> ()
    return
  }
}

module attributes {stable_mosaic.version = 14 : i64} {
  func.func @_split_body(%arg0: memref<2x320000xi32, #tpu.memory_space<vmem>>, %arg1: memref<320000xi32, #tpu.memory_space<vmem>>, %arg2: memref<320000xi32, #tpu.memory_space<vmem>>) attributes {dimension_semantics = [], scalar_prefetch = 0 : i64, scratch_operands = 0 : i64, tpu.core_type = #tpu.core_type<tc>} {
    %get3A = arith.constant 0 : index
    %get3A_0 = arith.constant 0 : index
    %get3A_1 = vector.load %arg0[%get3A, %get3A_0] : memref<2x320000xi32, #tpu.memory_space<vmem>>, vector<2x320000xi32>
    %slice3A = vector.extract_strided_slice %get3A_1 {offsets = [0, 0], sizes = [1, 320000], strides = [1, 1]} : vector<2x320000xi32> to vector<1x320000xi32>
    %squeeze3A = vector.shape_cast %slice3A : vector<1x320000xi32> to vector<320000xi32>
    %swap3A = arith.constant 0 : index
    %swap3A_2 = vector.load %arg1[%swap3A] : memref<320000xi32, #tpu.memory_space<vmem>>, vector<320000xi32>
    tpu.vector_store %arg1[%swap3A], %squeeze3A {strides = array<i32>} : memref<320000xi32, #tpu.memory_space<vmem>>, vector<320000xi32>,
    %slice3A_3 = vector.extract_strided_slice %get3A_1 {offsets = [1, 0], sizes = [1, 320000], strides = [1, 1]} : vector<2x320000xi32> to vector<1x320000xi32>
    %squeeze3A_4 = vector.shape_cast %slice3A_3 : vector<1x320000xi32> to vector<320000xi32>
    %swap3A_5 = arith.constant 0 : index
    %swap3A_6 = vector.load %arg2[%swap3A_5] : memref<320000xi32, #tpu.memory_space<vmem>>, vector<320000xi32>
    tpu.vector_store %arg2[%swap3A_5], %squeeze3A_4 {strides = array<i32>} : memref<320000xi32, #tpu.memory_space<vmem>>, vector<320000xi32>,
    return
  }
}

module attributes {stable_mosaic.version = 14 : i64} {
  func.func @_front_body(%arg0: memref<10000x128xf32, #tpu.memory_space<vmem>>, %arg1: memref<2x1x10240xf32, #tpu.memory_space<vmem>>, %arg2: memref<32x32xf32, #tpu.memory_space<vmem>>, %arg3: memref<1x32xf32, #tpu.memory_space<vmem>>, %arg4: memref<64x128xf32, #tpu.memory_space<vmem>>, %arg5: memref<1x64xf32, #tpu.memory_space<vmem>>, %arg6: memref<64x64xf32, #tpu.memory_space<vmem>>, %arg7: memref<10240x64xf32, #tpu.memory_space<vmem>>) attributes {dimension_semantics = [], scalar_prefetch = 0 : i64, scratch_operands = 0 : i64, tpu.core_type = #tpu.core_type<tc>} {
    %get3A = arith.constant 0 : index
    %get3A_0 = arith.constant 0 : index
    %get3A_1 = arith.constant 0 : index
    %get3A_2 = vector.load %arg1[%get3A, %get3A_0, %get3A_1] : memref<2x1x10240xf32, #tpu.memory_space<vmem>>, vector<1x1x10000xf32>
    %get3A_3 = vector.shape_cast %get3A_2 : vector<1x1x10000xf32> to vector<1x10000xf32>
    %get3A_4 = arith.constant 1 : index
    %get3A_5 = arith.constant 0 : index
    %get3A_6 = arith.constant 0 : index
    %get3A_7 = vector.load %arg1[%get3A_4, %get3A_5, %get3A_6] : memref<2x1x10240xf32, #tpu.memory_space<vmem>>, vector<1x1x10000xf32>
    %get3A_8 = vector.shape_cast %get3A_7 : vector<1x1x10000xf32> to vector<1x10000xf32>
    %add3A = arith.addf %get3A_3, %get3A_8 : vector<1x10000xf32>
    %add3A_9 = arith.constant 1.000000e+00 : f32
    %add3A_10 = vector.broadcast %add3A_9 : f32 to vector<1x10000xf32>
    %add3A_11 = arith.addf %add3A, %add3A_10 : vector<1x10000xf32>
    %rsqrt3A = math.rsqrt %add3A_11 : vector<1x10000xf32>
    %transpose3A = tpu.transpose %rsqrt3A, [1, 0] : vector<1x10000xf32> -> vector<10000x1xf32>
    %get3A_12 = arith.constant 0 : index
    %get3A_13 = arith.constant 0 : index
    %get3A_14 = vector.load %arg0[%get3A_12, %get3A_13] : memref<10000x128xf32, #tpu.memory_space<vmem>>, vector<10000x128xf32>
    %slice3A = vector.extract_strided_slice %get3A_14 {offsets = [0, 0], sizes = [10000, 32], strides = [1, 1]} : vector<10000x128xf32> to vector<10000x32xf32>
    %get3A_15 = arith.constant 0 : index
    %get3A_16 = arith.constant 0 : index
    %get3A_17 = vector.load %arg2[%get3A_15, %get3A_16] : memref<32x32xf32, #tpu.memory_space<vmem>>, vector<32x32xf32>
    %dot_general3A = arith.constant dense<0.000000e+00> : vector<10000x32xf32>
    %dot_general3A_18 = tpu.matmul %slice3A, %get3A_17, %dot_general3A {dimension_numbers = #tpu.dot_dimension_numbers<[1], [1], [0], [0], [0, 0, 1, 0], [], []>, transpose_lhs_hint = false} : vector<10000x32xf32>, vector<32x32xf32>, vector<10000x32xf32> -> vector<10000x32xf32>
    %get3A_19 = arith.constant 0 : index
    %get3A_20 = arith.constant 0 : index
    %get3A_21 = vector.load %arg3[%get3A_19, %get3A_20] : memref<1x32xf32, #tpu.memory_space<vmem>>, vector<1x32xf32>
    %add3A_22 = vector.broadcast %get3A_21 : vector<1x32xf32> to vector<10000x32xf32>
    %add3A_23 = arith.addf %dot_general3A_18, %add3A_22 : vector<10000x32xf32>
    %max3A = arith.constant 0.000000e+00 : f32
    %max3A_24 = vector.broadcast %max3A : f32 to vector<10000x32xf32>
    %max3A_25 = arith.maximumf %add3A_23, %max3A_24 : vector<10000x32xf32>
    %slice3A_26 = vector.extract_strided_slice %get3A_14 {offsets = [0, 32], sizes = [10000, 96], strides = [1, 1]} : vector<10000x128xf32> to vector<10000x96xf32>
    %get3A_27 = arith.constant 0 : index
    %get3A_28 = arith.constant 0 : index
    %get3A_29 = vector.load %arg4[%get3A_27, %get3A_28] : memref<64x128xf32, #tpu.memory_space<vmem>>, vector<64x128xf32>
    %slice3A_30 = vector.extract_strided_slice %get3A_29 {offsets = [0, 0], sizes = [64, 96], strides = [1, 1]} : vector<64x128xf32> to vector<64x96xf32>
    %dot_general3A_31 = arith.constant dense<0.000000e+00> : vector<10000x64xf32>
    %dot_general3A_32 = tpu.matmul %slice3A_26, %slice3A_30, %dot_general3A_31 {dimension_numbers = #tpu.dot_dimension_numbers<[1], [1], [0], [0], [0, 0, 1, 0], [], []>, transpose_lhs_hint = false} : vector<10000x96xf32>, vector<64x96xf32>, vector<10000x64xf32> -> vector<10000x64xf32>
    %get3A_33 = arith.constant 0 : index
    %get3A_34 = arith.constant 0 : index
    %get3A_35 = vector.load %arg4[%get3A_33, %get3A_34] : memref<64x128xf32, #tpu.memory_space<vmem>>, vector<64x128xf32>
    %slice3A_36 = vector.extract_strided_slice %get3A_35 {offsets = [0, 96], sizes = [64, 32], strides = [1, 1]} : vector<64x128xf32> to vector<64x32xf32>
    %dot_general3A_37 = arith.constant dense<0.000000e+00> : vector<10000x64xf32>
    %dot_general3A_38 = tpu.matmul %max3A_25, %slice3A_36, %dot_general3A_37 {dimension_numbers = #tpu.dot_dimension_numbers<[1], [1], [0], [0], [0, 0, 1, 0], [], []>, transpose_lhs_hint = false} : vector<10000x32xf32>, vector<64x32xf32>, vector<10000x64xf32> -> vector<10000x64xf32>
    %add3A_39 = arith.addf %dot_general3A_32, %dot_general3A_38 : vector<10000x64xf32>
    %get3A_40 = arith.constant 0 : index
    %get3A_41 = arith.constant 0 : index
    %get3A_42 = vector.load %arg5[%get3A_40, %get3A_41] : memref<1x64xf32, #tpu.memory_space<vmem>>, vector<1x64xf32>
    %add3A_43 = vector.broadcast %get3A_42 : vector<1x64xf32> to vector<10000x64xf32>
    %add3A_44 = arith.addf %add3A_39, %add3A_43 : vector<10000x64xf32>
    %max3A_45 = arith.constant 0.000000e+00 : f32
    %max3A_46 = vector.broadcast %max3A_45 : f32 to vector<10000x64xf32>
    %max3A_47 = arith.maximumf %add3A_44, %max3A_46 : vector<10000x64xf32>
    %get3A_48 = arith.constant 0 : index
    %get3A_49 = arith.constant 0 : index
    %get3A_50 = vector.load %arg6[%get3A_48, %get3A_49] : memref<64x64xf32, #tpu.memory_space<vmem>>, vector<64x64xf32>
    %dot_general3A_51 = arith.constant dense<0.000000e+00> : vector<10000x64xf32>
    %dot_general3A_52 = tpu.matmul %max3A_47, %get3A_50, %dot_general3A_51 {dimension_numbers = #tpu.dot_dimension_numbers<[1], [1], [0], [0], [0, 0, 1, 0], [], []>, transpose_lhs_hint = false} : vector<10000x64xf32>, vector<64x64xf32>, vector<10000x64xf32> -> vector<10000x64xf32>
    %mul3A = vector.broadcast %transpose3A : vector<10000x1xf32> to vector<10000x64xf32>
    %mul3A_53 = arith.mulf %mul3A, %dot_general3A_52 : vector<10000x64xf32>
    %swap3A = arith.constant 0 : index
    %swap3A_54 = arith.constant 0 : index
    %swap3A_55 = vector.load %arg7[%swap3A, %swap3A_54] : memref<10240x64xf32, #tpu.memory_space<vmem>>, vector<10000x64xf32>
    tpu.vector_store %arg7[%swap3A, %swap3A_54], %mul3A_53 {strides = array<i32>} : memref<10240x64xf32, #tpu.memory_space<vmem>>, vector<10000x64xf32>,
    %broadcast_in_dim3A = arith.constant 0.000000e+00 : f32
    %broadcast_in_dim3A_56 = vector.broadcast %broadcast_in_dim3A : f32 to vector<240x64xf32>
    %swap3A_57 = arith.constant 10000 : index
    %swap3A_58 = arith.constant 0 : index
    %swap3A_59 = vector.load %arg7[%swap3A_57, %swap3A_58] : memref<10240x64xf32, #tpu.memory_space<vmem>>, vector<240x64xf32>
    tpu.vector_store %arg7[%swap3A_57, %swap3A_58], %broadcast_in_dim3A_56 {strides = array<i32>} : memref<10240x64xf32, #tpu.memory_space<vmem>>, vector<240x64xf32>,
    return
  }
}

module attributes {stable_mosaic.version = 14 : i64} {
  func.func @_mid_body(%arg0: i32, %arg1: memref<2x1x1024xf32, #tpu.memory_space<vmem>>, %arg2: memref<2x1024x64xf32, #tpu.memory_space<vmem>>, %arg3: memref<1024x64xf32, #tpu.memory_space<vmem>>, %arg4: memref<1x64xf32, #tpu.memory_space<vmem>>, %arg5: memref<64x64xf32, #tpu.memory_space<vmem>>, %arg6: memref<1024x64xf32, #tpu.memory_space<vmem>>) attributes {dimension_semantics = [#tpu.dimension_semantics<arbitrary>], iteration_bounds = array<i64: 10>, scalar_prefetch = 0 : i64, scratch_operands = 0 : i64, tpu.core_type = #tpu.core_type<tc>, window_params = [{transform_indices = @transform_0, window_bounds = array<i64: 2, 1, 1024>}, {transform_indices = @transform_1, window_bounds = array<i64: 2, 1024, 64>}, {transform_indices = @transform_2, window_bounds = array<i64: 1024, 64>}, {pipeline_mode = #tpu.pipeline_mode<synchronous>, transform_indices = @transform_3, window_bounds = array<i64: 1, 64>}, {pipeline_mode = #tpu.pipeline_mode<synchronous>, transform_indices = @transform_4, window_bounds = array<i64: 64, 64>}, {transform_indices = @transform_5, window_bounds = array<i64: 1024, 64>}]} {
    %get3A = arith.constant 0 : index
    %get3A_0 = arith.constant 0 : index
    %get3A_1 = arith.constant 0 : index
    %get3A_2 = vector.load %arg1[%get3A, %get3A_0, %get3A_1] : memref<2x1x1024xf32, #tpu.memory_space<vmem>>, vector<1x1x1024xf32>
    %get3A_3 = vector.shape_cast %get3A_2 : vector<1x1x1024xf32> to vector<1x1024xf32>
    %get3A_4 = arith.constant 1 : index
    %get3A_5 = arith.constant 0 : index
    %get3A_6 = arith.constant 0 : index
    %get3A_7 = vector.load %arg1[%get3A_4, %get3A_5, %get3A_6] : memref<2x1x1024xf32, #tpu.memory_space<vmem>>, vector<1x1x1024xf32>
    %get3A_8 = vector.shape_cast %get3A_7 : vector<1x1x1024xf32> to vector<1x1024xf32>
    %add3A = arith.addf %get3A_3, %get3A_8 : vector<1x1024xf32>
    %add3A_9 = arith.constant 1.000000e+00 : f32
    %add3A_10 = vector.broadcast %add3A_9 : f32 to vector<1x1024xf32>
    %add3A_11 = arith.addf %add3A, %add3A_10 : vector<1x1024xf32>
    %rsqrt3A = math.rsqrt %add3A_11 : vector<1x1024xf32>
    %transpose3A = tpu.transpose %rsqrt3A, [1, 0] : vector<1x1024xf32> -> vector<1024x1xf32>
    %get3A_12 = arith.constant 0 : index
    %get3A_13 = arith.constant 0 : index
    %get3A_14 = arith.constant 0 : index
    %get3A_15 = vector.load %arg2[%get3A_12, %get3A_13, %get3A_14] : memref<2x1024x64xf32, #tpu.memory_space<vmem>>, vector<1x1024x64xf32>
    %get3A_16 = vector.shape_cast %get3A_15 : vector<1x1024x64xf32> to vector<1024x64xf32>
    %get3A_17 = arith.constant 1 : index
    %get3A_18 = arith.constant 0 : index
    %get3A_19 = arith.constant 0 : index
    %get3A_20 = vector.load %arg2[%get3A_17, %get3A_18, %get3A_19] : memref<2x1024x64xf32, #tpu.memory_space<vmem>>, vector<1x1024x64xf32>
    %get3A_21 = vector.shape_cast %get3A_20 : vector<1x1024x64xf32> to vector<1024x64xf32>
    %add3A_22 = arith.addf %get3A_16, %get3A_21 : vector<1024x64xf32>
    %get3A_23 = arith.constant 0 : index
    %get3A_24 = arith.constant 0 : index
    %get3A_25 = vector.load %arg3[%get3A_23, %get3A_24] : memref<1024x64xf32, #tpu.memory_space<vmem>>, vector<1024x64xf32>
    %sub3A = arith.subf %add3A_22, %get3A_25 : vector<1024x64xf32>
    %mul3A = vector.broadcast %transpose3A : vector<1024x1xf32> to vector<1024x64xf32>
    %mul3A_26 = arith.mulf %mul3A, %sub3A : vector<1024x64xf32>
    %get3A_27 = arith.constant 0 : index
    %get3A_28 = arith.constant 0 : index
    %get3A_29 = vector.load %arg4[%get3A_27, %get3A_28] : memref<1x64xf32, #tpu.memory_space<vmem>>, vector<1x64xf32>
    %add3A_30 = vector.broadcast %get3A_29 : vector<1x64xf32> to vector<1024x64xf32>
    %add3A_31 = arith.addf %mul3A_26, %add3A_30 : vector<1024x64xf32>
    %gt3A = arith.constant 0.000000e+00 : f32
    %gt3A_32 = vector.broadcast %gt3A : f32 to vector<1024x64xf32>
    %gt3A_33 = arith.cmpf ogt, %add3A_31, %gt3A_32 : vector<1024x64xf32>
    %jit3A = arith.constant 0.000000e+00 : f32
    %broadcast_in_dim3A = vector.broadcast %jit3A : f32 to vector<1024x64xf32>
    %select_n3A = arith.select %gt3A_33, %broadcast_in_dim3A, %add3A_31 : vector<1024x64xi1>, vector<1024x64xf32>
    %gt3A_34 = arith.constant 0.000000e+00 : f32
    %gt3A_35 = vector.broadcast %gt3A_34 : f32 to vector<1024x64xf32>
    %gt3A_36 = arith.cmpf ogt, %add3A_31, %gt3A_35 : vector<1024x64xf32>
    %exp3A = math.exp %select_n3A : vector<1024x64xf32>
    %sub3A_37 = arith.constant 1.000000e+00 : f32
    %sub3A_38 = vector.broadcast %sub3A_37 : f32 to vector<1024x64xf32>
    %sub3A_39 = arith.subf %exp3A, %sub3A_38 : vector<1024x64xf32>
    %select_n3A_40 = arith.select %gt3A_36, %add3A_31, %sub3A_39 : vector<1024x64xi1>, vector<1024x64xf32>
    %get3A_41 = arith.constant 0 : index
    %get3A_42 = arith.constant 0 : index
    %get3A_43 = vector.load %arg5[%get3A_41, %get3A_42] : memref<64x64xf32, #tpu.memory_space<vmem>>, vector<64x64xf32>
    %dot_general3A = arith.constant dense<0.000000e+00> : vector<1024x64xf32>
    %dot_general3A_44 = tpu.matmul %select_n3A_40, %get3A_43, %dot_general3A {dimension_numbers = #tpu.dot_dimension_numbers<[1], [1], [0], [0], [0, 0, 1, 0], [], []>, transpose_lhs_hint = false} : vector<1024x64xf32>, vector<64x64xf32>, vector<1024x64xf32> -> vector<1024x64xf32>
    %mul3A_45 = vector.broadcast %transpose3A : vector<1024x1xf32> to vector<1024x64xf32>
    %mul3A_46 = arith.mulf %mul3A_45, %dot_general3A_44 : vector<1024x64xf32>
    %mul3A_47 = arith.constant 1024 : i32
    %mul3A_48 = arith.muli %arg0, %mul3A_47 : i32
    %iota3A = tpu.iota {dimensions = array<i32: 0>} : vector<1024x1xi32>
    %add3A_49 = vector.broadcast %mul3A_48 : i32 to vector<1024x1xi32>
    %add3A_50 = arith.addi %add3A_49, %iota3A : vector<1024x1xi32>
    %lt3A = arith.constant 10000 : i32
    %lt3A_51 = vector.broadcast %lt3A : i32 to vector<1024x1xi32>
    %lt3A_52 = arith.cmpi slt, %add3A_50, %lt3A_51 : vector<1024x1xi32>
    %jit3A_53 = arith.constant 0.000000e+00 : f32
    %broadcast_in_dim3A_54 = vector.shape_cast %lt3A_52 : vector<1024x1xi1> to vector<1024x1xi1>
    %broadcast_in_dim3A_55 = vector.broadcast %broadcast_in_dim3A_54 : vector<1024x1xi1> to vector<1024x64xi1>
    %broadcast_in_dim3A_56 = vector.broadcast %jit3A_53 : f32 to vector<1024x64xf32>
    %select_n3A_57 = arith.select %broadcast_in_dim3A_55, %mul3A_46, %broadcast_in_dim3A_56 : vector<1024x64xi1>, vector<1024x64xf32>
    %swap3A = arith.constant 0 : index
    %swap3A_58 = arith.constant 0 : index
    %swap3A_59 = vector.load %arg6[%swap3A, %swap3A_58] : memref<1024x64xf32, #tpu.memory_space<vmem>>, vector<1024x64xf32>
    tpu.vector_store %arg6[%swap3A, %swap3A_58], %select_n3A_57 {strides = array<i32>} : memref<1024x64xf32, #tpu.memory_space<vmem>>, vector<1024x64xf32>,
    return
  }
  func.func @transform_0(%arg0: i32) -> (i32, i32, i32) {
    %c0_i32 = arith.constant 0 : i32
    %c0_i32_0 = arith.constant 0 : i32
    %c0_i32_1 = arith.constant 0 : i32
    return %c0_i32, %c0_i32_0, %arg0 : i32, i32, i32
  }
  func.func @transform_1(%arg0: i32) -> (i32, i32, i32) {
    %c0_i32 = arith.constant 0 : i32
    %c0_i32_0 = arith.constant 0 : i32
    %c0_i32_1 = arith.constant 0 : i32
    return %c0_i32, %arg0, %c0_i32_0 : i32, i32, i32
  }
  func.func @transform_2(%arg0: i32) -> (i32, i32) {
    %c0_i32 = arith.constant 0 : i32
    %c0_i32_0 = arith.constant 0 : i32
    return %arg0, %c0_i32 : i32, i32
  }
  func.func @transform_3(%arg0: i32) -> (i32, i32) {
    %c0_i32 = arith.constant 0 : i32
    %c0_i32_0 = arith.constant 0 : i32
    %c0_i32_1 = arith.constant 0 : i32
    return %c0_i32, %c0_i32_0 : i32, i32
  }
  func.func @transform_4(%arg0: i32) -> (i32, i32) {
    %c0_i32 = arith.constant 0 : i32
    %c0_i32_0 = arith.constant 0 : i32
    %c0_i32_1 = arith.constant 0 : i32
    return %c0_i32, %c0_i32_0 : i32, i32
  }
  func.func @transform_5(%arg0: i32) -> (i32, i32) {
    %c0_i32 = arith.constant 0 : i32
    %c0_i32_0 = arith.constant 0 : i32
    return %arg0, %c0_i32 : i32, i32
  }
}

module attributes {stable_mosaic.version = 14 : i64} {
  func.func @_back_body(%arg0: memref<2x1x10240xf32, #tpu.memory_space<vmem>>, %arg1: memref<2x10240x64xf32, #tpu.memory_space<vmem>>, %arg2: memref<10240x64xf32, #tpu.memory_space<vmem>>, %arg3: memref<1x10000xi32, #tpu.memory_space<vmem>>, %arg4: memref<1x64xf32, #tpu.memory_space<vmem>>, %arg5: memref<64x64xf32, #tpu.memory_space<vmem>>, %arg6: memref<1x64xf32, #tpu.memory_space<vmem>>, %arg7: memref<16x64xf32, #tpu.memory_space<vmem>>) attributes {dimension_semantics = [], scalar_prefetch = 0 : i64, scratch_operands = 0 : i64, tpu.core_type = #tpu.core_type<tc>} {
    %get3A = arith.constant 0 : index
    %get3A_0 = arith.constant 0 : index
    %get3A_1 = arith.constant 0 : index
    %get3A_2 = vector.load %arg0[%get3A, %get3A_0, %get3A_1] : memref<2x1x10240xf32, #tpu.memory_space<vmem>>, vector<1x1x10000xf32>
    %get3A_3 = vector.shape_cast %get3A_2 : vector<1x1x10000xf32> to vector<1x10000xf32>
    %get3A_4 = arith.constant 1 : index
    %get3A_5 = arith.constant 0 : index
    %get3A_6 = arith.constant 0 : index
    %get3A_7 = vector.load %arg0[%get3A_4, %get3A_5, %get3A_6] : memref<2x1x10240xf32, #tpu.memory_space<vmem>>, vector<1x1x10000xf32>
    %get3A_8 = vector.shape_cast %get3A_7 : vector<1x1x10000xf32> to vector<1x10000xf32>
    %add3A = arith.addf %get3A_3, %get3A_8 : vector<1x10000xf32>
    %add3A_9 = arith.constant 1.000000e+00 : f32
    %add3A_10 = vector.broadcast %add3A_9 : f32 to vector<1x10000xf32>
    %add3A_11 = arith.addf %add3A, %add3A_10 : vector<1x10000xf32>
    %rsqrt3A = math.rsqrt %add3A_11 : vector<1x10000xf32>
    %transpose3A = tpu.transpose %rsqrt3A, [1, 0] : vector<1x10000xf32> -> vector<10000x1xf32>
    %get3A_12 = arith.constant 0 : index
    %get3A_13 = arith.constant 0 : index
    %get3A_14 = arith.constant 0 : index
    %get3A_15 = vector.load %arg1[%get3A_12, %get3A_13, %get3A_14] : memref<2x10240x64xf32, #tpu.memory_space<vmem>>, vector<1x10000x64xf32>
    %get3A_16 = vector.shape_cast %get3A_15 : vector<1x10000x64xf32> to vector<10000x64xf32>
    %get3A_17 = arith.constant 1 : index
    %get3A_18 = arith.constant 0 : index
    %get3A_19 = arith.constant 0 : index
    %get3A_20 = vector.load %arg1[%get3A_17, %get3A_18, %get3A_19] : memref<2x10240x64xf32, #tpu.memory_space<vmem>>, vector<1x10000x64xf32>
    %get3A_21 = vector.shape_cast %get3A_20 : vector<1x10000x64xf32> to vector<10000x64xf32>
    %add3A_22 = arith.addf %get3A_16, %get3A_21 : vector<10000x64xf32>
    %get3A_23 = arith.constant 0 : index
    %get3A_24 = arith.constant 0 : index
    %get3A_25 = vector.load %arg2[%get3A_23, %get3A_24] : memref<10240x64xf32, #tpu.memory_space<vmem>>, vector<10000x64xf32>
    %sub3A = arith.subf %add3A_22, %get3A_25 : vector<10000x64xf32>
    %mul3A = vector.broadcast %transpose3A : vector<10000x1xf32> to vector<10000x64xf32>
    %mul3A_26 = arith.mulf %mul3A, %sub3A : vector<10000x64xf32>
    %get3A_27 = arith.constant 0 : index
    %get3A_28 = arith.constant 0 : index
    %get3A_29 = vector.load %arg4[%get3A_27, %get3A_28] : memref<1x64xf32, #tpu.memory_space<vmem>>, vector<1x64xf32>
    %add3A_30 = vector.broadcast %get3A_29 : vector<1x64xf32> to vector<10000x64xf32>
    %add3A_31 = arith.addf %mul3A_26, %add3A_30 : vector<10000x64xf32>
    %gt3A = arith.constant 0.000000e+00 : f32
    %gt3A_32 = vector.broadcast %gt3A : f32 to vector<10000x64xf32>
    %gt3A_33 = arith.cmpf ogt, %add3A_31, %gt3A_32 : vector<10000x64xf32>
    %jit3A = arith.constant 0.000000e+00 : f32
    %broadcast_in_dim3A = vector.broadcast %jit3A : f32 to vector<10000x64xf32>
    %select_n3A = arith.select %gt3A_33, %broadcast_in_dim3A, %add3A_31 : vector<10000x64xi1>, vector<10000x64xf32>
    %gt3A_34 = arith.constant 0.000000e+00 : f32
    %gt3A_35 = vector.broadcast %gt3A_34 : f32 to vector<10000x64xf32>
    %gt3A_36 = arith.cmpf ogt, %add3A_31, %gt3A_35 : vector<10000x64xf32>
    %exp3A = math.exp %select_n3A : vector<10000x64xf32>
    %sub3A_37 = arith.constant 1.000000e+00 : f32
    %sub3A_38 = vector.broadcast %sub3A_37 : f32 to vector<10000x64xf32>
    %sub3A_39 = arith.subf %exp3A, %sub3A_38 : vector<10000x64xf32>
    %select_n3A_40 = arith.select %gt3A_36, %add3A_31, %sub3A_39 : vector<10000x64xi1>, vector<10000x64xf32>
    %get3A_41 = arith.constant 0 : index
    %get3A_42 = arith.constant 0 : index
    %get3A_43 = vector.load %arg3[%get3A_41, %get3A_42] : memref<1x10000xi32, #tpu.memory_space<vmem>>, vector<1x10000xi32>
    %transpose3A_44 = tpu.transpose %get3A_43, [1, 0] : vector<1x10000xi32> -> vector<10000x1xi32>
    %iota3A = tpu.iota {dimensions = array<i32: 1>} : vector<1x16xi32>
    %eq3A = vector.broadcast %transpose3A_44 : vector<10000x1xi32> to vector<10000x16xi32>
    %eq3A_45 = vector.broadcast %iota3A : vector<1x16xi32> to vector<10000x16xi32>
    %eq3A_46 = arith.cmpi eq, %eq3A, %eq3A_45 : vector<10000x16xi32>
    %convert_element_type3A = arith.extui %eq3A_46 : vector<10000x16xi1> to vector<10000x16xi32>
    %convert_element_type3A_47 = arith.sitofp %convert_element_type3A : vector<10000x16xi32> to vector<10000x16xf32>
    %dot_general3A = arith.constant dense<0.000000e+00> : vector<16x64xf32>
    %dot_general3A_48 = tpu.matmul %convert_element_type3A_47, %select_n3A_40, %dot_general3A {dimension_numbers = #tpu.dot_dimension_numbers<[0], [0], [1], [1], [0, 1, 1, 1], [], []>, transpose_lhs_hint = false} : vector<10000x16xf32>, vector<10000x64xf32>, vector<16x64xf32> -> vector<16x64xf32>
    %broadcast_in_dim3A_49 = arith.constant 1.000000e+00 : f32
    %broadcast_in_dim3A_50 = vector.broadcast %broadcast_in_dim3A_49 : f32 to vector<10000x1xf32>
    %dot_general3A_51 = arith.constant dense<0.000000e+00> : vector<16x1xf32>
    %dot_general3A_52 = tpu.matmul %convert_element_type3A_47, %broadcast_in_dim3A_50, %dot_general3A_51 {dimension_numbers = #tpu.dot_dimension_numbers<[0], [0], [1], [1], [0, 1, 1, 1], [], []>, transpose_lhs_hint = false} : vector<10000x16xf32>, vector<10000x1xf32>, vector<16x1xf32> -> vector<16x1xf32>
    %max3A = arith.constant 1.000000e+00 : f32
    %max3A_53 = vector.broadcast %max3A : f32 to vector<16x1xf32>
    %max3A_54 = arith.maximumf %dot_general3A_52, %max3A_53 : vector<16x1xf32>
    %div3A = vector.broadcast %max3A_54 : vector<16x1xf32> to vector<16x64xf32>
    %div3A_55 = arith.divf %dot_general3A_48, %div3A : vector<16x64xf32>
    %get3A_56 = arith.constant 0 : index
    %get3A_57 = arith.constant 0 : index
    %get3A_58 = vector.load %arg5[%get3A_56, %get3A_57] : memref<64x64xf32, #tpu.memory_space<vmem>>, vector<64x64xf32>
    %dot_general3A_59 = arith.constant dense<0.000000e+00> : vector<16x64xf32>
    %dot_general3A_60 = tpu.matmul %div3A_55, %get3A_58, %dot_general3A_59 {dimension_numbers = #tpu.dot_dimension_numbers<[1], [1], [0], [0], [0, 0, 1, 0], [], []>, transpose_lhs_hint = false} : vector<16x64xf32>, vector<64x64xf32>, vector<16x64xf32> -> vector<16x64xf32>
    %get3A_61 = arith.constant 0 : index
    %get3A_62 = arith.constant 0 : index
    %get3A_63 = vector.load %arg6[%get3A_61, %get3A_62] : memref<1x64xf32, #tpu.memory_space<vmem>>, vector<1x64xf32>
    %add3A_64 = vector.broadcast %get3A_63 : vector<1x64xf32> to vector<16x64xf32>
    %add3A_65 = arith.addf %dot_general3A_60, %add3A_64 : vector<16x64xf32>
    %swap3A = arith.constant 0 : index
    %swap3A_66 = arith.constant 0 : index
    %swap3A_67 = vector.load %arg7[%swap3A, %swap3A_66] : memref<16x64xf32, #tpu.memory_space<vmem>>, vector<16x64xf32>
    tpu.vector_store %arg7[%swap3A, %swap3A_66], %add3A_65 {strides = array<i32>} : memref<16x64xf32, #tpu.memory_space<vmem>>, vector<16x64xf32>,
    return
  }
}

</mosaic_0001>

<sc_bundles>
// kernel: kernel.12.cloned.1.call-start
scs
__scs_entry_jumppad:
0x0: {  	(pc) =	sbr.rel $0x88, $3  }
0x1: {  	(tag) =	ssettag $0x0;
	lr =	simm.s32 $0x1  }
0x2: {  	[smem:$0x3F94] =	sst lr;
	_ =	strace $0xD0000000  }
0x3: {  	_ = 	snop  }
0x4: {  	_ = 	snop  }
0x5: {  	_ = 	snop  }
0x6: {  	_ = 	snop  }
0x7: {  	_ = 	snop  }
__scs_overlays_trampoline_lowered:
0x8: {  	[smem:$0x3FA3] =	sst s0  }
0x9: {  	[smem:$0x3FA4] =	sst s1  }
0xa: {  	[smem:$0x3FA5] =	sst s2  }
0xb: {  	[smem:$0x3FA6] =	sst s3  }
0xc: {  	[smem:$0x3FA7] =	sst s4  }
0xd: {  	[smem:$0x3FA8] =	sst s5  }
0xe: {  	[smem:$0x3FA9] =	sst s6  }
0xf: {  	[smem:$0x3FAA] =	sst s7  }
0x10: {  	[smem:$0x3FAB] =	sst s8  }
0x11: {  	[smem:$0x3FAC] =	sst s9;
	s0 =	simm.s32 @!p0 $0x0  }
0x12: {  	s1 =	sld [smem:$0x3F92];
	s0 =	simm.s32 @p0 $0x1  }
0x13: {  	[smem:$0x3FAD] =	sst s0;
	s0 =	simm.s32 @!p1 $0x0  }
0x14: {  	s2 =	sld [smem:$0x3F91];
	s0 =	simm.s32 @p1 $0x1  }
0x15: {  	[smem:$0x3FAE] =	sst s0;
	s0 =	simm.s32 @!p2 $0x0  }
0x16: {  	s3 =	sld [smem:$0x3FDB];
	s0 =	simm.s32 @p2 $0x1  }
0x17: {  	s4 =	simm.s32 $0x1BF5;
	[smem:$0x3FB0] =	sst s0  }
0x18: {  	s0 =	sld [smem:$0x3F93];
	_ =	swait.ge [sflag:s4], $0x0  }
0x19: {  	s7 =	sld [smem:$0x3F94]  }
0x1a: {  	s8 =	sadd.s32 $0xFFFFE003, lr  }
0x1b: {  	s9 =	sadd.s32 $0xFFFFFEF7, lr;
	s5 =	simm.s32 $0xFFFFFFFF;
	p2 =	slt.u32 s8, $0xFFFFF086  }
0x1c: {  	p1 =	slt.u32 s9, $0xF7A;
	s5 =	simm.s32 @!p2 $0x0  }
0x1d: {  	s5 =	simm.s32 @p1 $0x1;
	p0 =	seq.s32 s7, s2  }
0x1e: {  	s7 =	smul.u32 @!p0 $0xF7A, s2;
	p2 =	seq.s32 @!p0 s5, $0x0  }
0x1f: {  	s9 =	smul.u32 $0xF7A, s1;
	s8 =	simm.s32 @!p0 $0x1BF5;
	p2 =	por !p2, p0  }
0x20: {  	[sflag:s8] =	ssyncset.s32 @!p0 $0xFFFFF086;
	s6 =	sadd.s32 @!p0 s3, s7;
	s7 =	simm.s32 @!p0 $0x108  }
0x21: {  	s3 =	sadd.s32 s3, s9;
	s6 =	sadd.s32 @!p0 $0x88, s6;
	s7 =	simm.s32 @p2 $0x1082  }
0x22: {  	[simem:s7], [sflag:s8] =	dma.local @!p0 [hbm:s6], $0xF7A  }
0x23: {  	s9 =	sor.u32 $0xD0000000, s2;
	s6 =	simm.s32 $0x108;
	_ =	swait.ge @!p0 [sflag:s8], $0x0  }
0x24: {  	s3 =	sadd.s32 $0x88, s3;
	s6 =	simm.s32 @!p1 $0x1082;
	[sflag:s4] =	ssyncset.s32 $0xFFFFF086  }
0x25: {  	[simem:s6], [sflag:s4] =	dma.local [hbm:s3], $0xF7A  }
0x26: {  	[smem:$0x3F94] =	sst s1;
	(tag) =	ssettag s2;
	_ =	strace s9  }
0x27: {  	s1 =	sld [smem:$0x3FA4]  }
0x28: {  	s2 =	sld [smem:$0x3FA5]  }
0x29: {  	s4 =	sld [smem:$0x3FA7]  }
0x2a: {  	p0 =	seq.s32 s5, $0x0;
	s5 =	sld [smem:$0x3FA8]  }
0x2b: {  	s6 =	sld [smem:$0x3FA9]  }
0x2c: {  	s7 =	sld [smem:$0x3FAA]  }
0x2d: {  	s3 =	simm.s32 $0x108;
	s8 =	sld [smem:$0x3FAB]  }
0x2e: {  	s3 =	simm.s32 @!p0 $0x1082;
	s9 =	sld [smem:$0x3FAC]  }
0x2f: {  	lr =	sadd.s32 s0, s3;
	s0 =	sld [smem:$0x3FA3]  }
0x30: {  	s3 =	sld [smem:$0x3FA6]  }
0x31: {  	[smem:$0x3FAF] =	sst s10  }
0x32: {  	s10 =	sld [smem:$0x3FAD];
	_ =	sdelay $0x3  }
0x33: {  	p0 =	seq.s32 s10, $0x1;
	s10 =	sld [smem:$0x3FAF];
	_ =	sdelay $0x3  }
0x34: {  	[smem:$0x3FAF] =	sst s10  }
0x35: {  	s10 =	sld [smem:$0x3FAE];
	_ =	sdelay $0x3  }
0x36: {  	p1 =	seq.s32 s10, $0x1;
	s10 =	sld [smem:$0x3FAF];
	_ =	sdelay $0x3  }
0x37: {  	[smem:$0x3FAF] =	sst s10  }
0x38: {  	s10 =	sld [smem:$0x3FB0]  }
0x39: {  	_ = 	snop;
	(pc) =	sbr.ind lr, $3  }
0x3a: {  	_ = 	snop  }
0x3b: {  	_ = 	snop  }
0x3c: {  	p2 =	seq.s32 s10, $0x1;
	s10 =	sld [smem:$0x3FAF]  }
0x3d: {  	_ =	shalt  }
0x3e: {  	_ =	shalt  }
0x3f: {  	_ =	shalt  }
0x40: {  	_ =	shalt  }
0x41: {  	_ =	shalt  }
0x42: {  	_ =	shalt  }
0x43: {  	_ =	shalt  }
0x44: {  	_ =	shalt  }
0x45: {  	_ =	shalt  }
0x46: {  	_ =	shalt  }
0x47: {  	_ =	shalt  }
0x48: {  	_ =	shalt  }
0x49: {  	_ =	shalt  }
0x4a: {  	_ =	shalt  }
0x4b: {  	_ =	shalt  }
0x4c: {  	_ =	shalt  }
0x4d: {  	_ =	shalt  }
0x4e: {  	_ =	shalt  }
0x4f: {  	_ =	shalt  }
0x50: {  	_ =	shalt  }
0x51: {  	_ =	shalt  }
0x52: {  	_ =	shalt  }
0x53: {  	_ =	shalt  }
0x54: {  	_ =	shalt  }
0x55: {  	_ =	shalt  }
0x56: {  	_ =	shalt  }
0x57: {  	_ =	shalt  }
0x58: {  	_ =	shalt  }
0x59: {  	_ =	shalt  }
0x5a: {  	_ =	shalt  }
0x5b: {  	_ =	shalt  }
0x5c: {  	_ =	shalt  }
0x5d: {  	_ =	shalt  }
0x5e: {  	_ =	shalt  }
0x5f: {  	_ =	shalt  }
0x60: {  	_ =	shalt  }
0x61: {  	_ =	shalt  }
0x62: {  	_ =	shalt  }
0x63: {  	_ =	shalt  }
0x64: {  	_ =	shalt  }
0x65: {  	_ =	shalt  }
0x66: {  	_ =	shalt  }
0x67: {  	_ =	shalt  }
0x68: {  	_ =	shalt  }
0x69: {  	_ =	shalt  }
0x6a: {  	_ =	shalt  }
0x6b: {  	_ =	shalt  }
0x6c: {  	_ =	shalt  }
0x6d: {  	_ =	shalt  }
0x6e: {  	_ =	shalt  }
0x6f: {  	_ =	shalt  }
0x70: {  	_ =	shalt  }
0x71: {  	_ =	shalt  }
0x72: {  	_ =	shalt  }
0x73: {  	_ =	shalt  }
0x74: {  	_ =	shalt  }
0x75: {  	_ =	shalt  }
0x76: {  	_ =	shalt  }
0x77: {  	_ =	shalt  }
0x78: {  	_ =	shalt  }
0x79: {  	_ =	shalt  }
0x7a: {  	_ =	shalt  }
0x7b: {  	_ =	shalt  }
0x7c: {  	_ =	shalt  }
0x7d: {  	_ =	shalt  }
0x7e: {  	_ =	shalt  }
0x7f: {  	_ =	shalt  }
0x80: {  	_ =	shalt  }
0x81: {  	_ =	shalt  }
0x82: {  	_ =	shalt  }
0x83: {  	_ =	shalt  }
0x84: {  	_ =	shalt  }
0x85: {  	_ =	shalt  }
0x86: {  	_ =	shalt  }
0x87: {  	_ =	shalt  }
.Lfunc_end0:
.L_simem_size_0:
called_computation.1_lowered:
.L_overlay_start_0:
0x88: {  	s2 =	sld [smem:$0x3FD9]  }
0x89: {  	s3 =	sld [smem:$0x3FFE];
	_ =	sdelay $0x1  }
0x8a: {  	s1 =	srdreg.scid  }
0x8b: {  	s0 =	sand.u32 $0x1, s1  }
0x8c: {  	s16 =	sshll.u32 s0, $0xA;
	s2 =	sadd.s32 s3, s2  }
0x8d: {  	s2 =	sadd.s32 s2, s16  }
0x8e: {  	[smem:$0x3FBB] =	sst s2  }
0x8f: {  	_ = 	snop  }
0x90: {  	(tm) =	ssettm $0x1  }
0x91: {  	s17 =	sld [smem:$0x3FFB];
	_ =	sdelay $0x3  }
0x92: {  	_ =	strace s17  }
0x93: {  	s2 =	sld [smem:$0x3FFC];
	_ =	sdelay $0x3  }
0x94: {  	_ =	strace s2  }
0x95: {  	s2 =	sld [smem:$0x3FFD];
	_ =	sdelay $0x3  }
0x96: {  	_ =	strace s2  }
0x97: {  	_ =	strace $0x8FFFFFFF  }
0x98: {  	s18 =	sld [smem:$0x3FDB];
	_ =	sdelay $0x1  }
0x99: {  	s19 =	simm.s32 $_scs_section_size  }
0x9a: {  	s4 =	simm.s32 $_size__tile_overlayer_lowered;
	s5 =	simm.s32 $_tile_overlayer_lowered  }
0x9b: {  	s22 =	simm.s32 $0x1BFF;
	s21 =	sshll.u32 s5, $0x1;
	s2 =	sadd.s32 s19, s18  }
0x9c: {  	s6 =	simm.s32 $0x0;
	s20 =	sshll.u32 s4, $0x1;
	s4 =	sadd.s32 s21, s2  }
0x9d: {  	[timem:s6], [sflag:s22] =	dma.local [hbm:s4], s20  }
0x9e: {  	_ =	swait.ge [sflag:s22], s20  }
0x9f: {  	s3 =	ssub.s32 $0x0, s20;
	[sflag:s22] =	ssyncset.done $0x0  }
0xa0: {  	[sflag:s22] =	ssyncadd.s32 s3;
	_ =	sdelay $0x1  }
0xa1: {  	s23 =	simm.s32 $0x1B8B  }
0xa2: {  	_ =	swait.ge [sflag:s23], $0x1  }
0xa3: {  	[sflag:s23] =	ssyncset.done $0x0  }
0xa4: {  	s25 =	simm.s32 $0x1B8E;
	s24 =	sld [smem:$0x3FFE];
	[sflag:s23] =	ssyncadd.s32 $0xFFFFFFFF  }
0xa5: {  	s26 =	simm.s32 $execute0_lowered;
	[smem:$0x3FD2] =	sst s25  }
0xa6: {  	s4 =	sshll.u32 s26, $0x1;
	_ =	strace $0x80000049;
	[dreg:$0x1] =	wrdreg $0xFFFFFFFF  }
0xa7: {  	s28 =	simm.s32 $_size_execute0_lowered;
	s2 =	sadd.s32 s2, s4;
	[dreg:$0x0] =	wrdreg $0x0  }
0xa8: {  	s4 =	sshll.u32 s28, $0x1;
	[dreg:$0x2] =	wrdreg s2  }
0xa9: {  	[dreg:$0x3] =	wrdreg s4  }
0xaa: {  	[dreg:$0x4] =	wrdreg $0xC0  }
0xab: {  	_ =	task [dreg:s6], $0x5FFFF  }
0xac: {  	[dreg:$0x1] =	wrdreg $0xFFFFFFFF  }
0xad: {  	[dreg:$0x0] =	wrdreg $0x60  }
0xae: {  	[dreg:$0x2] =	wrdreg s24  }
0xaf: {  	[dreg:$0x3] =	wrdreg $0xB2200  }
0xb0: {  	[dreg:$0x4] =	wrdreg $0x9  }
0xb1: {  	_ =	task.clear_ibuf [dreg:s6], $0x5FFFF;
	_ =	strace $0x90000049  }
0xb2: {  	s29 =	simm.s32 $0x9;
	_ =	strace $0x8000004B  }
0xb3: {  	_ =	swait.ge [sflag:s29], $0x1  }
0xb4: {  	[sflag:s29] =	ssyncadd.s32 $0xFFFFFFFF  }
0xb5: {  	_ =	strace $0x9000004B  }
0xb6: {  	_ =	sfence  }
0xb7: {  	s30 =	sld [smem:$0x0];
	_ =	sdelay $0x2  }
0xb8: {  	s31 =	sshll.u32 s1, $0xD;
	s1 =	sshrl.u32 s1, $0x2  }
0xb9: {  	s3 =	sand.u32 $0x4000, s31;
	s1 =	sadd.s32 s1, s30  }
0xba: {  	s0 =	sor.u32 s3, s0;
	s1 =	sshll.u32 s1, $0x11  }
0xbb: {  	s0 =	sor.u32 s1, s0  }
0xbc: {  	s0 =	sadd.s32 $0x8F2B, s0  }
0xbd: {  	[sflag:s0] =	ssyncadd.remote.s32 $0x1  }
0xbe: {  	_ =	sfence.sel $0xFFFF  }
0xbf: {  	[dreg:$0x0] =	wrdreg $0xFFFFFFFF;
	(pc) =	sbr.abs _section_cstart, $3  }
0xc0: {  	[dreg:$0x1] =	wrdreg $0xFFFFFFFF  }
0xc1: {  	_ =	task.clear_ibuf [dreg:s6], $0x2FFFF;
	_ =	strace $0x9FFFFFFF  }
0xc2: {  	(tm) =	ssettm $0x7FFFFFFF  }
0xc3: {  	_ =	shalt  }
tec
execute0_lowered:
.L_overlay_start_1:
0x0: {  	(tag) =	ssettag $0x1  }
0x1: {  	s0 =	srdreg.scid;
	s5 =	rddreg [dreg:$0x0]  }
0x2: {  	s15 =	stileid.u32;
	s2 =	rddreg [dreg:$0x1];
	s3 =	simm.s32 $0x0  }
0x3: {  	s11 =	simm.s32 $0x7;
	s12 =	simm.s32 $0x50;
	s13 =	simm.s32 $0x4E20  }
0x4: {  	s14 =	simm.s32 $0x6220;
	s16 =	simm.s32 $0x7620;
	s18 =	simm.s32 $0x8A20  }
0x5: {  	s20 =	simm.s32 $0x9E20;
	s22 =	simm.s32 $0x1;
	s28 =	simm.s32 $0x6  }
0x6: {  	s31 =	simm.s32 $0x4D30;
	s0 =	sand.u32 $0x1, s0;
	s7 =	smul.u32 $0x2710, s15  }
0x7: {  	[smem:$0x7FF] =	sst s3;
	s8 =	smul.u32 $0xA000, s15;
	s4 =	sadd.s32 $0x16A00, s5  }
0x8: {  	s30 =	sshll.u32 s15, $0x6;
	s1 =	sshll.u32 s0, $0x4;
	s6 =	smul.u32 $0x27100, s0  }
0x9: {  	_ =	strace $0x8000004A;
	s9 =	smul.u32 $0xA0000, s0;
	s0 =	ssub.s32 $0x2, s0  }
0xa: {  	s21 =	sor.u32 $0x1C07, s30;
	s1 =	sor.u32 s15, s1;
	s25 =	sshrl.u32 s0, $0x1  }
0xb: {  	s29 =	sshrl.u32 s8, $0x3;
	s15 =	simm.s32 $0x0;
	s1 =	smul.u32 $0x2710, s1  }
0xc: {  	s6 =	sadd.s32 s7, s6;
	s23 =	sadd.s32 s8, s9;
	s0 =	ssub.s32 s0, s25  }
0xd: {  	s7 =	sadd.s32 s4, s29;
	s25 =	simm.s32 $0x4;
	s6 =	sshrl.u32 s6, $0x3  }
0xe: {  	s24 =	sshrl.u32 s23, $0x3;
	s9 =	smax.u32 s0, $0x1;
	s23 =	simm.s32 $0x2  }
0xf: {  	s0 =	simm.s32 $0x4DD0;
	s1 =	sshrl.u32 s1, $0x3;
	s10 =	sadd.s32 s6, s5  }
0x10: {  	s26 =	sadd.s32 s24, s5;
	s6 =	sadd.s32 s8, s2;
	s24 =	simm.s32 $0x3  }
0x11: {  	s1 =	sadd.s32 s1, s5;
	s8 =	sadd.s32 $0x2AA00, s26;
	s10 =	sadd.s32 $0x2E00, s10  }
0x12: {  	s26 =	simm.s32 $0x5;
	s5 =	sadd.s32 $0xCC00, s1;
	s1 =	simm.s32 $0x4D80  }
.LBB2_1:
0x13: {  	[tilespmem:s3], [sflag:$0x7] =	stream.linear.gather [hbm4b:s5+s3], $0x2710, $0x38;
	[tilespmem:$0x15220] =	vst v63  }
0x14: {  	_ =	swait.ge [sflag:s11], $0x2710  }
0x15: {  	s17 =	simm.s32 $0x2710;
	s19 =	simm.s32 $0xA;
	[sflag:s11] =	ssyncset.done $0x0  }
0x16: {  	s30 =	sadd.s32 $0x0, s10;
	s29 =	simm.s32 $0x2760;
	[sflag:s11] =	ssyncadd.s32 $0xFFFFD8F0  }
.LBB2_2:
0x17: {  	[tilespmem:s17], [sflag:$0x1] =	stream.linear.gather [hbm4b:s30+s3], $0x50, $0x38;
	[tilespmem:$0x15220] =	vst v63  }
0x18: {  	s30 =	smov.u32 s19;
	s17 =	smov.u32 s29;
	p0 =	sne.s32 s19, $0x4D8  }
.Ltmp0:
0x19: {  	s19 =	sadd.s32 $0xA, s19;
	(pc) =	sbr.rel @p0 .LBB2_2-.Ltmp0, $2  }
0x1a: {  	_ =	sdelay $0x2  }
0x1b: {  	s29 =	sadd.s32 $0x50, s29;
	s30 =	sadd.s32 s30, s10  }
0x1c: {  	[tilespmem:s17], [sflag:$0x1] =	stream.linear.gather [hbm4b:s30+s3], $0x50, $0x38;
	[tilespmem:$0x15220] =	vst v63  }
0x1d: {  	_ = 	snop  }
0x1e: {  	[tilespmem:s13], [sflag:$0x2] =	stream.indirect.gather [hbm4b:s4+s12], $0x40, s3, s12, $0xb8;
	[tilespmem:$0x15220] =	vst v63  }
0x1f: {  	_ = 	snop  }
0x20: {  	[tilespmem:s14], [sflag:$0x3] =	stream.indirect.gather [hbm4b:s4+s12], $0x40, s12, s12, $0xb8;
	[tilespmem:$0x15220] =	vst v63  }
0x21: {  	s19 =	simm.s32 $0xA0  }
0x22: {  	[tilespmem:s16], [sflag:$0x4] =	stream.indirect.gather [hbm4b:s4+s12], $0x40, s19, s12, $0xb8;
	[tilespmem:$0x15220] =	vst v63  }
0x23: {  	s29 =	simm.s32 $0xF0  }
0x24: {  	[tilespmem:s18], [sflag:$0x5] =	stream.indirect.gather [hbm4b:s4+s12], $0x40, s29, s12, $0xb8;
	[tilespmem:$0x15220] =	vst v63  }
0x25: {  	s30 =	simm.s32 $0x140;
	s17 =	sshrl.u32 s6, $0x3  }
0x26: {  	[tilespmem:s20], [sflag:$0x6] =	stream.indirect.gather [hbm4b:s4+s12], $0x40, s30, s12, $0xb8;
	[tilespmem:$0x15220] =	vst v63  }
0x27: {  	[spmem:s17], [sflag:s21] =	dma.local [hbm:s7], $0x1400  }
0x28: {  	_ =	swait.ge [sflag:s11], $0x1400  }
0x29: {  	[sflag:s11] =	ssyncset.done $0x0  }
0x2a: {  	[sflag:s11] =	ssyncadd.s32 $0xFFFFEC00  }
0x2b: {  	_ =	swait.ge [sflag:s22], $0x50  }
0x2c: {  	s19 =	simm.s32 $0x7C;
	[sflag:s22] =	ssyncset.done $0x0  }
.LBB2_4:
0x2d: {  	p0 =	sne.s32 s19, $0x1;
	s19 =	sadd.s32 $0xFFFFFFFF, s19;
	[sflag:s22] =	ssyncadd.s32 $0xFFFFFFB0  }
.Ltmp1:
0x2e: {  	(pc) =	sbr.rel @p0 .LBB2_4-.Ltmp1, $3  }
0x2f: {  	_ =	sdelay $0x1  }
0x30: {  	_ =	swait.ge [sflag:s22], $0x50  }
0x31: {  	[sflag:s22] =	ssyncset.done $0x0  }
0x32: {  	[sflag:s22] =	ssyncadd.s32 $0xFFFFFFB0  }
0x33: {  	[bflag:$0x0] =	sbarrier.arrive $0xFFFF  }
0x34: {  	_ =	swait.ge [sflag:s23], $0x1400  }
0x35: {  	[sflag:s23] =	ssyncset.done $0x0  }
0x36: {  	s19 =	simm.s32 $0x2710;
	[sflag:s23] =	ssyncadd.s32 $0xFFFFEC00  }
0x37: {  	[spmem:s2] =	stream.indirect.scatter.add.f32 [tilespmem:s13], [sflag:$0x7], $0x40, s19, s12, $0xb8;
	[tilespmem:$0x15220] =	vst v63  }
0x38: {  	_ =	swait.ge [sflag:s11], $0x1400  }
0x39: {  	[sflag:s11] =	ssyncset.done $0x0  }
0x3a: {  	s30 =	simm.s32 $0x190;
	[sflag:s11] =	ssyncadd.s32 $0xFFFFEC00  }
0x3b: {  	[tilespmem:s13], [sflag:$0x2] =	stream.indirect.gather [hbm4b:s4+s12], $0x40, s30, s12, $0xb8;
	[tilespmem:$0x15220] =	vst v63  }
0x3c: {  	_ =	swait.ge [sflag:s24], $0x1400  }
0x3d: {  	[sflag:s24] =	ssyncset.done $0x0  }
0x3e: {  	s30 =	simm.s32 $0x2760;
	[sflag:s24] =	ssyncadd.s32 $0xFFFFEC00  }
0x3f: {  	[spmem:s2] =	stream.indirect.scatter.add.f32 [tilespmem:s14], [sflag:$0x7], $0x40, s30, s12, $0xb8;
	[tilespmem:$0x15220] =	vst v63  }
0x40: {  	_ =	swait.ge [sflag:s11], $0x1400  }
0x41: {  	[sflag:s11] =	ssyncset.done $0x0  }
0x42: {  	s30 =	simm.s32 $0x1E0;
	[sflag:s11] =	ssyncadd.s32 $0xFFFFEC00  }
0x43: {  	[tilespmem:s14], [sflag:$0x3] =	stream.indirect.gather [hbm4b:s4+s12], $0x40, s30, s12, $0xb8;
	[tilespmem:$0x15220] =	vst v63  }
0x44: {  	_ =	swait.ge [sflag:s25], $0x1400  }
0x45: {  	[sflag:s25] =	ssyncset.done $0x0  }
0x46: {  	s30 =	simm.s32 $0x27B0;
	[sflag:s25] =	ssyncadd.s32 $0xFFFFEC00  }
0x47: {  	[spmem:s2] =	stream.indirect.scatter.add.f32 [tilespmem:s16], [sflag:$0x7], $0x40, s30, s12, $0xb8;
	[tilespmem:$0x15220] =	vst v63  }
0x48: {  	_ =	swait.ge [sflag:s11], $0x1400  }
0x49: {  	[sflag:s11] =	ssyncset.done $0x0  }
0x4a: {  	s30 =	simm.s32 $0x230;
	[sflag:s11] =	ssyncadd.s32 $0xFFFFEC00  }
0x4b: {  	[tilespmem:s16], [sflag:$0x4] =	stream.indirect.gather [hbm4b:s4+s12], $0x40, s30, s12, $0xb8;
	[tilespmem:$0x15220] =	vst v63  }
0x4c: {  	_ =	swait.ge [sflag:s26], $0x1400  }
0x4d: {  	[sflag:s26] =	ssyncset.done $0x0  }
0x4e: {  	s30 =	simm.s32 $0x2800;
	[sflag:s26] =	ssyncadd.s32 $0xFFFFEC00  }
0x4f: {  	[spmem:s2] =	stream.indirect.scatter.add.f32 [tilespmem:s18], [sflag:$0x7], $0x40, s30, s12, $0xb8;
	[tilespmem:$0x15220] =	vst v63  }
0x50: {  	_ =	swait.ge [sflag:s11], $0x1400  }
0x51: {  	[sflag:s11] =	ssyncset.done $0x0  }
0x52: {  	s30 =	simm.s32 $0x280;
	[sflag:s11] =	ssyncadd.s32 $0xFFFFEC00  }
0x53: {  	[tilespmem:s18], [sflag:$0x5] =	stream.indirect.gather [hbm4b:s4+s12], $0x40, s30, s12, $0xb8;
	[tilespmem:$0x15220] =	vst v63  }
0x54: {  	_ =	swait.ge [sflag:s28], $0x1400  }
0x55: {  	[sflag:s28] =	ssyncset.done $0x0  }
0x56: {  	s30 =	simm.s32 $0x2850;
	[sflag:s28] =	ssyncadd.s32 $0xFFFFEC00  }
0x57: {  	[spmem:s2] =	stream.indirect.scatter.add.f32 [tilespmem:s20], [sflag:$0x7], $0x40, s30, s12, $0xb8;
	[tilespmem:$0x15220] =	vst v63  }
0x58: {  	_ =	swait.ge [sflag:s11], $0x1400  }
0x59: {  	[sflag:s11] =	ssyncset.done $0x0  }
0x5a: {  	s29 =	simm.s32 $0x2D0;
	s19 =	simm.s32 $0x640;
	[sflag:s11] =	ssyncadd.s32 $0xFFFFEC00  }
.LBB2_6:
0x5b: {  	[tilespmem:s20], [sflag:$0x6] =	stream.indirect.gather [hbm4b:s4+s12], $0x40, s29, s12, $0xb8;
	[tilespmem:$0x15220] =	vst v63  }
0x5c: {  	s29 =	smov.u32 s19  }
0x5d: {  	p0 =	sne.s32 s19, $0x8FC0;
	s19 =	sadd.s32 $0x640, s19;
	_ =	swait.ge [sflag:s23], $0x1400  }
0x5e: {  	s29 =	sshra.s32 s29, $0x2;
	[sflag:s23] =	ssyncset.done $0x0  }
0x5f: {  	s30 =	sadd.s32 $0x2710, s29;
	[sflag:s23] =	ssyncadd.s32 $0xFFFFEC00  }
0x60: {  	[spmem:s2] =	stream.indirect.scatter.add.f32 [tilespmem:s13], [sflag:$0x7], $0x40, s30, s12, $0xb8;
	[tilespmem:$0x15220] =	vst v63  }
0x61: {  	_ =	swait.ge [sflag:s11], $0x1400  }
0x62: {  	[sflag:s11] =	ssyncset.done $0x0  }
0x63: {  	s30 =	sadd.s32 $0x190, s29;
	[sflag:s11] =	ssyncadd.s32 $0xFFFFEC00  }
0x64: {  	[tilespmem:s13], [sflag:$0x2] =	stream.indirect.gather [hbm4b:s4+s12], $0x40, s30, s12, $0xb8;
	[tilespmem:$0x15220] =	vst v63  }
0x65: {  	_ =	swait.ge [sflag:s24], $0x1400  }
0x66: {  	[sflag:s24] =	ssyncset.done $0x0  }
0x67: {  	s30 =	sadd.s32 $0x2760, s29;
	[sflag:s24] =	ssyncadd.s32 $0xFFFFEC00  }
0x68: {  	[spmem:s2] =	stream.indirect.scatter.add.f32 [tilespmem:s14], [sflag:$0x7], $0x40, s30, s12, $0xb8;
	[tilespmem:$0x15220] =	vst v63  }
0x69: {  	_ =	swait.ge [sflag:s11], $0x1400  }
0x6a: {  	[sflag:s11] =	ssyncset.done $0x0  }
0x6b: {  	s30 =	sadd.s32 $0x1E0, s29;
	[sflag:s11] =	ssyncadd.s32 $0xFFFFEC00  }
0x6c: {  	[tilespmem:s14], [sflag:$0x3] =	stream.indirect.gather [hbm4b:s4+s12], $0x40, s30, s12, $0xb8;
	[tilespmem:$0x15220] =	vst v63  }
0x6d: {  	_ =	swait.ge [sflag:s25], $0x1400  }
0x6e: {  	[sflag:s25] =	ssyncset.done $0x0  }
0x6f: {  	s30 =	sadd.s32 $0x27B0, s29;
	[sflag:s25] =	ssyncadd.s32 $0xFFFFEC00  }
0x70: {  	[spmem:s2] =	stream.indirect.scatter.add.f32 [tilespmem:s16], [sflag:$0x7], $0x40, s30, s12, $0xb8;
	[tilespmem:$0x15220] =	vst v63  }
0x71: {  	_ =	swait.ge [sflag:s11], $0x1400  }
0x72: {  	[sflag:s11] =	ssyncset.done $0x0  }
0x73: {  	s30 =	sadd.s32 $0x230, s29;
	[sflag:s11] =	ssyncadd.s32 $0xFFFFEC00  }
0x74: {  	[tilespmem:s16], [sflag:$0x4] =	stream.indirect.gather [hbm4b:s4+s12], $0x40, s30, s12, $0xb8;
	[tilespmem:$0x15220] =	vst v63  }
0x75: {  	_ =	swait.ge [sflag:s26], $0x1400  }
0x76: {  	[sflag:s26] =	ssyncset.done $0x0  }
0x77: {  	s30 =	sadd.s32 $0x2800, s29;
	[sflag:s26] =	ssyncadd.s32 $0xFFFFEC00  }
0x78: {  	[spmem:s2] =	stream.indirect.scatter.add.f32 [tilespmem:s18], [sflag:$0x7], $0x40, s30, s12, $0xb8;
	[tilespmem:$0x15220] =	vst v63  }
0x79: {  	_ =	swait.ge [sflag:s11], $0x1400  }
0x7a: {  	[sflag:s11] =	ssyncset.done $0x0  }
0x7b: {  	s30 =	sadd.s32 $0x280, s29;
	[sflag:s11] =	ssyncadd.s32 $0xFFFFEC00  }
0x7c: {  	[tilespmem:s18], [sflag:$0x5] =	stream.indirect.gather [hbm4b:s4+s12], $0x40, s30, s12, $0xb8;
	[tilespmem:$0x15220] =	vst v63  }
0x7d: {  	_ =	swait.ge [sflag:s28], $0x1400  }
0x7e: {  	[sflag:s28] =	ssyncset.done $0x0  }
.Ltmp2:
0x7f: {  	s30 =	sadd.s32 $0x2850, s29;
	[sflag:s28] =	ssyncadd.s32 $0xFFFFEC00;
	(pc) =	sbr.rel @p0 .LBB2_6-.Ltmp2, $4  }
0x80: {  	[spmem:s2] =	stream.indirect.scatter.add.f32 [tilespmem:s20], [sflag:$0x7], $0x40, s30, s12, $0xb8;
	[tilespmem:$0x15220] =	vst v63  }
0x81: {  	_ =	swait.ge [sflag:s11], $0x1400  }
0x82: {  	[sflag:s11] =	ssyncset.done $0x0  }
0x83: {  	s29 =	sadd.s32 $0x2D0, s29;
	[sflag:s11] =	ssyncadd.s32 $0xFFFFEC00  }
0x84: {  	[tilespmem:s20], [sflag:$0x6] =	stream.indirect.gather [hbm4b:s4+s12], $0x40, s29, s12, $0xb8;
	[tilespmem:$0x15220] =	vst v63  }
0x85: {  	_ =	swait.ge [sflag:s23], $0x1400  }
0x86: {  	[sflag:s23] =	ssyncset.done $0x0  }
0x87: {  	s19 =	simm.s32 $0x4C90;
	[sflag:s23] =	ssyncadd.s32 $0xFFFFEC00  }
0x88: {  	[spmem:s2] =	stream.indirect.scatter.add.f32 [tilespmem:s13], [sflag:$0x7], $0x40, s19, s12, $0xb8;
	[tilespmem:$0x15220] =	vst v63  }
0x89: {  	_ =	swait.ge [sflag:s11], $0x1400  }
0x8a: {  	[sflag:s11] =	ssyncset.done $0x0  }
0x8b: {  	[sflag:s11] =	ssyncadd.s32 $0xFFFFEC00  }
0x8c: {  	_ =	swait.ge [sflag:s24], $0x1400  }
0x8d: {  	[sflag:s24] =	ssyncset.done $0x0  }
0x8e: {  	s30 =	simm.s32 $0x4CE0;
	[sflag:s24] =	ssyncadd.s32 $0xFFFFEC00  }
0x8f: {  	[spmem:s2] =	stream.indirect.scatter.add.f32 [tilespmem:s14], [sflag:$0x7], $0x40, s30, s12, $0xb8;
	[tilespmem:$0x15220] =	vst v63  }
0x90: {  	_ =	swait.ge [sflag:s11], $0x1400  }
0x91: {  	[sflag:s11] =	ssyncset.done $0x0  }
0x92: {  	[sflag:s11] =	ssyncadd.s32 $0xFFFFEC00  }
0x93: {  	_ =	swait.ge [sflag:s25], $0x1400  }
0x94: {  	[sflag:s25] =	ssyncset.done $0x0  }
0x95: {  	[sflag:s25] =	ssyncadd.s32 $0xFFFFEC00  }
0x96: {  	[spmem:s2] =	stream.indirect.scatter.add.f32 [tilespmem:s16], [sflag:$0x7], $0x40, s31, s12, $0xb8;
	[tilespmem:$0x15220] =	vst v63  }
0x97: {  	_ =	swait.ge [sflag:s11], $0x1400  }
0x98: {  	[sflag:s11] =	ssyncset.done $0x0  }
0x99: {  	[sflag:s11] =	ssyncadd.s32 $0xFFFFEC00  }
0x9a: {  	_ =	swait.ge [sflag:s26], $0x1400  }
0x9b: {  	[sflag:s26] =	ssyncset.done $0x0  }
0x9c: {  	[sflag:s26] =	ssyncadd.s32 $0xFFFFEC00  }
0x9d: {  	[spmem:s2] =	stream.indirect.scatter.add.f32 [tilespmem:s18], [sflag:$0x7], $0x40, s1, s12, $0xb8;
	[tilespmem:$0x15220] =	vst v63  }
0x9e: {  	_ =	swait.ge [sflag:s11], $0x1400  }
0x9f: {  	[sflag:s11] =	ssyncset.done $0x0  }
0xa0: {  	[sflag:s11] =	ssyncadd.s32 $0xFFFFEC00  }
0xa1: {  	_ =	swait.ge [sflag:s28], $0x1400  }
0xa2: {  	[sflag:s28] =	ssyncset.done $0x0  }
0xa3: {  	[sflag:s28] =	ssyncadd.s32 $0xFFFFEC00  }
0xa4: {  	[spmem:s2] =	stream.indirect.scatter.add.f32 [tilespmem:s20], [sflag:$0x7], $0x40, s0, s12, $0xb8;
	[tilespmem:$0x15220] =	vst v63  }
0xa5: {  	_ =	swait.ge [sflag:s11], $0x1400  }
0xa6: {  	s15 =	sadd.s32 $0x1, s15;
	[sflag:s11] =	ssyncset.done $0x0  }
0xa7: {  	p0 =	sne.s32 s15, s9;
	[sflag:s11] =	ssyncadd.s32 $0xFFFFEC00  }
.Ltmp3:
0xa8: {  	[bflag:$0x0] =	sbarrier.arrive $0xFFFF;
	(pc) =	sbr.rel @p0 .LBB2_1-.Ltmp3, $4  }
0xa9: {  	[hbm:s8], [sflag:s21] =	dma.local [spmem:s17], $0x1400  }
0xaa: {  	_ =	swait.ge [sflag:s11], $0x1400  }
0xab: {  	[sflag:s11] =	ssyncset.done $0x0  }
0xac: {  	[sflag:s11] =	ssyncadd.s32 $0xFFFFEC00  }
0xad: {  	_ =	sfence.sel $0x180000  }
0xae: {  	[bflag:$0x0] =	sbarrier.arrive $0xFFFF  }
0xaf: {  	_ =	strace $0x9000004A  }
0xb0: {  	s0 =	stileid.u32;
	[bflag:$0x2] =	sbarrier.arrive $0xFFFF  }
0xb1: {  	p0 =	sne.s32 s0, $0x0;
	s0 =	rddreg [dreg:$0x2]  }
0xb2: {  	s0 =	sadd.s32 @!p0 $0x100000, s0  }
0xb3: {  	[sflag:s0] =	ssyncadd.tile.s32 @!p0 $0x1;
	_ =	shalt  }
.Lfunc_end2:
_tile_overlayer_lowered:
.L_overlay_start_2:
0xb4: {  	(tag) =	ssettag $0x2  }
0xb5: {  	s0 =	rddreg [dreg:$0x0];
	s2 =	stileid.u32  }
0xb6: {  	s1 =	rddreg [dreg:$0x1];
	p0 =	sne.s32 s2, $0x0  }
0xb7: {  	s3 =	rddreg [dreg:$0x2];
	[bflag:$0x3] =	sbarrier.arrive $0xFFFF;
	s2 =	simm.s32 @!p0 $0x1C07  }
0xb8: {  	[timem:s3], [sflag:s2] =	dma.local @!p0 [hbm:s0], s1  }
0xb9: {  	s0 =	simm.s32 @!p0 $0x7  }
0xba: {  	_ =	swait.ge @!p0 [sflag:s0], s1  }
0xbb: {  	s1 =	ssub.s32 @!p0 $0x0, s1;
	[sflag:s0] =	ssyncset.done @!p0 $0x0  }
0xbc: {  	[sflag:s0] =	ssyncadd.s32 @!p0 s1  }
0xbd: {  	[bflag:$0x3] =	sbarrier.arrive $0xFFFF  }
0xbe: {  	_ =	shalt  }

// kernel: kernel.15.cloned.1.call-start
scs
__scs_entry_jumppad:
0x0: {  	(pc) =	sbr.rel $0x88, $3  }
0x1: {  	(tag) =	ssettag $0x0;
	lr =	simm.s32 $0x1  }
0x2: {  	[smem:$0x3F94] =	sst lr;
	_ =	strace $0xD0000000  }
0x3: {  	_ = 	snop  }
0x4: {  	_ = 	snop  }
0x5: {  	_ = 	snop  }
0x6: {  	_ = 	snop  }
0x7: {  	_ = 	snop  }
__scs_overlays_trampoline_lowered:
0x8: {  	[smem:$0x3FA3] =	sst s0  }
0x9: {  	[smem:$0x3FA4] =	sst s1  }
0xa: {  	[smem:$0x3FA5] =	sst s2  }
0xb: {  	[smem:$0x3FA6] =	sst s3  }
0xc: {  	[smem:$0x3FA7] =	sst s4  }
0xd: {  	[smem:$0x3FA8] =	sst s5  }
0xe: {  	[smem:$0x3FA9] =	sst s6  }
0xf: {  	[smem:$0x3FAA] =	sst s7  }
0x10: {  	[smem:$0x3FAB] =	sst s8  }
0x11: {  	[smem:$0x3FAC] =	sst s9;
	s0 =	simm.s32 @!p0 $0x0  }
0x12: {  	s1 =	sld [smem:$0x3F92];
	s0 =	simm.s32 @p0 $0x1  }
0x13: {  	[smem:$0x3FAD] =	sst s0;
	s0 =	simm.s32 @!p1 $0x0  }
0x14: {  	s2 =	sld [smem:$0x3F91];
	s0 =	simm.s32 @p1 $0x1  }
0x15: {  	[smem:$0x3FAE] =	sst s0;
	s0 =	simm.s32 @!p2 $0x0  }
0x16: {  	s3 =	sld [smem:$0x3FDB];
	s0 =	simm.s32 @p2 $0x1  }
0x17: {  	s4 =	simm.s32 $0x1BF5;
	[smem:$0x3FB0] =	sst s0  }
0x18: {  	s0 =	sld [smem:$0x3F93];
	_ =	swait.ge [sflag:s4], $0x0  }
0x19: {  	s7 =	sld [smem:$0x3F94]  }
0x1a: {  	s8 =	sadd.s32 $0xFFFFE003, lr  }
0x1b: {  	s9 =	sadd.s32 $0xFFFFFEF7, lr;
	s5 =	simm.s32 $0xFFFFFFFF;
	p2 =	slt.u32 s8, $0xFFFFF086  }
0x1c: {  	p1 =	slt.u32 s9, $0xF7A;
	s5 =	simm.s32 @!p2 $0x0  }
0x1d: {  	s5 =	simm.s32 @p1 $0x1;
	p0 =	seq.s32 s7, s2  }
0x1e: {  	s7 =	smul.u32 @!p0 $0xF7A, s2;
	p2 =	seq.s32 @!p0 s5, $0x0  }
0x1f: {  	s9 =	smul.u32 $0xF7A, s1;
	s8 =	simm.s32 @!p0 $0x1BF5;
	p2 =	por !p2, p0  }
0x20: {  	[sflag:s8] =	ssyncset.s32 @!p0 $0xFFFFF086;
	s6 =	sadd.s32 @!p0 s3, s7;
	s7 =	simm.s32 @!p0 $0x108  }
0x21: {  	s3 =	sadd.s32 s3, s9;
	s6 =	sadd.s32 @!p0 $0x88, s6;
	s7 =	simm.s32 @p2 $0x1082  }
0x22: {  	[simem:s7], [sflag:s8] =	dma.local @!p0 [hbm:s6], $0xF7A  }
0x23: {  	s9 =	sor.u32 $0xD0000000, s2;
	s6 =	simm.s32 $0x108;
	_ =	swait.ge @!p0 [sflag:s8], $0x0  }
0x24: {  	s3 =	sadd.s32 $0x88, s3;
	s6 =	simm.s32 @!p1 $0x1082;
	[sflag:s4] =	ssyncset.s32 $0xFFFFF086  }
0x25: {  	[simem:s6], [sflag:s4] =	dma.local [hbm:s3], $0xF7A  }
0x26: {  	[smem:$0x3F94] =	sst s1;
	(tag) =	ssettag s2;
	_ =	strace s9  }
0x27: {  	s1 =	sld [smem:$0x3FA4]  }
0x28: {  	s2 =	sld [smem:$0x3FA5]  }
0x29: {  	s4 =	sld [smem:$0x3FA7]  }
0x2a: {  	p0 =	seq.s32 s5, $0x0;
	s5 =	sld [smem:$0x3FA8]  }
0x2b: {  	s6 =	sld [smem:$0x3FA9]  }
0x2c: {  	s7 =	sld [smem:$0x3FAA]  }
0x2d: {  	s3 =	simm.s32 $0x108;
	s8 =	sld [smem:$0x3FAB]  }
0x2e: {  	s3 =	simm.s32 @!p0 $0x1082;
	s9 =	sld [smem:$0x3FAC]  }
0x2f: {  	lr =	sadd.s32 s0, s3;
	s0 =	sld [smem:$0x3FA3]  }
0x30: {  	s3 =	sld [smem:$0x3FA6]  }
0x31: {  	[smem:$0x3FAF] =	sst s10  }
0x32: {  	s10 =	sld [smem:$0x3FAD];
	_ =	sdelay $0x3  }
0x33: {  	p0 =	seq.s32 s10, $0x1;
	s10 =	sld [smem:$0x3FAF];
	_ =	sdelay $0x3  }
0x34: {  	[smem:$0x3FAF] =	sst s10  }
0x35: {  	s10 =	sld [smem:$0x3FAE];
	_ =	sdelay $0x3  }
0x36: {  	p1 =	seq.s32 s10, $0x1;
	s10 =	sld [smem:$0x3FAF];
	_ =	sdelay $0x3  }
0x37: {  	[smem:$0x3FAF] =	sst s10  }
0x38: {  	s10 =	sld [smem:$0x3FB0]  }
0x39: {  	_ = 	snop;
	(pc) =	sbr.ind lr, $3  }
0x3a: {  	_ = 	snop  }
0x3b: {  	_ = 	snop  }
0x3c: {  	p2 =	seq.s32 s10, $0x1;
	s10 =	sld [smem:$0x3FAF]  }
0x3d: {  	_ =	shalt  }
0x3e: {  	_ =	shalt  }
0x3f: {  	_ =	shalt  }
0x40: {  	_ =	shalt  }
0x41: {  	_ =	shalt  }
0x42: {  	_ =	shalt  }
0x43: {  	_ =	shalt  }
0x44: {  	_ =	shalt  }
0x45: {  	_ =	shalt  }
0x46: {  	_ =	shalt  }
0x47: {  	_ =	shalt  }
0x48: {  	_ =	shalt  }
0x49: {  	_ =	shalt  }
0x4a: {  	_ =	shalt  }
0x4b: {  	_ =	shalt  }
0x4c: {  	_ =	shalt  }
0x4d: {  	_ =	shalt  }
0x4e: {  	_ =	shalt  }
0x4f: {  	_ =	shalt  }
0x50: {  	_ =	shalt  }
0x51: {  	_ =	shalt  }
0x52: {  	_ =	shalt  }
0x53: {  	_ =	shalt  }
0x54: {  	_ =	shalt  }
0x55: {  	_ =	shalt  }
0x56: {  	_ =	shalt  }
0x57: {  	_ =	shalt  }
0x58: {  	_ =	shalt  }
0x59: {  	_ =	shalt  }
0x5a: {  	_ =	shalt  }
0x5b: {  	_ =	shalt  }
0x5c: {  	_ =	shalt  }
0x5d: {  	_ =	shalt  }
0x5e: {  	_ =	shalt  }
0x5f: {  	_ =	shalt  }
0x60: {  	_ =	shalt  }
0x61: {  	_ =	shalt  }
0x62: {  	_ =	shalt  }
0x63: {  	_ =	shalt  }
0x64: {  	_ =	shalt  }
0x65: {  	_ =	shalt  }
0x66: {  	_ =	shalt  }
0x67: {  	_ =	shalt  }
0x68: {  	_ =	shalt  }
0x69: {  	_ =	shalt  }
0x6a: {  	_ =	shalt  }
0x6b: {  	_ =	shalt  }
0x6c: {  	_ =	shalt  }
0x6d: {  	_ =	shalt  }
0x6e: {  	_ =	shalt  }
0x6f: {  	_ =	shalt  }
0x70: {  	_ =	shalt  }
0x71: {  	_ =	shalt  }
0x72: {  	_ =	shalt  }
0x73: {  	_ =	shalt  }
0x74: {  	_ =	shalt  }
0x75: {  	_ =	shalt  }
0x76: {  	_ =	shalt  }
0x77: {  	_ =	shalt  }
0x78: {  	_ =	shalt  }
0x79: {  	_ =	shalt  }
0x7a: {  	_ =	shalt  }
0x7b: {  	_ =	shalt  }
0x7c: {  	_ =	shalt  }
0x7d: {  	_ =	shalt  }
0x7e: {  	_ =	shalt  }
0x7f: {  	_ =	shalt  }
0x80: {  	_ =	shalt  }
0x81: {  	_ =	shalt  }
0x82: {  	_ =	shalt  }
0x83: {  	_ =	shalt  }
0x84: {  	_ =	shalt  }
0x85: {  	_ =	shalt  }
0x86: {  	_ =	shalt  }
0x87: {  	_ =	shalt  }
.Lfunc_end0:
.L_simem_size_0:
called_computation.2_lowered:
.L_overlay_start_0:
0x88: {  	s2 =	sld [smem:$0x3FD9]  }
0x89: {  	s3 =	sld [smem:$0x3FFE];
	_ =	sdelay $0x1  }
0x8a: {  	s1 =	srdreg.scid  }
0x8b: {  	s0 =	sand.u32 $0x1, s1  }
0x8c: {  	s16 =	sshll.u32 s0, $0xA;
	s2 =	sadd.s32 s3, s2  }
0x8d: {  	s2 =	sadd.s32 s2, s16  }
0x8e: {  	[smem:$0x3FBB] =	sst s2  }
0x8f: {  	_ = 	snop  }
0x90: {  	(tm) =	ssettm $0x1  }
0x91: {  	s17 =	sld [smem:$0x3FFB];
	_ =	sdelay $0x3  }
0x92: {  	_ =	strace s17  }
0x93: {  	s2 =	sld [smem:$0x3FFC];
	_ =	sdelay $0x3  }
0x94: {  	_ =	strace s2  }
0x95: {  	s2 =	sld [smem:$0x3FFD];
	_ =	sdelay $0x3  }
0x96: {  	_ =	strace s2  }
0x97: {  	_ =	strace $0x8FFFFFFF  }
0x98: {  	s18 =	sld [smem:$0x3FDB];
	_ =	sdelay $0x1  }
0x99: {  	s19 =	simm.s32 $_scs_section_size  }
0x9a: {  	s4 =	simm.s32 $_size__tile_overlayer_lowered;
	s5 =	simm.s32 $_tile_overlayer_lowered  }
0x9b: {  	s22 =	simm.s32 $0x1BFF;
	s21 =	sshll.u32 s5, $0x1;
	s2 =	sadd.s32 s19, s18  }
0x9c: {  	s6 =	simm.s32 $0x0;
	s20 =	sshll.u32 s4, $0x1;
	s4 =	sadd.s32 s21, s2  }
0x9d: {  	[timem:s6], [sflag:s22] =	dma.local [hbm:s4], s20  }
0x9e: {  	_ =	swait.ge [sflag:s22], s20  }
0x9f: {  	s3 =	ssub.s32 $0x0, s20;
	[sflag:s22] =	ssyncset.done $0x0  }
0xa0: {  	[sflag:s22] =	ssyncadd.s32 s3;
	_ =	sdelay $0x1  }
0xa1: {  	s23 =	simm.s32 $0x1B8B  }
0xa2: {  	_ =	swait.ge [sflag:s23], $0x1  }
0xa3: {  	[sflag:s23] =	ssyncset.done $0x0  }
0xa4: {  	s25 =	simm.s32 $0x1B8E;
	s24 =	sld [smem:$0x3FFE];
	[sflag:s23] =	ssyncadd.s32 $0xFFFFFFFF  }
0xa5: {  	s26 =	simm.s32 $execute0_lowered;
	[smem:$0x3FD2] =	sst s25  }
0xa6: {  	s4 =	sshll.u32 s26, $0x1;
	_ =	strace $0x8000004C;
	[dreg:$0x1] =	wrdreg $0xFFFFFFFF  }
0xa7: {  	s28 =	simm.s32 $_size_execute0_lowered;
	s2 =	sadd.s32 s2, s4;
	[dreg:$0x0] =	wrdreg $0x0  }
0xa8: {  	s4 =	sshll.u32 s28, $0x1;
	[dreg:$0x2] =	wrdreg s2  }
0xa9: {  	[dreg:$0x3] =	wrdreg s4  }
0xaa: {  	[dreg:$0x4] =	wrdreg $0xC0  }
0xab: {  	_ =	task [dreg:s6], $0x5FFFF  }
0xac: {  	[dreg:$0x1] =	wrdreg $0xFFFFFFFF  }
0xad: {  	[dreg:$0x0] =	wrdreg $0x60  }
0xae: {  	[dreg:$0x2] =	wrdreg s24  }
0xaf: {  	[dreg:$0x3] =	wrdreg $0xB2200  }
0xb0: {  	[dreg:$0x4] =	wrdreg $0x9  }
0xb1: {  	_ =	task.clear_ibuf [dreg:s6], $0x5FFFF;
	_ =	strace $0x9000004C  }
0xb2: {  	s29 =	simm.s32 $0x9;
	_ =	strace $0x8000004E  }
0xb3: {  	_ =	swait.ge [sflag:s29], $0x1  }
0xb4: {  	[sflag:s29] =	ssyncadd.s32 $0xFFFFFFFF  }
0xb5: {  	_ =	strace $0x9000004E  }
0xb6: {  	_ =	sfence  }
0xb7: {  	s30 =	sld [smem:$0x0];
	_ =	sdelay $0x2  }
0xb8: {  	s31 =	sshll.u32 s1, $0xD;
	s1 =	sshrl.u32 s1, $0x2  }
0xb9: {  	s3 =	sand.u32 $0x4000, s31;
	s1 =	sadd.s32 s1, s30  }
0xba: {  	s0 =	sor.u32 s3, s0;
	s1 =	sshll.u32 s1, $0x11  }
0xbb: {  	s0 =	sor.u32 s1, s0  }
0xbc: {  	s0 =	sadd.s32 $0x8F2B, s0  }
0xbd: {  	[sflag:s0] =	ssyncadd.remote.s32 $0x1  }
0xbe: {  	_ =	sfence.sel $0xFFFF  }
0xbf: {  	[dreg:$0x0] =	wrdreg $0xFFFFFFFF;
	(pc) =	sbr.abs _section_cstart, $3  }
0xc0: {  	[dreg:$0x1] =	wrdreg $0xFFFFFFFF  }
0xc1: {  	_ =	task.clear_ibuf [dreg:s6], $0x2FFFF;
	_ =	strace $0x9FFFFFFF  }
0xc2: {  	(tm) =	ssettm $0x7FFFFFFF  }
0xc3: {  	_ =	shalt  }
tec
execute0_lowered:
.L_overlay_start_1:
0x0: {  	(tag) =	ssettag $0x1  }
0x1: {  	s0 =	srdreg.scid;
	s5 =	rddreg [dreg:$0x0]  }
0x2: {  	s15 =	stileid.u32;
	s2 =	rddreg [dreg:$0x1];
	s3 =	simm.s32 $0x0  }
0x3: {  	s11 =	simm.s32 $0x7;
	s12 =	simm.s32 $0x50;
	s13 =	simm.s32 $0x4E20  }
0x4: {  	s14 =	simm.s32 $0x6220;
	s16 =	simm.s32 $0x7620;
	s18 =	simm.s32 $0x8A20  }
0x5: {  	s20 =	simm.s32 $0x9E20;
	s22 =	simm.s32 $0x1;
	s28 =	simm.s32 $0x6  }
0x6: {  	s31 =	simm.s32 $0x4D30;
	s0 =	sand.u32 $0x1, s0;
	s7 =	smul.u32 $0x2710, s15  }
0x7: {  	[smem:$0x7FF] =	sst s3;
	s8 =	smul.u32 $0xA000, s15;
	s4 =	sadd.s32 $0x16A00, s5  }
0x8: {  	s30 =	sshll.u32 s15, $0x6;
	s1 =	sshll.u32 s0, $0x4;
	s6 =	smul.u32 $0x27100, s0  }
0x9: {  	_ =	strace $0x8000004D;
	s9 =	smul.u32 $0xA0000, s0;
	s0 =	ssub.s32 $0x2, s0  }
0xa: {  	s21 =	sor.u32 $0x1C07, s30;
	s1 =	sor.u32 s15, s1;
	s25 =	sshrl.u32 s0, $0x1  }
0xb: {  	s29 =	sshrl.u32 s8, $0x3;
	s15 =	simm.s32 $0x0;
	s1 =	smul.u32 $0x2710, s1  }
0xc: {  	s6 =	sadd.s32 s7, s6;
	s23 =	sadd.s32 s8, s9;
	s0 =	ssub.s32 s0, s25  }
0xd: {  	s7 =	sadd.s32 s4, s29;
	s25 =	simm.s32 $0x4;
	s6 =	sshrl.u32 s6, $0x3  }
0xe: {  	s24 =	sshrl.u32 s23, $0x3;
	s9 =	smax.u32 s0, $0x1;
	s23 =	simm.s32 $0x2  }
0xf: {  	s0 =	simm.s32 $0x4DD0;
	s1 =	sshrl.u32 s1, $0x3;
	s10 =	sadd.s32 s6, s5  }
0x10: {  	s26 =	sadd.s32 s24, s5;
	s6 =	sadd.s32 s8, s2;
	s24 =	simm.s32 $0x3  }
0x11: {  	s1 =	sadd.s32 s1, s5;
	s8 =	sadd.s32 $0x2AA00, s26;
	s10 =	sadd.s32 $0x2E00, s10  }
0x12: {  	s26 =	simm.s32 $0x5;
	s5 =	sadd.s32 $0xCC00, s1;
	s1 =	simm.s32 $0x4D80  }
.LBB2_1:
0x13: {  	[tilespmem:s3], [sflag:$0x7] =	stream.linear.gather [hbm4b:s5+s3], $0x2710, $0x38;
	[tilespmem:$0x15220] =	vst v63  }
0x14: {  	_ =	swait.ge [sflag:s11], $0x2710  }
0x15: {  	s17 =	simm.s32 $0x2710;
	s19 =	simm.s32 $0xA;
	[sflag:s11] =	ssyncset.done $0x0  }
0x16: {  	s30 =	sadd.s32 $0x0, s10;
	s29 =	simm.s32 $0x2760;
	[sflag:s11] =	ssyncadd.s32 $0xFFFFD8F0  }
.LBB2_2:
0x17: {  	[tilespmem:s17], [sflag:$0x1] =	stream.linear.gather [hbm4b:s30+s3], $0x50, $0x38;
	[tilespmem:$0x15220] =	vst v63  }
0x18: {  	s30 =	smov.u32 s19;
	s17 =	smov.u32 s29;
	p0 =	sne.s32 s19, $0x4D8  }
.Ltmp0:
0x19: {  	s19 =	sadd.s32 $0xA, s19;
	(pc) =	sbr.rel @p0 .LBB2_2-.Ltmp0, $2  }
0x1a: {  	_ =	sdelay $0x2  }
0x1b: {  	s29 =	sadd.s32 $0x50, s29;
	s30 =	sadd.s32 s30, s10  }
0x1c: {  	[tilespmem:s17], [sflag:$0x1] =	stream.linear.gather [hbm4b:s30+s3], $0x50, $0x38;
	[tilespmem:$0x15220] =	vst v63  }
0x1d: {  	_ = 	snop  }
0x1e: {  	[tilespmem:s13], [sflag:$0x2] =	stream.indirect.gather [hbm4b:s4+s12], $0x40, s3, s12, $0xb8;
	[tilespmem:$0x15220] =	vst v63  }
0x1f: {  	_ = 	snop  }
0x20: {  	[tilespmem:s14], [sflag:$0x3] =	stream.indirect.gather [hbm4b:s4+s12], $0x40, s12, s12, $0xb8;
	[tilespmem:$0x15220] =	vst v63  }
0x21: {  	s19 =	simm.s32 $0xA0  }
0x22: {  	[tilespmem:s16], [sflag:$0x4] =	stream.indirect.gather [hbm4b:s4+s12], $0x40, s19, s12, $0xb8;
	[tilespmem:$0x15220] =	vst v63  }
0x23: {  	s29 =	simm.s32 $0xF0  }
0x24: {  	[tilespmem:s18], [sflag:$0x5] =	stream.indirect.gather [hbm4b:s4+s12], $0x40, s29, s12, $0xb8;
	[tilespmem:$0x15220] =	vst v63  }
0x25: {  	s30 =	simm.s32 $0x140;
	s17 =	sshrl.u32 s6, $0x3  }
0x26: {  	[tilespmem:s20], [sflag:$0x6] =	stream.indirect.gather [hbm4b:s4+s12], $0x40, s30, s12, $0xb8;
	[tilespmem:$0x15220] =	vst v63  }
0x27: {  	[spmem:s17], [sflag:s21] =	dma.local [hbm:s7], $0x1400  }
0x28: {  	_ =	swait.ge [sflag:s11], $0x1400  }
0x29: {  	[sflag:s11] =	ssyncset.done $0x0  }
0x2a: {  	[sflag:s11] =	ssyncadd.s32 $0xFFFFEC00  }
0x2b: {  	_ =	swait.ge [sflag:s22], $0x50  }
0x2c: {  	s19 =	simm.s32 $0x7C;
	[sflag:s22] =	ssyncset.done $0x0  }
.LBB2_4:
0x2d: {  	p0 =	sne.s32 s19, $0x1;
	s19 =	sadd.s32 $0xFFFFFFFF, s19;
	[sflag:s22] =	ssyncadd.s32 $0xFFFFFFB0  }
.Ltmp1:
0x2e: {  	(pc) =	sbr.rel @p0 .LBB2_4-.Ltmp1, $3  }
0x2f: {  	_ =	sdelay $0x1  }
0x30: {  	_ =	swait.ge [sflag:s22], $0x50  }
0x31: {  	[sflag:s22] =	ssyncset.done $0x0  }
0x32: {  	[sflag:s22] =	ssyncadd.s32 $0xFFFFFFB0  }
0x33: {  	[bflag:$0x0] =	sbarrier.arrive $0xFFFF  }
0x34: {  	_ =	swait.ge [sflag:s23], $0x1400  }
0x35: {  	[sflag:s23] =	ssyncset.done $0x0  }
0x36: {  	s19 =	simm.s32 $0x2710;
	[sflag:s23] =	ssyncadd.s32 $0xFFFFEC00  }
0x37: {  	[spmem:s2] =	stream.indirect.scatter.add.f32 [tilespmem:s13], [sflag:$0x7], $0x40, s19, s12, $0xb8;
	[tilespmem:$0x15220] =	vst v63  }
0x38: {  	_ =	swait.ge [sflag:s11], $0x1400  }
0x39: {  	[sflag:s11] =	ssyncset.done $0x0  }
0x3a: {  	s30 =	simm.s32 $0x190;
	[sflag:s11] =	ssyncadd.s32 $0xFFFFEC00  }
0x3b: {  	[tilespmem:s13], [sflag:$0x2] =	stream.indirect.gather [hbm4b:s4+s12], $0x40, s30, s12, $0xb8;
	[tilespmem:$0x15220] =	vst v63  }
0x3c: {  	_ =	swait.ge [sflag:s24], $0x1400  }
0x3d: {  	[sflag:s24] =	ssyncset.done $0x0  }
0x3e: {  	s30 =	simm.s32 $0x2760;
	[sflag:s24] =	ssyncadd.s32 $0xFFFFEC00  }
0x3f: {  	[spmem:s2] =	stream.indirect.scatter.add.f32 [tilespmem:s14], [sflag:$0x7], $0x40, s30, s12, $0xb8;
	[tilespmem:$0x15220] =	vst v63  }
0x40: {  	_ =	swait.ge [sflag:s11], $0x1400  }
0x41: {  	[sflag:s11] =	ssyncset.done $0x0  }
0x42: {  	s30 =	simm.s32 $0x1E0;
	[sflag:s11] =	ssyncadd.s32 $0xFFFFEC00  }
0x43: {  	[tilespmem:s14], [sflag:$0x3] =	stream.indirect.gather [hbm4b:s4+s12], $0x40, s30, s12, $0xb8;
	[tilespmem:$0x15220] =	vst v63  }
0x44: {  	_ =	swait.ge [sflag:s25], $0x1400  }
0x45: {  	[sflag:s25] =	ssyncset.done $0x0  }
0x46: {  	s30 =	simm.s32 $0x27B0;
	[sflag:s25] =	ssyncadd.s32 $0xFFFFEC00  }
0x47: {  	[spmem:s2] =	stream.indirect.scatter.add.f32 [tilespmem:s16], [sflag:$0x7], $0x40, s30, s12, $0xb8;
	[tilespmem:$0x15220] =	vst v63  }
0x48: {  	_ =	swait.ge [sflag:s11], $0x1400  }
0x49: {  	[sflag:s11] =	ssyncset.done $0x0  }
0x4a: {  	s30 =	simm.s32 $0x230;
	[sflag:s11] =	ssyncadd.s32 $0xFFFFEC00  }
0x4b: {  	[tilespmem:s16], [sflag:$0x4] =	stream.indirect.gather [hbm4b:s4+s12], $0x40, s30, s12, $0xb8;
	[tilespmem:$0x15220] =	vst v63  }
0x4c: {  	_ =	swait.ge [sflag:s26], $0x1400  }
0x4d: {  	[sflag:s26] =	ssyncset.done $0x0  }
0x4e: {  	s30 =	simm.s32 $0x2800;
	[sflag:s26] =	ssyncadd.s32 $0xFFFFEC00  }
0x4f: {  	[spmem:s2] =	stream.indirect.scatter.add.f32 [tilespmem:s18], [sflag:$0x7], $0x40, s30, s12, $0xb8;
	[tilespmem:$0x15220] =	vst v63  }
0x50: {  	_ =	swait.ge [sflag:s11], $0x1400  }
0x51: {  	[sflag:s11] =	ssyncset.done $0x0  }
0x52: {  	s30 =	simm.s32 $0x280;
	[sflag:s11] =	ssyncadd.s32 $0xFFFFEC00  }
0x53: {  	[tilespmem:s18], [sflag:$0x5] =	stream.indirect.gather [hbm4b:s4+s12], $0x40, s30, s12, $0xb8;
	[tilespmem:$0x15220] =	vst v63  }
0x54: {  	_ =	swait.ge [sflag:s28], $0x1400  }
0x55: {  	[sflag:s28] =	ssyncset.done $0x0  }
0x56: {  	s30 =	simm.s32 $0x2850;
	[sflag:s28] =	ssyncadd.s32 $0xFFFFEC00  }
0x57: {  	[spmem:s2] =	stream.indirect.scatter.add.f32 [tilespmem:s20], [sflag:$0x7], $0x40, s30, s12, $0xb8;
	[tilespmem:$0x15220] =	vst v63  }
0x58: {  	_ =	swait.ge [sflag:s11], $0x1400  }
0x59: {  	[sflag:s11] =	ssyncset.done $0x0  }
0x5a: {  	s29 =	simm.s32 $0x2D0;
	s19 =	simm.s32 $0x640;
	[sflag:s11] =	ssyncadd.s32 $0xFFFFEC00  }
.LBB2_6:
0x5b: {  	[tilespmem:s20], [sflag:$0x6] =	stream.indirect.gather [hbm4b:s4+s12], $0x40, s29, s12, $0xb8;
	[tilespmem:$0x15220] =	vst v63  }
0x5c: {  	s29 =	smov.u32 s19  }
0x5d: {  	p0 =	sne.s32 s19, $0x8FC0;
	s19 =	sadd.s32 $0x640, s19;
	_ =	swait.ge [sflag:s23], $0x1400  }
0x5e: {  	s29 =	sshra.s32 s29, $0x2;
	[sflag:s23] =	ssyncset.done $0x0  }
0x5f: {  	s30 =	sadd.s32 $0x2710, s29;
	[sflag:s23] =	ssyncadd.s32 $0xFFFFEC00  }
0x60: {  	[spmem:s2] =	stream.indirect.scatter.add.f32 [tilespmem:s13], [sflag:$0x7], $0x40, s30, s12, $0xb8;
	[tilespmem:$0x15220] =	vst v63  }
0x61: {  	_ =	swait.ge [sflag:s11], $0x1400  }
0x62: {  	[sflag:s11] =	ssyncset.done $0x0  }
0x63: {  	s30 =	sadd.s32 $0x190, s29;
	[sflag:s11] =	ssyncadd.s32 $0xFFFFEC00  }
0x64: {  	[tilespmem:s13], [sflag:$0x2] =	stream.indirect.gather [hbm4b:s4+s12], $0x40, s30, s12, $0xb8;
	[tilespmem:$0x15220] =	vst v63  }
0x65: {  	_ =	swait.ge [sflag:s24], $0x1400  }
0x66: {  	[sflag:s24] =	ssyncset.done $0x0  }
0x67: {  	s30 =	sadd.s32 $0x2760, s29;
	[sflag:s24] =	ssyncadd.s32 $0xFFFFEC00  }
0x68: {  	[spmem:s2] =	stream.indirect.scatter.add.f32 [tilespmem:s14], [sflag:$0x7], $0x40, s30, s12, $0xb8;
	[tilespmem:$0x15220] =	vst v63  }
0x69: {  	_ =	swait.ge [sflag:s11], $0x1400  }
0x6a: {  	[sflag:s11] =	ssyncset.done $0x0  }
0x6b: {  	s30 =	sadd.s32 $0x1E0, s29;
	[sflag:s11] =	ssyncadd.s32 $0xFFFFEC00  }
0x6c: {  	[tilespmem:s14], [sflag:$0x3] =	stream.indirect.gather [hbm4b:s4+s12], $0x40, s30, s12, $0xb8;
	[tilespmem:$0x15220] =	vst v63  }
0x6d: {  	_ =	swait.ge [sflag:s25], $0x1400  }
0x6e: {  	[sflag:s25] =	ssyncset.done $0x0  }
0x6f: {  	s30 =	sadd.s32 $0x27B0, s29;
	[sflag:s25] =	ssyncadd.s32 $0xFFFFEC00  }
0x70: {  	[spmem:s2] =	stream.indirect.scatter.add.f32 [tilespmem:s16], [sflag:$0x7], $0x40, s30, s12, $0xb8;
	[tilespmem:$0x15220] =	vst v63  }
0x71: {  	_ =	swait.ge [sflag:s11], $0x1400  }
0x72: {  	[sflag:s11] =	ssyncset.done $0x0  }
0x73: {  	s30 =	sadd.s32 $0x230, s29;
	[sflag:s11] =	ssyncadd.s32 $0xFFFFEC00  }
0x74: {  	[tilespmem:s16], [sflag:$0x4] =	stream.indirect.gather [hbm4b:s4+s12], $0x40, s30, s12, $0xb8;
	[tilespmem:$0x15220] =	vst v63  }
0x75: {  	_ =	swait.ge [sflag:s26], $0x1400  }
0x76: {  	[sflag:s26] =	ssyncset.done $0x0  }
0x77: {  	s30 =	sadd.s32 $0x2800, s29;
	[sflag:s26] =	ssyncadd.s32 $0xFFFFEC00  }
0x78: {  	[spmem:s2] =	stream.indirect.scatter.add.f32 [tilespmem:s18], [sflag:$0x7], $0x40, s30, s12, $0xb8;
	[tilespmem:$0x15220] =	vst v63  }
0x79: {  	_ =	swait.ge [sflag:s11], $0x1400  }
0x7a: {  	[sflag:s11] =	ssyncset.done $0x0  }
0x7b: {  	s30 =	sadd.s32 $0x280, s29;
	[sflag:s11] =	ssyncadd.s32 $0xFFFFEC00  }
0x7c: {  	[tilespmem:s18], [sflag:$0x5] =	stream.indirect.gather [hbm4b:s4+s12], $0x40, s30, s12, $0xb8;
	[tilespmem:$0x15220] =	vst v63  }
0x7d: {  	_ =	swait.ge [sflag:s28], $0x1400  }
0x7e: {  	[sflag:s28] =	ssyncset.done $0x0  }
.Ltmp2:
0x7f: {  	s30 =	sadd.s32 $0x2850, s29;
	[sflag:s28] =	ssyncadd.s32 $0xFFFFEC00;
	(pc) =	sbr.rel @p0 .LBB2_6-.Ltmp2, $4  }
0x80: {  	[spmem:s2] =	stream.indirect.scatter.add.f32 [tilespmem:s20], [sflag:$0x7], $0x40, s30, s12, $0xb8;
	[tilespmem:$0x15220] =	vst v63  }
0x81: {  	_ =	swait.ge [sflag:s11], $0x1400  }
0x82: {  	[sflag:s11] =	ssyncset.done $0x0  }
0x83: {  	s29 =	sadd.s32 $0x2D0, s29;
	[sflag:s11] =	ssyncadd.s32 $0xFFFFEC00  }
0x84: {  	[tilespmem:s20], [sflag:$0x6] =	stream.indirect.gather [hbm4b:s4+s12], $0x40, s29, s12, $0xb8;
	[tilespmem:$0x15220] =	vst v63  }
0x85: {  	_ =	swait.ge [sflag:s23], $0x1400  }
0x86: {  	[sflag:s23] =	ssyncset.done $0x0  }
0x87: {  	s19 =	simm.s32 $0x4C90;
	[sflag:s23] =	ssyncadd.s32 $0xFFFFEC00  }
0x88: {  	[spmem:s2] =	stream.indirect.scatter.add.f32 [tilespmem:s13], [sflag:$0x7], $0x40, s19, s12, $0xb8;
	[tilespmem:$0x15220] =	vst v63  }
0x89: {  	_ =	swait.ge [sflag:s11], $0x1400  }
0x8a: {  	[sflag:s11] =	ssyncset.done $0x0  }
0x8b: {  	[sflag:s11] =	ssyncadd.s32 $0xFFFFEC00  }
0x8c: {  	_ =	swait.ge [sflag:s24], $0x1400  }
0x8d: {  	[sflag:s24] =	ssyncset.done $0x0  }
0x8e: {  	s30 =	simm.s32 $0x4CE0;
	[sflag:s24] =	ssyncadd.s32 $0xFFFFEC00  }
0x8f: {  	[spmem:s2] =	stream.indirect.scatter.add.f32 [tilespmem:s14], [sflag:$0x7], $0x40, s30, s12, $0xb8;
	[tilespmem:$0x15220] =	vst v63  }
0x90: {  	_ =	swait.ge [sflag:s11], $0x1400  }
0x91: {  	[sflag:s11] =	ssyncset.done $0x0  }
0x92: {  	[sflag:s11] =	ssyncadd.s32 $0xFFFFEC00  }
0x93: {  	_ =	swait.ge [sflag:s25], $0x1400  }
0x94: {  	[sflag:s25] =	ssyncset.done $0x0  }
0x95: {  	[sflag:s25] =	ssyncadd.s32 $0xFFFFEC00  }
0x96: {  	[spmem:s2] =	stream.indirect.scatter.add.f32 [tilespmem:s16], [sflag:$0x7], $0x40, s31, s12, $0xb8;
	[tilespmem:$0x15220] =	vst v63  }
0x97: {  	_ =	swait.ge [sflag:s11], $0x1400  }
0x98: {  	[sflag:s11] =	ssyncset.done $0x0  }
0x99: {  	[sflag:s11] =	ssyncadd.s32 $0xFFFFEC00  }
0x9a: {  	_ =	swait.ge [sflag:s26], $0x1400  }
0x9b: {  	[sflag:s26] =	ssyncset.done $0x0  }
0x9c: {  	[sflag:s26] =	ssyncadd.s32 $0xFFFFEC00  }
0x9d: {  	[spmem:s2] =	stream.indirect.scatter.add.f32 [tilespmem:s18], [sflag:$0x7], $0x40, s1, s12, $0xb8;
	[tilespmem:$0x15220] =	vst v63  }
0x9e: {  	_ =	swait.ge [sflag:s11], $0x1400  }
0x9f: {  	[sflag:s11] =	ssyncset.done $0x0  }
0xa0: {  	[sflag:s11] =	ssyncadd.s32 $0xFFFFEC00  }
0xa1: {  	_ =	swait.ge [sflag:s28], $0x1400  }
0xa2: {  	[sflag:s28] =	ssyncset.done $0x0  }
0xa3: {  	[sflag:s28] =	ssyncadd.s32 $0xFFFFEC00  }
0xa4: {  	[spmem:s2] =	stream.indirect.scatter.add.f32 [tilespmem:s20], [sflag:$0x7], $0x40, s0, s12, $0xb8;
	[tilespmem:$0x15220] =	vst v63  }
0xa5: {  	_ =	swait.ge [sflag:s11], $0x1400  }
0xa6: {  	s15 =	sadd.s32 $0x1, s15;
	[sflag:s11] =	ssyncset.done $0x0  }
0xa7: {  	p0 =	sne.s32 s15, s9;
	[sflag:s11] =	ssyncadd.s32 $0xFFFFEC00  }
.Ltmp3:
0xa8: {  	[bflag:$0x0] =	sbarrier.arrive $0xFFFF;
	(pc) =	sbr.rel @p0 .LBB2_1-.Ltmp3, $4  }
0xa9: {  	[hbm:s8], [sflag:s21] =	dma.local [spmem:s17], $0x1400  }
0xaa: {  	_ =	swait.ge [sflag:s11], $0x1400  }
0xab: {  	[sflag:s11] =	ssyncset.done $0x0  }
0xac: {  	[sflag:s11] =	ssyncadd.s32 $0xFFFFEC00  }
0xad: {  	_ =	sfence.sel $0x180000  }
0xae: {  	[bflag:$0x0] =	sbarrier.arrive $0xFFFF  }
0xaf: {  	_ =	strace $0x9000004D  }
0xb0: {  	s0 =	stileid.u32;
	[bflag:$0x2] =	sbarrier.arrive $0xFFFF  }
0xb1: {  	p0 =	sne.s32 s0, $0x0;
	s0 =	rddreg [dreg:$0x2]  }
0xb2: {  	s0 =	sadd.s32 @!p0 $0x100000, s0  }
0xb3: {  	[sflag:s0] =	ssyncadd.tile.s32 @!p0 $0x1;
	_ =	shalt  }
.Lfunc_end2:
_tile_overlayer_lowered:
.L_overlay_start_2:
0xb4: {  	(tag) =	ssettag $0x2  }
0xb5: {  	s0 =	rddreg [dreg:$0x0];
	s2 =	stileid.u32  }
0xb6: {  	s1 =	rddreg [dreg:$0x1];
	p0 =	sne.s32 s2, $0x0  }
0xb7: {  	s3 =	rddreg [dreg:$0x2];
	[bflag:$0x3] =	sbarrier.arrive $0xFFFF;
	s2 =	simm.s32 @!p0 $0x1C07  }
0xb8: {  	[timem:s3], [sflag:s2] =	dma.local @!p0 [hbm:s0], s1  }
0xb9: {  	s0 =	simm.s32 @!p0 $0x7  }
0xba: {  	_ =	swait.ge @!p0 [sflag:s0], s1  }
0xbb: {  	s1 =	ssub.s32 @!p0 $0x0, s1;
	[sflag:s0] =	ssyncset.done @!p0 $0x0  }
0xbc: {  	[sflag:s0] =	ssyncadd.s32 @!p0 s1  }
0xbd: {  	[bflag:$0x3] =	sbarrier.arrive $0xFFFF  }
0xbe: {  	_ =	shalt  }

// kernel: kernel.9.cloned.1.call-start
scs
__scs_entry_jumppad:
0x0: {  	(pc) =	sbr.rel $0x88, $3  }
0x1: {  	(tag) =	ssettag $0x0;
	lr =	simm.s32 $0x1  }
0x2: {  	[smem:$0x3F94] =	sst lr;
	_ =	strace $0xD0000000  }
0x3: {  	_ = 	snop  }
0x4: {  	_ = 	snop  }
0x5: {  	_ = 	snop  }
0x6: {  	_ = 	snop  }
0x7: {  	_ = 	snop  }
__scs_overlays_trampoline_lowered:
0x8: {  	[smem:$0x3FA3] =	sst s0  }
0x9: {  	[smem:$0x3FA4] =	sst s1  }
0xa: {  	[smem:$0x3FA5] =	sst s2  }
0xb: {  	[smem:$0x3FA6] =	sst s3  }
0xc: {  	[smem:$0x3FA7] =	sst s4  }
0xd: {  	[smem:$0x3FA8] =	sst s5  }
0xe: {  	[smem:$0x3FA9] =	sst s6  }
0xf: {  	[smem:$0x3FAA] =	sst s7  }
0x10: {  	[smem:$0x3FAB] =	sst s8  }
0x11: {  	[smem:$0x3FAC] =	sst s9;
	s0 =	simm.s32 @!p0 $0x0  }
0x12: {  	s1 =	sld [smem:$0x3F92];
	s0 =	simm.s32 @p0 $0x1  }
0x13: {  	[smem:$0x3FAD] =	sst s0;
	s0 =	simm.s32 @!p1 $0x0  }
0x14: {  	s2 =	sld [smem:$0x3F91];
	s0 =	simm.s32 @p1 $0x1  }
0x15: {  	[smem:$0x3FAE] =	sst s0;
	s0 =	simm.s32 @!p2 $0x0  }
0x16: {  	s3 =	sld [smem:$0x3FDB];
	s0 =	simm.s32 @p2 $0x1  }
0x17: {  	s4 =	simm.s32 $0x1BF5;
	[smem:$0x3FB0] =	sst s0  }
0x18: {  	s0 =	sld [smem:$0x3F93];
	_ =	swait.ge [sflag:s4], $0x0  }
0x19: {  	s7 =	sld [smem:$0x3F94]  }
0x1a: {  	s8 =	sadd.s32 $0xFFFFE003, lr  }
0x1b: {  	s9 =	sadd.s32 $0xFFFFFEF7, lr;
	s5 =	simm.s32 $0xFFFFFFFF;
	p2 =	slt.u32 s8, $0xFFFFF086  }
0x1c: {  	p1 =	slt.u32 s9, $0xF7A;
	s5 =	simm.s32 @!p2 $0x0  }
0x1d: {  	s5 =	simm.s32 @p1 $0x1;
	p0 =	seq.s32 s7, s2  }
0x1e: {  	s7 =	smul.u32 @!p0 $0xF7A, s2;
	p2 =	seq.s32 @!p0 s5, $0x0  }
0x1f: {  	s9 =	smul.u32 $0xF7A, s1;
	s8 =	simm.s32 @!p0 $0x1BF5;
	p2 =	por !p2, p0  }
0x20: {  	[sflag:s8] =	ssyncset.s32 @!p0 $0xFFFFF086;
	s6 =	sadd.s32 @!p0 s3, s7;
	s7 =	simm.s32 @!p0 $0x108  }
0x21: {  	s3 =	sadd.s32 s3, s9;
	s6 =	sadd.s32 @!p0 $0x88, s6;
	s7 =	simm.s32 @p2 $0x1082  }
0x22: {  	[simem:s7], [sflag:s8] =	dma.local @!p0 [hbm:s6], $0xF7A  }
0x23: {  	s9 =	sor.u32 $0xD0000000, s2;
	s6 =	simm.s32 $0x108;
	_ =	swait.ge @!p0 [sflag:s8], $0x0  }
0x24: {  	s3 =	sadd.s32 $0x88, s3;
	s6 =	simm.s32 @!p1 $0x1082;
	[sflag:s4] =	ssyncset.s32 $0xFFFFF086  }
0x25: {  	[simem:s6], [sflag:s4] =	dma.local [hbm:s3], $0xF7A  }
0x26: {  	[smem:$0x3F94] =	sst s1;
	(tag) =	ssettag s2;
	_ =	strace s9  }
0x27: {  	s1 =	sld [smem:$0x3FA4]  }
0x28: {  	s2 =	sld [smem:$0x3FA5]  }
0x29: {  	s4 =	sld [smem:$0x3FA7]  }
0x2a: {  	p0 =	seq.s32 s5, $0x0;
	s5 =	sld [smem:$0x3FA8]  }
0x2b: {  	s6 =	sld [smem:$0x3FA9]  }
0x2c: {  	s7 =	sld [smem:$0x3FAA]  }
0x2d: {  	s3 =	simm.s32 $0x108;
	s8 =	sld [smem:$0x3FAB]  }
0x2e: {  	s3 =	simm.s32 @!p0 $0x1082;
	s9 =	sld [smem:$0x3FAC]  }
0x2f: {  	lr =	sadd.s32 s0, s3;
	s0 =	sld [smem:$0x3FA3]  }
0x30: {  	s3 =	sld [smem:$0x3FA6]  }
0x31: {  	[smem:$0x3FAF] =	sst s10  }
0x32: {  	s10 =	sld [smem:$0x3FAD];
	_ =	sdelay $0x3  }
0x33: {  	p0 =	seq.s32 s10, $0x1;
	s10 =	sld [smem:$0x3FAF];
	_ =	sdelay $0x3  }
0x34: {  	[smem:$0x3FAF] =	sst s10  }
0x35: {  	s10 =	sld [smem:$0x3FAE];
	_ =	sdelay $0x3  }
0x36: {  	p1 =	seq.s32 s10, $0x1;
	s10 =	sld [smem:$0x3FAF];
	_ =	sdelay $0x3  }
0x37: {  	[smem:$0x3FAF] =	sst s10  }
0x38: {  	s10 =	sld [smem:$0x3FB0]  }
0x39: {  	_ = 	snop;
	(pc) =	sbr.ind lr, $3  }
0x3a: {  	_ = 	snop  }
0x3b: {  	_ = 	snop  }
0x3c: {  	p2 =	seq.s32 s10, $0x1;
	s10 =	sld [smem:$0x3FAF]  }
0x3d: {  	_ =	shalt  }
0x3e: {  	_ =	shalt  }
0x3f: {  	_ =	shalt  }
0x40: {  	_ =	shalt  }
0x41: {  	_ =	shalt  }
0x42: {  	_ =	shalt  }
0x43: {  	_ =	shalt  }
0x44: {  	_ =	shalt  }
0x45: {  	_ =	shalt  }
0x46: {  	_ =	shalt  }
0x47: {  	_ =	shalt  }
0x48: {  	_ =	shalt  }
0x49: {  	_ =	shalt  }
0x4a: {  	_ =	shalt  }
0x4b: {  	_ =	shalt  }
0x4c: {  	_ =	shalt  }
0x4d: {  	_ =	shalt  }
0x4e: {  	_ =	shalt  }
0x4f: {  	_ =	shalt  }
0x50: {  	_ =	shalt  }
0x51: {  	_ =	shalt  }
0x52: {  	_ =	shalt  }
0x53: {  	_ =	shalt  }
0x54: {  	_ =	shalt  }
0x55: {  	_ =	shalt  }
0x56: {  	_ =	shalt  }
0x57: {  	_ =	shalt  }
0x58: {  	_ =	shalt  }
0x59: {  	_ =	shalt  }
0x5a: {  	_ =	shalt  }
0x5b: {  	_ =	shalt  }
0x5c: {  	_ =	shalt  }
0x5d: {  	_ =	shalt  }
0x5e: {  	_ =	shalt  }
0x5f: {  	_ =	shalt  }
0x60: {  	_ =	shalt  }
0x61: {  	_ =	shalt  }
0x62: {  	_ =	shalt  }
0x63: {  	_ =	shalt  }
0x64: {  	_ =	shalt  }
0x65: {  	_ =	shalt  }
0x66: {  	_ =	shalt  }
0x67: {  	_ =	shalt  }
0x68: {  	_ =	shalt  }
0x69: {  	_ =	shalt  }
0x6a: {  	_ =	shalt  }
0x6b: {  	_ =	shalt  }
0x6c: {  	_ =	shalt  }
0x6d: {  	_ =	shalt  }
0x6e: {  	_ =	shalt  }
0x6f: {  	_ =	shalt  }
0x70: {  	_ =	shalt  }
0x71: {  	_ =	shalt  }
0x72: {  	_ =	shalt  }
0x73: {  	_ =	shalt  }
0x74: {  	_ =	shalt  }
0x75: {  	_ =	shalt  }
0x76: {  	_ =	shalt  }
0x77: {  	_ =	shalt  }
0x78: {  	_ =	shalt  }
0x79: {  	_ =	shalt  }
0x7a: {  	_ =	shalt  }
0x7b: {  	_ =	shalt  }
0x7c: {  	_ =	shalt  }
0x7d: {  	_ =	shalt  }
0x7e: {  	_ =	shalt  }
0x7f: {  	_ =	shalt  }
0x80: {  	_ =	shalt  }
0x81: {  	_ =	shalt  }
0x82: {  	_ =	shalt  }
0x83: {  	_ =	shalt  }
0x84: {  	_ =	shalt  }
0x85: {  	_ =	shalt  }
0x86: {  	_ =	shalt  }
0x87: {  	_ =	shalt  }
.Lfunc_end0:
.L_simem_size_0:
called_computation_lowered:
.L_overlay_start_0:
0x88: {  	s2 =	sld [smem:$0x3FD9]  }
0x89: {  	s3 =	sld [smem:$0x3FFE];
	_ =	sdelay $0x1  }
0x8a: {  	s1 =	srdreg.scid  }
0x8b: {  	s0 =	sand.u32 $0x1, s1  }
0x8c: {  	s17 =	sshll.u32 s0, $0xA;
	s2 =	sadd.s32 s3, s2  }
0x8d: {  	s2 =	sadd.s32 s2, s17  }
0x8e: {  	[smem:$0x3FBB] =	sst s2  }
0x8f: {  	_ = 	snop  }
0x90: {  	s2 =	sld [smem:$0x3FD0];
	(tm) =	ssettm $0x1  }
0x91: {  	s18 =	sld [smem:$0x3FFB];
	_ =	sdelay $0x3  }
0x92: {  	_ =	strace s18  }
0x93: {  	s3 =	sld [smem:$0x3FFC];
	_ =	sdelay $0x3  }
0x94: {  	_ =	strace s3  }
0x95: {  	s3 =	sld [smem:$0x3FFD];
	_ =	sdelay $0x3  }
0x96: {  	_ =	strace s3  }
0x97: {  	_ =	strace $0x8FFFFFFF  }
0x98: {  	s19 =	sld [smem:$0x3FDB];
	_ =	sdelay $0x1  }
0x99: {  	s4 =	simm.s32 $_scs_section_size  }
0x9a: {  	s5 =	simm.s32 $_size__tile_overlayer_lowered;
	s6 =	simm.s32 $_tile_overlayer_lowered  }
0x9b: {  	s22 =	simm.s32 $0x1BFF;
	s21 =	sshll.u32 s6, $0x1;
	s3 =	sadd.s32 s4, s19  }
0x9c: {  	s7 =	simm.s32 $0x0;
	s20 =	sshll.u32 s5, $0x1;
	s5 =	sadd.s32 s21, s3  }
0x9d: {  	[timem:s7], [sflag:s22] =	dma.local [hbm:s5], s20  }
0x9e: {  	_ =	swait.ge [sflag:s22], s20  }
0x9f: {  	s4 =	ssub.s32 $0x0, s20;
	[sflag:s22] =	ssyncset.done $0x0  }
0xa0: {  	[sflag:s22] =	ssyncadd.s32 s4;
	_ =	sdelay $0x1  }
0xa1: {  	s23 =	simm.s32 $0x1B8B  }
0xa2: {  	_ =	swait.ge [sflag:s23], $0x1  }
0xa3: {  	[sflag:s23] =	ssyncset.done $0x0  }
0xa4: {  	s25 =	simm.s32 $0x1B8E;
	s24 =	sld [smem:$0x3FFE];
	[sflag:s23] =	ssyncadd.s32 $0xFFFFFFFF  }
0xa5: {  	s26 =	simm.s32 $execute0_lowered;
	[smem:$0x3FD2] =	sst s25  }
0xa6: {  	s5 =	sshll.u32 s26, $0x1;
	_ =	strace $0x80000046;
	[dreg:$0x1] =	wrdreg $0xFFFFFFFF  }
0xa7: {  	s28 =	simm.s32 $_size_execute0_lowered;
	s3 =	sadd.s32 s3, s5;
	[dreg:$0x0] =	wrdreg $0x0  }
0xa8: {  	s5 =	sshll.u32 s28, $0x1;
	[dreg:$0x2] =	wrdreg s3  }
0xa9: {  	[dreg:$0x3] =	wrdreg s5  }
0xaa: {  	[dreg:$0x4] =	wrdreg $0xC0  }
0xab: {  	_ =	task [dreg:s7], $0x5FFFF  }
0xac: {  	[dreg:$0x1] =	wrdreg $0xFFFFFFFF  }
0xad: {  	[dreg:$0x0] =	wrdreg $0x60  }
0xae: {  	[dreg:$0x2] =	wrdreg s24  }
0xaf: {  	[dreg:$0x3] =	wrdreg s2  }
0xb0: {  	[dreg:$0x4] =	wrdreg $0x2C100  }
0xb1: {  	[dreg:$0x5] =	wrdreg $0x9  }
0xb2: {  	_ =	task.clear_ibuf [dreg:s7], $0x6FFFF;
	_ =	strace $0x90000046  }
0xb3: {  	s29 =	simm.s32 $0x9;
	_ =	strace $0x80000048  }
0xb4: {  	_ =	swait.ge [sflag:s29], $0x1  }
0xb5: {  	[sflag:s29] =	ssyncadd.s32 $0xFFFFFFFF  }
0xb6: {  	_ =	strace $0x90000048  }
0xb7: {  	_ =	sfence  }
0xb8: {  	s30 =	sld [smem:$0x0];
	_ =	sdelay $0x2  }
0xb9: {  	s31 =	sshll.u32 s1, $0xD;
	s1 =	sshrl.u32 s1, $0x2  }
0xba: {  	s3 =	sand.u32 $0x4000, s31;
	s1 =	sadd.s32 s1, s30  }
0xbb: {  	s0 =	sor.u32 s3, s0;
	s1 =	sshll.u32 s1, $0x11  }
0xbc: {  	s0 =	sor.u32 s1, s0  }
0xbd: {  	s0 =	sadd.s32 $0x8F2B, s0  }
0xbe: {  	[sflag:s0] =	ssyncadd.remote.s32 $0x1  }
0xbf: {  	_ =	sfence.sel $0xFFFF  }
0xc0: {  	[dreg:$0x0] =	wrdreg $0xFFFFFFFF;
	(pc) =	sbr.abs _section_cstart, $3  }
0xc1: {  	[dreg:$0x1] =	wrdreg $0xFFFFFFFF  }
0xc2: {  	_ =	task.clear_ibuf [dreg:s7], $0x2FFFF;
	_ =	strace $0x9FFFFFFF  }
0xc3: {  	(tm) =	ssettm $0x7FFFFFFF  }
tec
execute0_lowered:
.L_overlay_start_1:
0x0: {  	(tag) =	ssettag $0x1  }
0x1: {  	s5 =	rddreg [dreg:$0x0]  }
0x2: {  	s2 =	rddreg [dreg:$0x1]  }
0x3: {  	s0 =	srdreg.scid;
	s3 =	rddreg [dreg:$0x2]  }
0x4: {  	s1 =	rddreg [dreg:$0x3];
	s6 =	sand.u32 $0x1, s0  }
0x5: {  	s4 =	simm.s32 $0x0;
	s0 =	stileid.u32;
	s7 =	smul.u32 $0x27100, s6  }
0x6: {  	s14 =	simm.s32 $0x1;
	s15 =	simm.s32 $0x50;
	s8 =	smul.u32 $0x2710, s0  }
0x7: {  	s16 =	simm.s32 $0x2;
	s17 =	simm.s32 $0x5410;
	s9 =	smul.u32 $0x2800, s0  }
0x8: {  	s18 =	simm.s32 $0x7C10;
	s19 =	simm.s32 $0x0;
	s29 =	smul.u32 $0x280, s0  }
0x9: {  	[smem:$0x7FF] =	sst s4;
	s10 =	smul.u32 $0x2800, s6;
	s6 =	ssub.s32 $0x2, s6  }
0xa: {  	_ =	strace $0x80000047;
	s12 =	sshll.u32 s0, $0x6;
	s31 =	sshrl.u32 s6, $0x1  }
0xb: {  	s12 =	sor.u32 $0x1C03, s12;
	s7 =	sadd.s32 s8, s7;
	s30 =	sshrl.u32 s9, $0x3  }
0xc: {  	s8 =	sadd.s32 s29, s10;
	s10 =	ssub.s32 s6, s31;
	s7 =	sshrl.u32 s7, $0x3  }
0xd: {  	s8 =	sshrl.u32 s8, $0x3;
	s11 =	sadd.s32 s7, s5;
	s7 =	sadd.s32 s30, s5  }
0xe: {  	s8 =	sadd.s32 s8, s5;
	s5 =	sadd.s32 s9, s3;
	s6 =	sadd.s32 $0x16A00, s7  }
0xf: {  	v0 =	vlaneseq.u32;
	s7 =	sadd.s32 $0x1BA00, s8;
	s8 =	smax.u32 s10, $0x1;
	s9 =	sadd.s32 $0x2E00, s11  }
0x10: {  	v0 =	vmul.u32 $0x10, v0;
	s10 =	simm.s32 $0x2710;
	s11 =	simm.s32 $0x3;
	s13 =	sshrl.u32 s5, $0x3  }
.LBB2_1:
0x11: {  	s20 =	simm.s32 $0xA  }
0x12: {  	s23 =	sadd.s32 $0x0, s9;
	s21 =	simm.s32 $0x50;
	s22 =	simm.s32 $0x0  }
.LBB2_2:
0x13: {  	[tilespmem:s22], [sflag:$0x1] =	stream.linear.gather [hbm4b:s23+s4], $0x50, $0x38;
	[tilespmem:$0x7E90] =	vst v63  }
0x14: {  	s23 =	smov.u32 s20;
	s22 =	smov.u32 s21;
	p0 =	sne.s32 s20, $0x4D8  }
.Ltmp0:
0x15: {  	s20 =	sadd.s32 $0xA, s20;
	(pc) =	sbr.rel @p0 .LBB2_2-.Ltmp0, $2  }
0x16: {  	_ =	sdelay $0x2  }
0x17: {  	s21 =	sadd.s32 $0x50, s21;
	s23 =	sadd.s32 s23, s9  }
0x18: {  	[tilespmem:s22], [sflag:$0x1] =	stream.linear.gather [hbm4b:s23+s4], $0x50, $0x38;
	[tilespmem:$0x7E90] =	vst v63  }
0x19: {  	_ = 	snop  }
0x1a: {  	[tilespmem:s10], [sflag:$0x3] =	stream.linear.gather [hbm4b:s2+s4], $0x500, $0x38;
	[tilespmem:$0x7E90] =	vst v63  }
0x1b: {  	_ =	swait.ge [sflag:s11], $0x500  }
0x1c: {  	[sflag:s11] =	ssyncset.done $0x0  }
0x1d: {  	[sflag:s11] =	ssyncadd.s32 $0xFFFFFB00  }
0x1e: {  	[spmem:s13], [sflag:s12] =	dma.local [hbm:s6], $0x500  }
0x1f: {  	_ =	swait.ge [sflag:s11], $0x500  }
0x20: {  	[sflag:s11] =	ssyncset.done $0x0  }
0x21: {  	[sflag:s11] =	ssyncadd.s32 $0xFFFFFB00  }
0x22: {  	_ =	swait.ge [sflag:s14], $0x50  }
0x23: {  	s20 =	simm.s32 $0x7C;
	[sflag:s14] =	ssyncset.done $0x0  }
.LBB2_4:
0x24: {  	p0 =	sne.s32 s20, $0x1;
	s20 =	sadd.s32 $0xFFFFFFFF, s20;
	[sflag:s14] =	ssyncadd.s32 $0xFFFFFFB0  }
.Ltmp1:
0x25: {  	(pc) =	sbr.rel @p0 .LBB2_4-.Ltmp1, $3  }
0x26: {  	_ =	sdelay $0x1  }
0x27: {  	_ =	swait.ge [sflag:s14], $0x50  }
0x28: {  	[sflag:s14] =	ssyncset.done $0x0  }
0x29: {  	[sflag:s14] =	ssyncadd.s32 $0xFFFFFFB0  }
0x2a: {  	s20 =	simm.s32 $0x0;
	[bflag:$0x0] =	sbarrier.arrive $0xFFFF  }
.LBB2_6:
0x2b: {  	p0 =	sne.s32 s20, $0x9B00  }
.Ltmp2:
0x2c: {  	_ = 	snop;
	(pc) =	sbr.rel @p0 .LBB2_6-.Ltmp2, $3  }
0x2d: {  	_ =	sdelay $0x1  }
0x2e: {  	s21 =	sshra.s32 s20, $0x2;
	s20 =	sadd.s32 $0x140, s20  }
0x2f: {  	[spmem:s3] =	stream.indirect.scatter.add.f32 [tilespmem:s10], [sflag:$0x2], $0x10, s21, s15, $0xb8;
	[tilespmem:$0x7E90] =	vst v63  }
0x30: {  	_ =	swait.ge [sflag:s16], $0x500  }
0x31: {  	s20 =	simm.s32 $0x7C;
	[sflag:s16] =	ssyncset.done $0x0  }
.LBB2_8:
0x32: {  	p0 =	sne.s32 s20, $0x1;
	s20 =	sadd.s32 $0xFFFFFFFF, s20;
	[sflag:s16] =	ssyncadd.s32 $0xFFFFFB00  }
.Ltmp3:
0x33: {  	(pc) =	sbr.rel @p0 .LBB2_8-.Ltmp3, $3  }
0x34: {  	_ =	sdelay $0x1  }
0x35: {  	_ =	swait.ge [sflag:s16], $0x500  }
0x36: {  	[sflag:s16] =	ssyncset.done $0x0  }
0x37: {  	s20 =	simm.s32 $0x0  }
0x38: {  	v1 =	vmov s20  }
0x39: {  	[sflag:s16] =	ssyncadd.s32 $0xFFFFFB00;
	v1 =	vshll.u32 v1, $0x4  }
0x3a: {  	[bflag:$0x0] =	sbarrier.arrive $0xFFFF;
	v1 =	vor.u32 v0, v1  }
0x3b: {  	[tilespmem:s17], [sflag:$0x3] =	stream.linear.gather [spmem:s5], $0x2800, $0x38;
	[tilespmem:$0x7E90] =	vst v63  }
0x3c: {  	_ =	swait.ge [sflag:s11], $0x2800  }
0x3d: {  	s31 =	simm.s32 $0x10;
	[sflag:s11] =	ssyncset.done $0x0  }
0x3e: {  	v2 =	vmov s31;
	[sflag:s11] =	ssyncadd.s32 $0xFFFFD800  }
0x3f: {  	v2 =	vshll.u32 v2, $0x4;
	v1 =	vld.idx.msk [tilespmem:v1+s17+$0x0], $0xffff  }
0x40: {  	v3 =	vor.u32 v0, v2;
	_ =	sdelay $0x2  }
0x41: {  	s20 =	simm.s32 $0x7C10  }
0x42: {  	s21 =	simm.s32 $0x20;
	[tilespmem:s20+$0x0] =	vst v1  }
0x43: {  	v2 =	vmov s21;
	s21 =	simm.s32 $0x30;
	v1 =	vld.idx.msk [tilespmem:v3+s17+$0x0], $0xffff  }
.LBB2_10:
0x44: {  	p0 =	sne.s32 s21, $0x270;
	v2 =	vshll.u32 v2, $0x4  }
0x45: {  	v3 =	vor.u32 v0, v2  }
.Ltmp4:
0x46: {  	(pc) =	sbr.rel @p0 .LBB2_10-.Ltmp4, $4  }
0x47: {  	_ = 	snop  }
0x48: {  	s20 =	sadd.s32 $0x10, s20  }
0x49: {  	[tilespmem:s20+$0x0] =	vst v1  }
0x4a: {  	v2 =	vmov s21;
	s21 =	sadd.s32 $0x10, s21;
	v1 =	vld.idx.msk [tilespmem:v3+s17+$0x0], $0xffff  }
0x4b: {  	v2 =	vshll.u32 v2, $0x4  }
0x4c: {  	v2 =	vor.u32 v0, v2;
	_ =	sdelay $0x2  }
0x4d: {  	s20 =	sadd.s32 $0x10, s20  }
0x4e: {  	[tilespmem:s20+$0x0] =	vst v1  }
0x4f: {  	v1 =	vld.idx.msk [tilespmem:v2+s17+$0x0], $0xffff;
	_ =	sdelay $0x2  }
0x50: {  	s19 =	sadd.s32 $0x1, s19  }
0x51: {  	p0 =	sne.s32 s19, s8;
	s20 =	sadd.s32 $0x10, s20  }
.Ltmp5:
0x52: {  	[tilespmem:s20+$0x0] =	vst v1;
	(pc) =	sbr.rel @p0 .LBB2_1-.Ltmp5, $4  }
0x53: {  	[hbm4b:s7+s4] =	stream.linear.scatter [tilespmem:s18], [sflag:$0x3], $0x280, $0x38;
	[tilespmem:$0x7E90] =	vst v63  }
0x54: {  	_ =	swait.ge [sflag:s11], $0x280  }
0x55: {  	[sflag:s11] =	ssyncset.done $0x0  }
0x56: {  	[sflag:s11] =	ssyncadd.s32 $0xFFFFFD80  }
0x57: {  	_ =	sfence.sel $0x180000  }
0x58: {  	[bflag:$0x0] =	sbarrier.arrive $0xFFFF  }
0x59: {  	p0 =	sne.s32 s0, $0x0;
	_ =	strace $0x90000047  }
0x5a: {  	s0 =	sadd.s32 @!p0 $0x100000, s1;
	[bflag:$0x2] =	sbarrier.arrive $0xFFFF  }
0x5b: {  	[sflag:s0] =	ssyncadd.tile.s32 @!p0 $0x1;
	_ =	shalt  }
.Lfunc_end2:
_tile_overlayer_lowered:
.L_overlay_start_2:
0x5c: {  	(tag) =	ssettag $0x2  }
0x5d: {  	s0 =	rddreg [dreg:$0x0];
	s2 =	stileid.u32  }
0x5e: {  	s1 =	rddreg [dreg:$0x1];
	p0 =	sne.s32 s2, $0x0  }
0x5f: {  	s3 =	rddreg [dreg:$0x2];
	[bflag:$0x3] =	sbarrier.arrive $0xFFFF;
	s2 =	simm.s32 @!p0 $0x1C03  }
0x60: {  	[timem:s3], [sflag:s2] =	dma.local @!p0 [hbm:s0], s1  }
0x61: {  	s0 =	simm.s32 @!p0 $0x3  }
0x62: {  	_ =	swait.ge @!p0 [sflag:s0], s1  }
0x63: {  	s1 =	ssub.s32 @!p0 $0x0, s1;
	[sflag:s0] =	ssyncset.done @!p0 $0x0  }
0x64: {  	[sflag:s0] =	ssyncadd.s32 @!p0 s1  }
0x65: {  	[bflag:$0x3] =	sbarrier.arrive $0xFFFF  }
0x66: {  	_ =	shalt  }

</sc_bundles>
